<compile_context>
chip_gen: v7x
topology: tpu7x:2x2x1
jax: 0.10.2.dev20260603
libtpu: 0.0.44.dev20260713+nightly
codegen_flags: <defaults>
</compile_context>

<pallas_src>
import functools

import jax
import jax.numpy as jnp
from jax import lax
from jax.experimental import pallas as pl
from jax.experimental.pallas import tpu as pltpu
from jax.experimental.pallas import tpu_sc as plsc

NUM_GRAPHS = 64
_D = 128

_NC = 2
_NS = 16
_NW = _NC * _NS


def _make_edge_kernel(n_nodes, d, rows_pad, rp):
    rp0, rp1 = rp
    assert 16 * (rp0 + rp1) == rows_pad and rp0 % 8 == 0 and rp1 % 8 == 0
    units = n_nodes // 8
    assert n_nodes % 8 == 0
    upt = units // _NS
    urem = units % _NS
    rpt = upt * 8
    zr = max(z for z in range(8, 129, 8) if rpt % z == 0)
    nz = rpt // zr
    acc_rows = n_nodes + 16
    ch = 24

    mesh = plsc.VectorSubcoreMesh(core_axis_name="c", subcore_axis_name="s")

    @functools.partial(
        pl.kernel,
        mesh=mesh,
        out_type=jax.ShapeDtypeStruct((_NC, n_nodes, d), jnp.float32),
        scratch_types=[
            pltpu.VMEM((ch, 128), jnp.int32),
            pltpu.VMEM((ch, 128), jnp.int32),
            pltpu.VMEM((128, d), jnp.float32),
            pltpu.VMEM((128, d), jnp.float32),
            pltpu.VMEM_SHARED((acc_rows, d), jnp.float32),
            pltpu.SemaphoreType.DMA,
            pltpu.SemaphoreType.DMA,
        ],
    )
    def edge_kernel(m_hbm, src_hbm, dst_hbm, out_hbm,
                    srcv, dstv, rows0, rows1, acc, sem0, sem1):
        c = lax.axis_index("c")
        s = lax.axis_index("s")

        def zbody(i, _):
            r = i // (d // 16)
            k = (i % (d // 16)) * 16
            rows0[r, pl.ds(k, 16)] = jnp.zeros((16,), jnp.float32)
            return 0

        with jax.named_scope("ph1_zero"):
            lax.fori_loop(0, zr * (d // 16), zbody, 0)
            for j in range(nz):
                pltpu.sync_copy(rows0.at[pl.ds(0, zr)],
                                acc.at[pl.ds(s * rpt + j * zr, zr)])
            if urem:
                @pl.when(s < urem)
                def _zx():
                    pltpu.sync_copy(rows0.at[pl.ds(0, 8)],
                                    acc.at[pl.ds(_NS * rpt + s * 8, 8)])
            plsc.subcore_barrier()

        nrows = jnp.where(c == 0, rp0, rp1)
        row0 = jnp.where(c == 0, s * rp0, 16 * rp0 + s * rp1)

        def pair_body(cnt):
            def pair(p, _):
                j = 2 * p
                pltpu.async_copy(m_hbm.at[srcv.at[j + 1]], rows1, sem1)
                pltpu.make_async_copy(
                    m_hbm.at[srcv.at[j]], rows0, sem0).wait()
                pltpu.sync_copy(rows0, acc.at[dstv.at[j]], add=True)

                @pl.when(j + 2 < cnt)
                def _nxt():
                    pltpu.async_copy(m_hbm.at[srcv.at[j + 2]], rows0, sem0)

                pltpu.make_async_copy(
                    m_hbm.at[srcv.at[j + 1]], rows1, sem1).wait()
                pltpu.sync_copy(rows1, acc.at[dstv.at[j + 1]], add=True)
                return 0
            return pair

        def chunk_body(k, _):
            base = k * ch
            cnt = jnp.minimum(ch, nrows - base)
            pltpu.sync_copy(src_hbm.at[pl.ds(row0 + base, ch)], srcv)
            pltpu.sync_copy(dst_hbm.at[pl.ds(row0 + base, ch)], dstv)
            pltpu.async_copy(m_hbm.at[srcv.at[0]], rows0, sem0)
            lax.fori_loop(0, cnt // 2, pair_body(cnt), 0)
            return 0

        with jax.named_scope("ph2_edges"):
            lax.fori_loop(0, (nrows + ch - 1) // ch, chunk_body, 0)
            plsc.subcore_barrier()

        with jax.named_scope("ph3_dump"):
            pltpu.sync_copy(acc.at[pl.ds(s * rpt, rpt)],
                            out_hbm.at[c].at[pl.ds(s * rpt, rpt)])
            if urem:
                @pl.when(s < urem)
                def _dx():
                    o = _NS * rpt + s * 8
                    pltpu.sync_copy(acc.at[pl.ds(o, 8)],
                                    out_hbm.at[c].at[pl.ds(o, 8)])

    return edge_kernel


_CORE_SPLIT = (80, 80)


def _edge_agg(m, src2d, dst2d):
    n, d = m.shape
    rows_total = src2d.shape[0]
    unit = _NW * 8
    rows_pad = ((rows_total + unit - 1) // unit) * unit
    pad = rows_pad - rows_total + 24
    lane = jnp.arange(128, dtype=jnp.int32)
    src_pad = jnp.broadcast_to((lane * 79) % n, (pad, 128))
    dst_pad = jnp.broadcast_to(n + (lane % 16), (pad, 128))
    src2d = jnp.concatenate([src2d, src_pad], axis=0)
    dst2d = jnp.concatenate([dst2d, dst_pad], axis=0)
    return _make_edge_kernel(n, d, rows_pad, _CORE_SPLIT)(m, src2d, dst2d)


def _mm_body(x_ref, w_ref, o_ref):
    o_ref[:] = jnp.dot(x_ref[:], w_ref[:], preferred_element_type=jnp.float32)


def _matmul(x, w):
    n, d = x.shape
    r = 1000
    return pl.pallas_call(
        _mm_body,
        grid=(n // r,),
        in_specs=[pl.BlockSpec((r, d), lambda i: (i, 0)),
                  pl.BlockSpec((d, d), lambda i: (0, 0))],
        out_specs=pl.BlockSpec((r, d), lambda i: (i, 0)),
        out_shape=jax.ShapeDtypeStruct((n, d), jnp.float32),
    )(x, w)


def _gru_body(p0, p1, h, wih, whh, bih, bhh, hout):
    d = _D
    agg = p0[:] + p1[:]
    gi = jnp.dot(agg, wih[:], preferred_element_type=jnp.float32) + bih[:]
    gh = jnp.dot(h[:], whh[:], preferred_element_type=jnp.float32) + bhh[:]
    r = jax.nn.sigmoid(gi[:, :d] + gh[:, :d])
    z = jax.nn.sigmoid(gi[:, d:2 * d] + gh[:, d:2 * d])
    n = jnp.tanh(gi[:, 2 * d:] + r * gh[:, 2 * d:])
    hout[:] = (1.0 - z) * n + z * h[:]


def _gru_fused_body(p0, p1, h, wih, whh, bih, bhh, wl, hout, mout):
    d = _D
    agg = p0[:] + p1[:]
    gi = jnp.dot(agg, wih[:], preferred_element_type=jnp.float32) + bih[:]
    gh = jnp.dot(h[:], whh[:], preferred_element_type=jnp.float32) + bhh[:]
    r = jax.nn.sigmoid(gi[:, :d] + gh[:, :d])
    z = jax.nn.sigmoid(gi[:, d:2 * d] + gh[:, d:2 * d])
    n = jnp.tanh(gi[:, 2 * d:] + r * gh[:, 2 * d:])
    hn = (1.0 - z) * n + z * h[:]
    hout[:] = hn
    mout[:] = jnp.dot(hn, wl[:], preferred_element_type=jnp.float32)


def _gru(parts, h, wiht, whht, bih2, bhh2, wl_next=None):
    n, d = h.shape
    r = 1000
    p0, p1 = parts[0], parts[1]
    row = lambda i: (i, 0)
    full = lambda i: (0, 0)
    in_specs = [
        pl.BlockSpec((r, d), row),
        pl.BlockSpec((r, d), row),
        pl.BlockSpec((r, d), row),
        pl.BlockSpec((d, 3 * d), full),
        pl.BlockSpec((d, 3 * d), full),
        pl.BlockSpec((1, 3 * d), full),
        pl.BlockSpec((1, 3 * d), full),
    ]
    if wl_next is None:
        return pl.pallas_call(
            _gru_body,
            grid=(n // r,),
            in_specs=in_specs,
            out_specs=pl.BlockSpec((r, d), row),
            out_shape=jax.ShapeDtypeStruct((n, d), jnp.float32),
        )(p0, p1, h, wiht, whht, bih2, bhh2)
    return pl.pallas_call(
        _gru_fused_body,
        grid=(n // r,),
        in_specs=in_specs + [pl.BlockSpec((d, d), full)],
        out_specs=[pl.BlockSpec((r, d), row), pl.BlockSpec((r, d), row)],
        out_shape=[jax.ShapeDtypeStruct((n, d), jnp.float32),
                   jax.ShapeDtypeStruct((n, d), jnp.float32)],
    )(p0, p1, h, wiht, whht, bih2, bhh2, wl_next)


def _pool_body(h_ref, x_ref, b_ref, wg_ref, bg_ref, o_ref):
    d = _D
    g = NUM_GRAPHS
    n = h_ref.shape[0]
    h = h_ref[:]
    x = x_ref[:]
    wg = wg_ref[:]
    gate = (jnp.sum(h * wg[:, :d], axis=1, keepdims=True)
            + jnp.sum(x * wg[:, d:], axis=1, keepdims=True)
            + bg_ref[0, 0])
    seg = lax.broadcasted_iota(jnp.int32, (n, g), 1)
    mask = b_ref[:] == seg
    maskf = mask.astype(jnp.float32)
    gm = jnp.max(jnp.where(mask, gate, -1e30), axis=0, keepdims=True)
    gmax_n = jnp.sum(maskf * gm, axis=1, keepdims=True)
    e = jnp.exp(gate - gmax_n)
    den = jnp.sum(maskf * e, axis=0, keepdims=True)
    den_n = jnp.sum(maskf * den, axis=1, keepdims=True)
    a = e / (den_n + 1e-16)
    attn = maskf * a
    dn = (((0,), (0,)), ((), ()))
    o_ref[:, :d] = lax.dot_general(attn, h, dn,
                                   preferred_element_type=jnp.float32)
    o_ref[:, d:] = lax.dot_general(attn, x, dn,
                                   preferred_element_type=jnp.float32)


def _pool(h, x, batch2d, wg2d, bg2d):
    n, d = h.shape
    full = lambda: (0, 0)
    return pl.pallas_call(
        _pool_body,
        grid=(1,),
        in_specs=[
            pl.BlockSpec((n, d), lambda i: (0, 0)),
            pl.BlockSpec((n, d), lambda i: (0, 0)),
            pl.BlockSpec((n, 1), lambda i: (0, 0)),
            pl.BlockSpec((1, 2 * d), lambda i: (0, 0)),
            pl.BlockSpec((1, 1), lambda i: (0, 0)),
        ],
        out_specs=pl.BlockSpec((NUM_GRAPHS, 2 * d), lambda i: (0, 0)),
        out_shape=jax.ShapeDtypeStruct((NUM_GRAPHS, 2 * d), jnp.float32),
    )(h, x, batch2d, wg2d, bg2d)


def kernel(x, edge_index, batch, Wl, W_ih, W_hh, b_ih, b_hh, Wg, bg):
    n, d = x.shape
    num_layers = Wl.shape[0]

    src2d = edge_index[0].reshape(-1, 128)
    dst2d = edge_index[1].reshape(-1, 128)
    wiht = W_ih.T
    whht = W_hh.T
    bih2 = b_ih.reshape(1, -1)
    bhh2 = b_hh.reshape(1, -1)
    batch2d = batch.reshape(n, 1)
    wg2d = Wg.reshape(1, -1)
    bg2d = bg.reshape(1, 1)

    h = x
    m = _matmul(x, Wl[0])
    for i in range(num_layers):
        parts = _edge_agg(m, src2d, dst2d)
        if i + 1 < num_layers:
            h, m = _gru(parts, h, wiht, whht, bih2, bhh2, Wl[i + 1])
        else:
            h = _gru(parts, h, wiht, whht, bih2, bhh2)
    return _pool(h, x, batch2d, wg2d, bg2d)

# --- scband reference (transcript-rebuilt; emitter-appended) ---
"""Pipeline reference for scband-graph-level-ggnn-13529146982491 (READ-ONLY COPY).

The authoritative reference and input builder live on the scoring server;
editing this copy changes nothing except your own understanding.
"""

import jax, jax.numpy as jnp
import numpy as np

NUM_LAYERS = 2
NUM_GRAPHS = 64
N, D, E = 10000, 128, 320000


def setup_inputs(seed: int = 0) -> dict:
    key = jax.random.key(seed)
    ks = jax.random.split(key, 8)
    x = jax.random.normal(ks[0], (N, D), dtype=jnp.float32)
    edge_index = jax.random.randint(ks[1], (2, E), 0, N, dtype=jnp.int32)
    batch = jnp.sort(jax.random.randint(ks[2], (N,), 0, NUM_GRAPHS, dtype=jnp.int32))
    # GatedGraphConv per-layer propagation weights [num_layers, D, D]
    Wl = jax.random.normal(ks[3], (NUM_LAYERS, D, D), dtype=jnp.float32) * 0.05
    # GRUCell params (torch layout: rows ordered r, z, n)
    W_ih = jax.random.normal(ks[4], (3 * D, D), dtype=jnp.float32) * 0.05
    W_hh = jax.random.normal(ks[5], (3 * D, D), dtype=jnp.float32) * 0.05
    b_ih = jnp.zeros((3 * D,), dtype=jnp.float32)
    b_hh = jnp.zeros((3 * D,), dtype=jnp.float32)
    # gate_nn = Linear(2*D, 1) applied to concat([h_ggnn, x])
    Wg = jax.random.normal(ks[6], (2 * D, 1), dtype=jnp.float32) * 0.05
    bg = jnp.zeros((1,), dtype=jnp.float32)
    return {"x": x, "edge_index": edge_index, "batch": batch, "Wl": Wl,
            "W_ih": W_ih, "W_hh": W_hh, "b_ih": b_ih, "b_hh": b_hh,
            "Wg": Wg, "bg": bg}


def _gru_cell(m, h, W_ih, W_hh, b_ih, b_hh):
    gi = m @ W_ih.T + b_ih
    gh = h @ W_hh.T + b_hh
    i_r, i_z, i_n = jnp.split(gi, 3, axis=-1)
    h_r, h_z, h_n = jnp.split(gh, 3, axis=-1)
    r = jax.nn.sigmoid(i_r + h_r)
    z = jax.nn.sigmoid(i_z + h_z)
    n = jnp.tanh(i_n + r * h_n)
    return (1.0 - z) * n + z * h


def reference(x, edge_index, batch, Wl, W_ih, W_hh, b_ih, b_hh, Wg, bg):
    # F.pad with hidden_size=0 is identity; the padded tensor is then
    # overwritten by the GGNN output in the original code, so it is a no-op.
    src = edge_index[0]
    dst = edge_index[1]
    h = x  # in_channels == out_channels == D, no internal pad needed
    for i in range(NUM_LAYERS):
        m = h @ Wl[i]                                   # [N, D]
        msg = jnp.take(m, src, axis=0)                  # gather at source nodes
        agg = jnp.zeros_like(h).at[dst].add(msg)        # scatter-add at dst
        h = _gru_cell(agg, h, W_ih, W_hh, b_ih, b_hh)
    cat = jnp.concatenate([h, x], axis=-1)              # [N, 2D]
    gate = cat @ Wg + bg                                # [N, 1]
    gmax = jax.ops.segment_max(gate, batch, num_segments=NUM_GRAPHS)
    gate = gate - jnp.take(gmax, batch, axis=0)
    e = jnp.exp(gate)
    denom = jax.ops.segment_sum(e, batch, num_segments=NUM_GRAPHS)
    a = e / (jnp.take(denom, batch, axis=0) + 1e-16)
    out = jax.ops.segment_sum(a * cat, batch, num_segments=NUM_GRAPHS)
    return out  # [NUM_GRAPHS, 2D]

if __name__ == "__main__":
    import jax
    _d = setup_inputs()
    print(jax.jit(kernel)(*tuple(_d.values())))

</pallas_src>

<mosaic_0001>
#map = affine_map<(d0, d1) -> (0, 0)>
#map1 = affine_map<(d0, d1) -> (0, 0, 0)>
module attributes {stable_mosaic.version = 14 : i64} {
  func.func @edge_kernel(%arg0: i32, %arg1: i32, %arg2: memref<10000x128xf32, #tpu.memory_space<hbm>>, %arg3: memref<2584x128xi32, #tpu.memory_space<hbm>>, %arg4: memref<2584x128xi32, #tpu.memory_space<hbm>>, %arg5: memref<2x10000x128xf32, #tpu.memory_space<hbm>>, %arg6: memref<24x128xi32, #tpu.memory_space<vmem>>, %arg7: memref<24x128xi32, #tpu.memory_space<vmem>>, %arg8: memref<128x128xf32, #tpu.memory_space<vmem>>, %arg9: memref<128x128xf32, #tpu.memory_space<vmem>>, %arg10: memref<10016x128xf32, #tpu.memory_space<vmem_shared>>, %arg11: memref<!tpu.dma_semaphore, #tpu.memory_space<semaphore_mem>>, %arg12: memref<!tpu.dma_semaphore, #tpu.memory_space<semaphore_mem>>) attributes {dimension_semantics = [#tpu.dimension_semantics<core_parallel>, #tpu.dimension_semantics<subcore_parallel>], iteration_bounds = array<i64: 2, 16>, scalar_prefetch = 0 : i64, scratch_operands = 7 : i64, tpu.core_type = #tpu.core_type<sc_vector_subcore>, window_params = [{transform_indices = #map}, {transform_indices = #map}, {transform_indices = #map}, {transform_indices = #map1}]} {
    "tpu.trace_start"() <{level = 10 : i32, message = "ph1_zero"}> : () -> ()
    %scan3A = arith.constant 0 : i32
    %scan3A_0 = arith.constant 0 : i32
    %scan3A_1 = arith.constant 832 : i32
    %scan3A_2 = arith.addi %scan3A_0, %scan3A_1 : i32
    %scan3A_3 = arith.constant 1 : i32
    %scan3A_4 = scf.for %scan3A_84 = %scan3A_0 to %scan3A_2 step %scan3A_3 iter_args(%scan3A_85 = %scan3A) -> (i32)  : i32 {
      %jit3A_86 = arith.constant 8 : i32
      %div3A_87 = arith.divsi %scan3A_84, %jit3A_86 : i32
      %sign3A_88 = arith.constant 0 : i32
      %sign3A_89 = arith.cmpi sgt, %scan3A_84, %sign3A_88 : i32
      %sign3A_90 = arith.extui %sign3A_89 : i1 to i32
      %sign3A_91 = arith.constant 0 : i32
      %sign3A_92 = arith.cmpi slt, %scan3A_84, %sign3A_91 : i32
      %sign3A_93 = arith.extui %sign3A_92 : i1 to i32
      %sign3A_94 = arith.subi %sign3A_90, %sign3A_93 : i32
      %sign3A_95 = arith.constant 0 : i32
      %sign3A_96 = arith.cmpi sgt, %jit3A_86, %sign3A_95 : i32
      %sign3A_97 = arith.extui %sign3A_96 : i1 to i32
      %sign3A_98 = arith.constant 0 : i32
      %sign3A_99 = arith.cmpi slt, %jit3A_86, %sign3A_98 : i32
      %sign3A_100 = arith.extui %sign3A_99 : i1 to i32
      %sign3A_101 = arith.subi %sign3A_97, %sign3A_100 : i32
      %ne3A_102 = arith.cmpi ne, %sign3A_94, %sign3A_101 : i32
      %rem3A_103 = arith.remsi %scan3A_84, %jit3A_86 : i32
      %ne3A_104 = arith.constant 0 : i32
      %ne3A_105 = arith.cmpi ne, %rem3A_103, %ne3A_104 : i32
      %and3A_106 = arith.andi %ne3A_102, %ne3A_105 : i1
      %sub3A_107 = arith.constant 1 : i32
      %sub3A_108 = arith.subi %div3A_87, %sub3A_107 : i32
      %select_n3A_109 = arith.select %and3A_106, %sub3A_108, %div3A_87 : i32
      %jit3A_110 = arith.constant 8 : i32
      %eq3A_111 = arith.constant 0 : i32
      %eq3A_112 = arith.cmpi eq, %jit3A_110, %eq3A_111 : i32
      %jit3A_113 = arith.constant 1 : i32
      %select_n3A_114 = arith.select %eq3A_112, %jit3A_113, %jit3A_110 : i32
      %rem3A_115 = arith.remsi %scan3A_84, %select_n3A_114 : i32
      %ne3A_116 = arith.constant 0 : i32
      %ne3A_117 = arith.cmpi ne, %rem3A_115, %ne3A_116 : i32
      %lt3A_118 = arith.constant 0 : i32
      %lt3A_119 = arith.cmpi slt, %rem3A_115, %lt3A_118 : i32
      %lt3A_120 = arith.constant 0 : i32
      %lt3A_121 = arith.cmpi slt, %select_n3A_114, %lt3A_120 : i32
      %ne3A_122 = arith.xori %lt3A_119, %lt3A_121 : i1
      %and3A_123 = arith.andi %ne3A_122, %ne3A_117 : i1
      %add3A_124 = arith.addi %rem3A_115, %select_n3A_114 : i32
      %select_n3A_125 = arith.select %and3A_123, %add3A_124, %rem3A_115 : i32
      %mul3A_126 = arith.constant 16 : i32
      %mul3A_127 = arith.muli %select_n3A_125, %mul3A_126 : i32
      %broadcast_in_dim3A = arith.constant 0.000000e+00 : f32
      %broadcast_in_dim3A_128 = vector.broadcast %broadcast_in_dim3A : f32 to vector<16xf32>
      %swap3A = arith.index_cast %select_n3A_109 : i32 to index
      %swap3A_129 = arith.index_cast %mul3A_127 : i32 to index
      %swap3A_130 = tpu.vector_load %arg8[%swap3A, %swap3A_129] {strides = array<i32>} : memref<128x128xf32, #tpu.memory_space<vmem>>, vector<1x16xf32>,
      %swap3A_131 = vector.shape_cast %swap3A_130 : vector<1x16xf32> to vector<16xf32>
      %swap3A_132 = vector.shape_cast %broadcast_in_dim3A_128 : vector<16xf32> to vector<1x16xf32>
      tpu.vector_store %arg8[%swap3A, %swap3A_129], %swap3A_132 {strides = array<i32>} : memref<128x128xf32, #tpu.memory_space<vmem>>, vector<1x16xf32>,
      %scan3A_133 = arith.constant 0 : i32
      scf.yield %scan3A_133 : i32
    }
    %scan3A_5 = arith.constant 832 : i32
    %mul3A = arith.constant 624 : i32
    %mul3A_6 = arith.muli %arg1, %mul3A : i32
    %add3A = arith.constant 0 : i32
    %add3A_7 = arith.addi %mul3A_6, %add3A : i32
    "tpu.region"() ({
      %run_scoped3A = tpu.sem_alloc : memref<!tpu.dma_semaphore, #tpu.memory_space<semaphore_mem>>
      %dma_start3A = arith.constant 0 : i32
      %dma_start3A_84 = arith.constant 0 : i32
      %dma_start3A_85 = tpu.memref_slice %arg8[%dma_start3A, %dma_start3A_84] : memref<128x128xf32, #tpu.memory_space<vmem>> -> memref<104x128xf32, #tpu.memory_space<vmem>>
      %dma_start3A_86 = arith.constant 0 : i32
      %dma_start3A_87 = tpu.memref_slice %arg10[%add3A_7, %dma_start3A_86] : memref<10016x128xf32, #tpu.memory_space<vmem_shared>> -> memref<104x128xf32, #tpu.memory_space<vmem_shared>>
      %dma_start3A_88 = arith.constant 0 : i32
      %dma_start3A_89 = tpu.memref_slice %arg10[%add3A_7, %dma_start3A_88] : memref<10016x128xf32, #tpu.memory_space<vmem_shared>> -> memref<104x128xf32, #tpu.memory_space<vmem_shared>>
      %dma_start3A_90 = arith.constant 0 : i32
      %dma_start3A_91 = arith.constant 0 : i32
      %dma_start3A_92 = tpu.memref_slice %arg8[%dma_start3A_90, %dma_start3A_91] : memref<128x128xf32, #tpu.memory_space<vmem>> -> memref<104x128xf32, #tpu.memory_space<vmem>>
      tpu.enqueue_dma source(%dma_start3A_92 : memref<104x128xf32, #tpu.memory_space<vmem>>) target(%dma_start3A_89 : memref<104x128xf32, #tpu.memory_space<vmem_shared>>) target_semaphore(%run_scoped3A : memref<!tpu.dma_semaphore, #tpu.memory_space<semaphore_mem>>)
      %dma_wait3A = arith.constant 0 : i32
      %dma_wait3A_93 = arith.constant 0 : i32
      %dma_wait3A_94 = tpu.memref_slice %arg8[%dma_wait3A, %dma_wait3A_93] : memref<128x128xf32, #tpu.memory_space<vmem>> -> memref<104x128xf32, #tpu.memory_space<vmem>>
      %dma_wait3A_95 = arith.constant 0 : i32
      %dma_wait3A_96 = tpu.memref_slice %arg10[%add3A_7, %dma_wait3A_95] : memref<10016x128xf32, #tpu.memory_space<vmem_shared>> -> memref<104x128xf32, #tpu.memory_space<vmem_shared>>
      %dma_wait3A_97 = arith.constant 0 : i32
      %dma_wait3A_98 = tpu.memref_slice %arg10[%add3A_7, %dma_wait3A_97] : memref<10016x128xf32, #tpu.memory_space<vmem_shared>> -> memref<104x128xf32, #tpu.memory_space<vmem_shared>>
      %dma_wait3A_99 = arith.constant 0 : i32
      %dma_wait3A_100 = arith.constant 0 : i32
      %dma_wait3A_101 = tpu.memref_slice %arg8[%dma_wait3A_99, %dma_wait3A_100] : memref<128x128xf32, #tpu.memory_space<vmem>> -> memref<104x128xf32, #tpu.memory_space<vmem>>
      tpu.wait_dma2 semaphore(%run_scoped3A : memref<!tpu.dma_semaphore, #tpu.memory_space<semaphore_mem>>) src(%dma_wait3A_101 : memref<104x128xf32, #tpu.memory_space<vmem>>) dst(%dma_wait3A_98 : memref<104x128xf32, #tpu.memory_space<vmem_shared>>)
      tpu.yield
    }) : () -> ()
    %mul3A_8 = arith.constant 624 : i32
    %mul3A_9 = arith.muli %arg1, %mul3A_8 : i32
    %add3A_10 = arith.constant 104 : i32
    %add3A_11 = arith.addi %mul3A_9, %add3A_10 : i32
    "tpu.region"() ({
      %run_scoped3A = tpu.sem_alloc : memref<!tpu.dma_semaphore, #tpu.memory_space<semaphore_mem>>
      %dma_start3A = arith.constant 0 : i32
      %dma_start3A_84 = arith.constant 0 : i32
      %dma_start3A_85 = tpu.memref_slice %arg8[%dma_start3A, %dma_start3A_84] : memref<128x128xf32, #tpu.memory_space<vmem>> -> memref<104x128xf32, #tpu.memory_space<vmem>>
      %dma_start3A_86 = arith.constant 0 : i32
      %dma_start3A_87 = tpu.memref_slice %arg10[%add3A_11, %dma_start3A_86] : memref<10016x128xf32, #tpu.memory_space<vmem_shared>> -> memref<104x128xf32, #tpu.memory_space<vmem_shared>>
      %dma_start3A_88 = arith.constant 0 : i32
      %dma_start3A_89 = tpu.memref_slice %arg10[%add3A_11, %dma_start3A_88] : memref<10016x128xf32, #tpu.memory_space<vmem_shared>> -> memref<104x128xf32, #tpu.memory_space<vmem_shared>>
      %dma_start3A_90 = arith.constant 0 : i32
      %dma_start3A_91 = arith.constant 0 : i32
      %dma_start3A_92 = tpu.memref_slice %arg8[%dma_start3A_90, %dma_start3A_91] : memref<128x128xf32, #tpu.memory_space<vmem>> -> memref<104x128xf32, #tpu.memory_space<vmem>>
      tpu.enqueue_dma source(%dma_start3A_92 : memref<104x128xf32, #tpu.memory_space<vmem>>) target(%dma_start3A_89 : memref<104x128xf32, #tpu.memory_space<vmem_shared>>) target_semaphore(%run_scoped3A : memref<!tpu.dma_semaphore, #tpu.memory_space<semaphore_mem>>)
      %dma_wait3A = arith.constant 0 : i32
      %dma_wait3A_93 = arith.constant 0 : i32
      %dma_wait3A_94 = tpu.memref_slice %arg8[%dma_wait3A, %dma_wait3A_93] : memref<128x128xf32, #tpu.memory_space<vmem>> -> memref<104x128xf32, #tpu.memory_space<vmem>>
      %dma_wait3A_95 = arith.constant 0 : i32
      %dma_wait3A_96 = tpu.memref_slice %arg10[%add3A_11, %dma_wait3A_95] : memref<10016x128xf32, #tpu.memory_space<vmem_shared>> -> memref<104x128xf32, #tpu.memory_space<vmem_shared>>
      %dma_wait3A_97 = arith.constant 0 : i32
      %dma_wait3A_98 = tpu.memref_slice %arg10[%add3A_11, %dma_wait3A_97] : memref<10016x128xf32, #tpu.memory_space<vmem_shared>> -> memref<104x128xf32, #tpu.memory_space<vmem_shared>>
      %dma_wait3A_99 = arith.constant 0 : i32
      %dma_wait3A_100 = arith.constant 0 : i32
      %dma_wait3A_101 = tpu.memref_slice %arg8[%dma_wait3A_99, %dma_wait3A_100] : memref<128x128xf32, #tpu.memory_space<vmem>> -> memref<104x128xf32, #tpu.memory_space<vmem>>
      tpu.wait_dma2 semaphore(%run_scoped3A : memref<!tpu.dma_semaphore, #tpu.memory_space<semaphore_mem>>) src(%dma_wait3A_101 : memref<104x128xf32, #tpu.memory_space<vmem>>) dst(%dma_wait3A_98 : memref<104x128xf32, #tpu.memory_space<vmem_shared>>)
      tpu.yield
    }) : () -> ()
    %mul3A_12 = arith.constant 624 : i32
    %mul3A_13 = arith.muli %arg1, %mul3A_12 : i32
    %add3A_14 = arith.constant 208 : i32
    %add3A_15 = arith.addi %mul3A_13, %add3A_14 : i32
    "tpu.region"() ({
      %run_scoped3A = tpu.sem_alloc : memref<!tpu.dma_semaphore, #tpu.memory_space<semaphore_mem>>
      %dma_start3A = arith.constant 0 : i32
      %dma_start3A_84 = arith.constant 0 : i32
      %dma_start3A_85 = tpu.memref_slice %arg8[%dma_start3A, %dma_start3A_84] : memref<128x128xf32, #tpu.memory_space<vmem>> -> memref<104x128xf32, #tpu.memory_space<vmem>>
      %dma_start3A_86 = arith.constant 0 : i32
      %dma_start3A_87 = tpu.memref_slice %arg10[%add3A_15, %dma_start3A_86] : memref<10016x128xf32, #tpu.memory_space<vmem_shared>> -> memref<104x128xf32, #tpu.memory_space<vmem_shared>>
      %dma_start3A_88 = arith.constant 0 : i32
      %dma_start3A_89 = tpu.memref_slice %arg10[%add3A_15, %dma_start3A_88] : memref<10016x128xf32, #tpu.memory_space<vmem_shared>> -> memref<104x128xf32, #tpu.memory_space<vmem_shared>>
      %dma_start3A_90 = arith.constant 0 : i32
      %dma_start3A_91 = arith.constant 0 : i32
      %dma_start3A_92 = tpu.memref_slice %arg8[%dma_start3A_90, %dma_start3A_91] : memref<128x128xf32, #tpu.memory_space<vmem>> -> memref<104x128xf32, #tpu.memory_space<vmem>>
      tpu.enqueue_dma source(%dma_start3A_92 : memref<104x128xf32, #tpu.memory_space<vmem>>) target(%dma_start3A_89 : memref<104x128xf32, #tpu.memory_space<vmem_shared>>) target_semaphore(%run_scoped3A : memref<!tpu.dma_semaphore, #tpu.memory_space<semaphore_mem>>)
      %dma_wait3A = arith.constant 0 : i32
      %dma_wait3A_93 = arith.constant 0 : i32
      %dma_wait3A_94 = tpu.memref_slice %arg8[%dma_wait3A, %dma_wait3A_93] : memref<128x128xf32, #tpu.memory_space<vmem>> -> memref<104x128xf32, #tpu.memory_space<vmem>>
      %dma_wait3A_95 = arith.constant 0 : i32
      %dma_wait3A_96 = tpu.memref_slice %arg10[%add3A_15, %dma_wait3A_95] : memref<10016x128xf32, #tpu.memory_space<vmem_shared>> -> memref<104x128xf32, #tpu.memory_space<vmem_shared>>
      %dma_wait3A_97 = arith.constant 0 : i32
      %dma_wait3A_98 = tpu.memref_slice %arg10[%add3A_15, %dma_wait3A_97] : memref<10016x128xf32, #tpu.memory_space<vmem_shared>> -> memref<104x128xf32, #tpu.memory_space<vmem_shared>>
      %dma_wait3A_99 = arith.constant 0 : i32
      %dma_wait3A_100 = arith.constant 0 : i32
      %dma_wait3A_101 = tpu.memref_slice %arg8[%dma_wait3A_99, %dma_wait3A_100] : memref<128x128xf32, #tpu.memory_space<vmem>> -> memref<104x128xf32, #tpu.memory_space<vmem>>
      tpu.wait_dma2 semaphore(%run_scoped3A : memref<!tpu.dma_semaphore, #tpu.memory_space<semaphore_mem>>) src(%dma_wait3A_101 : memref<104x128xf32, #tpu.memory_space<vmem>>) dst(%dma_wait3A_98 : memref<104x128xf32, #tpu.memory_space<vmem_shared>>)
      tpu.yield
    }) : () -> ()
    %mul3A_16 = arith.constant 624 : i32
    %mul3A_17 = arith.muli %arg1, %mul3A_16 : i32
    %add3A_18 = arith.constant 312 : i32
    %add3A_19 = arith.addi %mul3A_17, %add3A_18 : i32
    "tpu.region"() ({
      %run_scoped3A = tpu.sem_alloc : memref<!tpu.dma_semaphore, #tpu.memory_space<semaphore_mem>>
      %dma_start3A = arith.constant 0 : i32
      %dma_start3A_84 = arith.constant 0 : i32
      %dma_start3A_85 = tpu.memref_slice %arg8[%dma_start3A, %dma_start3A_84] : memref<128x128xf32, #tpu.memory_space<vmem>> -> memref<104x128xf32, #tpu.memory_space<vmem>>
      %dma_start3A_86 = arith.constant 0 : i32
      %dma_start3A_87 = tpu.memref_slice %arg10[%add3A_19, %dma_start3A_86] : memref<10016x128xf32, #tpu.memory_space<vmem_shared>> -> memref<104x128xf32, #tpu.memory_space<vmem_shared>>
      %dma_start3A_88 = arith.constant 0 : i32
      %dma_start3A_89 = tpu.memref_slice %arg10[%add3A_19, %dma_start3A_88] : memref<10016x128xf32, #tpu.memory_space<vmem_shared>> -> memref<104x128xf32, #tpu.memory_space<vmem_shared>>
      %dma_start3A_90 = arith.constant 0 : i32
      %dma_start3A_91 = arith.constant 0 : i32
      %dma_start3A_92 = tpu.memref_slice %arg8[%dma_start3A_90, %dma_start3A_91] : memref<128x128xf32, #tpu.memory_space<vmem>> -> memref<104x128xf32, #tpu.memory_space<vmem>>
      tpu.enqueue_dma source(%dma_start3A_92 : memref<104x128xf32, #tpu.memory_space<vmem>>) target(%dma_start3A_89 : memref<104x128xf32, #tpu.memory_space<vmem_shared>>) target_semaphore(%run_scoped3A : memref<!tpu.dma_semaphore, #tpu.memory_space<semaphore_mem>>)
      %dma_wait3A = arith.constant 0 : i32
      %dma_wait3A_93 = arith.constant 0 : i32
      %dma_wait3A_94 = tpu.memref_slice %arg8[%dma_wait3A, %dma_wait3A_93] : memref<128x128xf32, #tpu.memory_space<vmem>> -> memref<104x128xf32, #tpu.memory_space<vmem>>
      %dma_wait3A_95 = arith.constant 0 : i32
      %dma_wait3A_96 = tpu.memref_slice %arg10[%add3A_19, %dma_wait3A_95] : memref<10016x128xf32, #tpu.memory_space<vmem_shared>> -> memref<104x128xf32, #tpu.memory_space<vmem_shared>>
      %dma_wait3A_97 = arith.constant 0 : i32
      %dma_wait3A_98 = tpu.memref_slice %arg10[%add3A_19, %dma_wait3A_97] : memref<10016x128xf32, #tpu.memory_space<vmem_shared>> -> memref<104x128xf32, #tpu.memory_space<vmem_shared>>
      %dma_wait3A_99 = arith.constant 0 : i32
      %dma_wait3A_100 = arith.constant 0 : i32
      %dma_wait3A_101 = tpu.memref_slice %arg8[%dma_wait3A_99, %dma_wait3A_100] : memref<128x128xf32, #tpu.memory_space<vmem>> -> memref<104x128xf32, #tpu.memory_space<vmem>>
      tpu.wait_dma2 semaphore(%run_scoped3A : memref<!tpu.dma_semaphore, #tpu.memory_space<semaphore_mem>>) src(%dma_wait3A_101 : memref<104x128xf32, #tpu.memory_space<vmem>>) dst(%dma_wait3A_98 : memref<104x128xf32, #tpu.memory_space<vmem_shared>>)
      tpu.yield
    }) : () -> ()
    %mul3A_20 = arith.constant 624 : i32
    %mul3A_21 = arith.muli %arg1, %mul3A_20 : i32
    %add3A_22 = arith.constant 416 : i32
    %add3A_23 = arith.addi %mul3A_21, %add3A_22 : i32
    "tpu.region"() ({
      %run_scoped3A = tpu.sem_alloc : memref<!tpu.dma_semaphore, #tpu.memory_space<semaphore_mem>>
      %dma_start3A = arith.constant 0 : i32
      %dma_start3A_84 = arith.constant 0 : i32
      %dma_start3A_85 = tpu.memref_slice %arg8[%dma_start3A, %dma_start3A_84] : memref<128x128xf32, #tpu.memory_space<vmem>> -> memref<104x128xf32, #tpu.memory_space<vmem>>
      %dma_start3A_86 = arith.constant 0 : i32
      %dma_start3A_87 = tpu.memref_slice %arg10[%add3A_23, %dma_start3A_86] : memref<10016x128xf32, #tpu.memory_space<vmem_shared>> -> memref<104x128xf32, #tpu.memory_space<vmem_shared>>
      %dma_start3A_88 = arith.constant 0 : i32
      %dma_start3A_89 = tpu.memref_slice %arg10[%add3A_23, %dma_start3A_88] : memref<10016x128xf32, #tpu.memory_space<vmem_shared>> -> memref<104x128xf32, #tpu.memory_space<vmem_shared>>
      %dma_start3A_90 = arith.constant 0 : i32
      %dma_start3A_91 = arith.constant 0 : i32
      %dma_start3A_92 = tpu.memref_slice %arg8[%dma_start3A_90, %dma_start3A_91] : memref<128x128xf32, #tpu.memory_space<vmem>> -> memref<104x128xf32, #tpu.memory_space<vmem>>
      tpu.enqueue_dma source(%dma_start3A_92 : memref<104x128xf32, #tpu.memory_space<vmem>>) target(%dma_start3A_89 : memref<104x128xf32, #tpu.memory_space<vmem_shared>>) target_semaphore(%run_scoped3A : memref<!tpu.dma_semaphore, #tpu.memory_space<semaphore_mem>>)
      %dma_wait3A = arith.constant 0 : i32
      %dma_wait3A_93 = arith.constant 0 : i32
      %dma_wait3A_94 = tpu.memref_slice %arg8[%dma_wait3A, %dma_wait3A_93] : memref<128x128xf32, #tpu.memory_space<vmem>> -> memref<104x128xf32, #tpu.memory_space<vmem>>
      %dma_wait3A_95 = arith.constant 0 : i32
      %dma_wait3A_96 = tpu.memref_slice %arg10[%add3A_23, %dma_wait3A_95] : memref<10016x128xf32, #tpu.memory_space<vmem_shared>> -> memref<104x128xf32, #tpu.memory_space<vmem_shared>>
      %dma_wait3A_97 = arith.constant 0 : i32
      %dma_wait3A_98 = tpu.memref_slice %arg10[%add3A_23, %dma_wait3A_97] : memref<10016x128xf32, #tpu.memory_space<vmem_shared>> -> memref<104x128xf32, #tpu.memory_space<vmem_shared>>
      %dma_wait3A_99 = arith.constant 0 : i32
      %dma_wait3A_100 = arith.constant 0 : i32
      %dma_wait3A_101 = tpu.memref_slice %arg8[%dma_wait3A_99, %dma_wait3A_100] : memref<128x128xf32, #tpu.memory_space<vmem>> -> memref<104x128xf32, #tpu.memory_space<vmem>>
      tpu.wait_dma2 semaphore(%run_scoped3A : memref<!tpu.dma_semaphore, #tpu.memory_space<semaphore_mem>>) src(%dma_wait3A_101 : memref<104x128xf32, #tpu.memory_space<vmem>>) dst(%dma_wait3A_98 : memref<104x128xf32, #tpu.memory_space<vmem_shared>>)
      tpu.yield
    }) : () -> ()
    %mul3A_24 = arith.constant 624 : i32
    %mul3A_25 = arith.muli %arg1, %mul3A_24 : i32
    %add3A_26 = arith.constant 520 : i32
    %add3A_27 = arith.addi %mul3A_25, %add3A_26 : i32
    "tpu.region"() ({
      %run_scoped3A = tpu.sem_alloc : memref<!tpu.dma_semaphore, #tpu.memory_space<semaphore_mem>>
      %dma_start3A = arith.constant 0 : i32
      %dma_start3A_84 = arith.constant 0 : i32
      %dma_start3A_85 = tpu.memref_slice %arg8[%dma_start3A, %dma_start3A_84] : memref<128x128xf32, #tpu.memory_space<vmem>> -> memref<104x128xf32, #tpu.memory_space<vmem>>
      %dma_start3A_86 = arith.constant 0 : i32
      %dma_start3A_87 = tpu.memref_slice %arg10[%add3A_27, %dma_start3A_86] : memref<10016x128xf32, #tpu.memory_space<vmem_shared>> -> memref<104x128xf32, #tpu.memory_space<vmem_shared>>
      %dma_start3A_88 = arith.constant 0 : i32
      %dma_start3A_89 = tpu.memref_slice %arg10[%add3A_27, %dma_start3A_88] : memref<10016x128xf32, #tpu.memory_space<vmem_shared>> -> memref<104x128xf32, #tpu.memory_space<vmem_shared>>
      %dma_start3A_90 = arith.constant 0 : i32
      %dma_start3A_91 = arith.constant 0 : i32
      %dma_start3A_92 = tpu.memref_slice %arg8[%dma_start3A_90, %dma_start3A_91] : memref<128x128xf32, #tpu.memory_space<vmem>> -> memref<104x128xf32, #tpu.memory_space<vmem>>
      tpu.enqueue_dma source(%dma_start3A_92 : memref<104x128xf32, #tpu.memory_space<vmem>>) target(%dma_start3A_89 : memref<104x128xf32, #tpu.memory_space<vmem_shared>>) target_semaphore(%run_scoped3A : memref<!tpu.dma_semaphore, #tpu.memory_space<semaphore_mem>>)
      %dma_wait3A = arith.constant 0 : i32
      %dma_wait3A_93 = arith.constant 0 : i32
      %dma_wait3A_94 = tpu.memref_slice %arg8[%dma_wait3A, %dma_wait3A_93] : memref<128x128xf32, #tpu.memory_space<vmem>> -> memref<104x128xf32, #tpu.memory_space<vmem>>
      %dma_wait3A_95 = arith.constant 0 : i32
      %dma_wait3A_96 = tpu.memref_slice %arg10[%add3A_27, %dma_wait3A_95] : memref<10016x128xf32, #tpu.memory_space<vmem_shared>> -> memref<104x128xf32, #tpu.memory_space<vmem_shared>>
      %dma_wait3A_97 = arith.constant 0 : i32
      %dma_wait3A_98 = tpu.memref_slice %arg10[%add3A_27, %dma_wait3A_97] : memref<10016x128xf32, #tpu.memory_space<vmem_shared>> -> memref<104x128xf32, #tpu.memory_space<vmem_shared>>
      %dma_wait3A_99 = arith.constant 0 : i32
      %dma_wait3A_100 = arith.constant 0 : i32
      %dma_wait3A_101 = tpu.memref_slice %arg8[%dma_wait3A_99, %dma_wait3A_100] : memref<128x128xf32, #tpu.memory_space<vmem>> -> memref<104x128xf32, #tpu.memory_space<vmem>>
      tpu.wait_dma2 semaphore(%run_scoped3A : memref<!tpu.dma_semaphore, #tpu.memory_space<semaphore_mem>>) src(%dma_wait3A_101 : memref<104x128xf32, #tpu.memory_space<vmem>>) dst(%dma_wait3A_98 : memref<104x128xf32, #tpu.memory_space<vmem_shared>>)
      tpu.yield
    }) : () -> ()
    %lt3A = arith.constant 2 : i32
    %lt3A_28 = arith.cmpi slt, %arg1, %lt3A : i32
    %convert_element_type3A = arith.extui %lt3A_28 : i1 to i32
    %cond3A = arith.constant 0 : i32
    %cond3A_29 = arith.cmpi ne, %convert_element_type3A, %cond3A : i32
    scf.if %cond3A_29 {
      %mul3A_84 = arith.constant 8 : i32
      %mul3A_85 = arith.muli %arg1, %mul3A_84 : i32
      %add3A_86 = arith.constant 9984 : i32
      %add3A_87 = arith.addi %add3A_86, %mul3A_85 : i32
      "tpu.region"() ({
        %run_scoped3A = tpu.sem_alloc : memref<!tpu.dma_semaphore, #tpu.memory_space<semaphore_mem>>
        %dma_start3A = arith.constant 0 : i32
        %dma_start3A_88 = arith.constant 0 : i32
        %dma_start3A_89 = tpu.memref_slice %arg8[%dma_start3A, %dma_start3A_88] : memref<128x128xf32, #tpu.memory_space<vmem>> -> memref<8x128xf32, #tpu.memory_space<vmem>>
        %dma_start3A_90 = arith.constant 0 : i32
        %dma_start3A_91 = tpu.memref_slice %arg10[%add3A_87, %dma_start3A_90] : memref<10016x128xf32, #tpu.memory_space<vmem_shared>> -> memref<8x128xf32, #tpu.memory_space<vmem_shared>>
        %dma_start3A_92 = arith.constant 0 : i32
        %dma_start3A_93 = tpu.memref_slice %arg10[%add3A_87, %dma_start3A_92] : memref<10016x128xf32, #tpu.memory_space<vmem_shared>> -> memref<8x128xf32, #tpu.memory_space<vmem_shared>>
        %dma_start3A_94 = arith.constant 0 : i32
        %dma_start3A_95 = arith.constant 0 : i32
        %dma_start3A_96 = tpu.memref_slice %arg8[%dma_start3A_94, %dma_start3A_95] : memref<128x128xf32, #tpu.memory_space<vmem>> -> memref<8x128xf32, #tpu.memory_space<vmem>>
        tpu.enqueue_dma source(%dma_start3A_96 : memref<8x128xf32, #tpu.memory_space<vmem>>) target(%dma_start3A_93 : memref<8x128xf32, #tpu.memory_space<vmem_shared>>) target_semaphore(%run_scoped3A : memref<!tpu.dma_semaphore, #tpu.memory_space<semaphore_mem>>)
        %dma_wait3A = arith.constant 0 : i32
        %dma_wait3A_97 = arith.constant 0 : i32
        %dma_wait3A_98 = tpu.memref_slice %arg8[%dma_wait3A, %dma_wait3A_97] : memref<128x128xf32, #tpu.memory_space<vmem>> -> memref<8x128xf32, #tpu.memory_space<vmem>>
        %dma_wait3A_99 = arith.constant 0 : i32
        %dma_wait3A_100 = tpu.memref_slice %arg10[%add3A_87, %dma_wait3A_99] : memref<10016x128xf32, #tpu.memory_space<vmem_shared>> -> memref<8x128xf32, #tpu.memory_space<vmem_shared>>
        %dma_wait3A_101 = arith.constant 0 : i32
        %dma_wait3A_102 = tpu.memref_slice %arg10[%add3A_87, %dma_wait3A_101] : memref<10016x128xf32, #tpu.memory_space<vmem_shared>> -> memref<8x128xf32, #tpu.memory_space<vmem_shared>>
        %dma_wait3A_103 = arith.constant 0 : i32
        %dma_wait3A_104 = arith.constant 0 : i32
        %dma_wait3A_105 = tpu.memref_slice %arg8[%dma_wait3A_103, %dma_wait3A_104] : memref<128x128xf32, #tpu.memory_space<vmem>> -> memref<8x128xf32, #tpu.memory_space<vmem>>
        tpu.wait_dma2 semaphore(%run_scoped3A : memref<!tpu.dma_semaphore, #tpu.memory_space<semaphore_mem>>) src(%dma_wait3A_105 : memref<8x128xf32, #tpu.memory_space<vmem>>) dst(%dma_wait3A_102 : memref<8x128xf32, #tpu.memory_space<vmem_shared>>)
        tpu.yield
      }) : () -> ()
    } else {
    }
    %barrier3A = arith.constant 0 : index
    tpu.barrier barrier_id(%barrier3A)
    %eq3A = arith.constant 0 : i32
    "tpu.trace_stop"() : () -> ()
    %eq3A_30 = arith.cmpi eq, %arg0, %eq3A : i32
    %jit3A = arith.constant 80 : i32
    %jit3A_31 = arith.constant 80 : i32
    %select_n3A = arith.select %eq3A_30, %jit3A, %jit3A_31 : i32
    %eq3A_32 = arith.constant 0 : i32
    %eq3A_33 = arith.cmpi eq, %arg0, %eq3A_32 : i32
    %mul3A_34 = arith.constant 80 : i32
    %mul3A_35 = arith.muli %arg1, %mul3A_34 : i32
    %mul3A_36 = arith.constant 80 : i32
    %mul3A_37 = arith.muli %arg1, %mul3A_36 : i32
    %add3A_38 = arith.constant 1280 : i32
    %add3A_39 = arith.addi %add3A_38, %mul3A_37 : i32
    %select_n3A_40 = arith.select %eq3A_33, %mul3A_35, %add3A_39 : i32
    "tpu.trace_start"() <{level = 10 : i32, message = "ph2_edges"}> : () -> ()
    %add3A_41 = arith.constant 24 : i32
    %add3A_42 = arith.addi %select_n3A, %add3A_41 : i32
    %sub3A = arith.constant 1 : i32
    %sub3A_43 = arith.subi %add3A_42, %sub3A : i32
    %jit3A_44 = arith.constant 24 : i32
    %div3A = arith.divsi %sub3A_43, %jit3A_44 : i32
    %sign3A = arith.constant 0 : i32
    %sign3A_45 = arith.cmpi sgt, %sub3A_43, %sign3A : i32
    %sign3A_46 = arith.extui %sign3A_45 : i1 to i32
    %sign3A_47 = arith.constant 0 : i32
    %sign3A_48 = arith.cmpi slt, %sub3A_43, %sign3A_47 : i32
    %sign3A_49 = arith.extui %sign3A_48 : i1 to i32
    %sign3A_50 = arith.subi %sign3A_46, %sign3A_49 : i32
    %sign3A_51 = arith.constant 0 : i32
    %sign3A_52 = arith.cmpi sgt, %jit3A_44, %sign3A_51 : i32
    %sign3A_53 = arith.extui %sign3A_52 : i1 to i32
    %sign3A_54 = arith.constant 0 : i32
    %sign3A_55 = arith.cmpi slt, %jit3A_44, %sign3A_54 : i32
    %sign3A_56 = arith.extui %sign3A_55 : i1 to i32
    %sign3A_57 = arith.subi %sign3A_53, %sign3A_56 : i32
    %ne3A = arith.cmpi ne, %sign3A_50, %sign3A_57 : i32
    %rem3A = arith.remsi %sub3A_43, %jit3A_44 : i32
    %ne3A_58 = arith.constant 0 : i32
    %ne3A_59 = arith.cmpi ne, %rem3A, %ne3A_58 : i32
    %and3A = arith.andi %ne3A, %ne3A_59 : i1
    %sub3A_60 = arith.constant 1 : i32
    %sub3A_61 = arith.subi %div3A, %sub3A_60 : i32
    %select_n3A_62 = arith.select %and3A, %sub3A_61, %div3A : i32
    %while3A = arith.constant 0 : i32
    %while3A_63 = arith.constant 0 : i32
    %while3A_64 = arith.subi %select_n3A_62, %while3A : i32
    %while3A_65 = arith.addi %while3A, %while3A_64 : i32
    %while3A_66 = arith.constant 1 : i32
    %while3A_67 = arith.divsi %while3A_64, %while3A_66 : i32
    %while3A_68 = arith.muli %while3A_67, %while3A_66 : i32
    %while3A_69 = arith.addi %while3A, %while3A_68 : i32
    %while3A_70 = arith.constant 1 : i32
    %while3A_71 = scf.for %while3A_84 = %while3A to %while3A_69 step %while3A_70 iter_args(%while3A_85 = %while3A_63) -> (i32)  : i32 {
      %mul3A_86 = arith.constant 24 : i32
      %mul3A_87 = arith.muli %while3A_84, %mul3A_86 : i32
      %sub3A_88 = arith.subi %select_n3A, %mul3A_87 : i32
      %min3A = arith.constant 24 : i32
      %min3A_89 = arith.minsi %min3A, %sub3A_88 : i32
      %add3A_90 = arith.addi %select_n3A_40, %mul3A_87 : i32
      "tpu.region"() ({
        %run_scoped3A = tpu.sem_alloc : memref<!tpu.dma_semaphore, #tpu.memory_space<semaphore_mem>>
        %dma_start3A_135 = arith.constant 0 : i32
        %dma_start3A_136 = tpu.memref_slice %arg3[%add3A_90, %dma_start3A_135] : memref<2584x128xi32, #tpu.memory_space<hbm>> -> memref<24x128xi32, #tpu.memory_space<hbm>>
        %dma_start3A_137 = arith.constant 0 : i32
        %dma_start3A_138 = tpu.memref_slice %arg3[%add3A_90, %dma_start3A_137] : memref<2584x128xi32, #tpu.memory_space<hbm>> -> memref<24x128xi32, #tpu.memory_space<hbm>>
        tpu.enqueue_dma source(%dma_start3A_138 : memref<24x128xi32, #tpu.memory_space<hbm>>) target(%arg6 : memref<24x128xi32, #tpu.memory_space<vmem>>) target_semaphore(%run_scoped3A : memref<!tpu.dma_semaphore, #tpu.memory_space<semaphore_mem>>)
        %dma_wait3A = arith.constant 0 : i32
        %dma_wait3A_139 = tpu.memref_slice %arg3[%add3A_90, %dma_wait3A] : memref<2584x128xi32, #tpu.memory_space<hbm>> -> memref<24x128xi32, #tpu.memory_space<hbm>>
        %dma_wait3A_140 = arith.constant 0 : i32
        %dma_wait3A_141 = tpu.memref_slice %arg3[%add3A_90, %dma_wait3A_140] : memref<2584x128xi32, #tpu.memory_space<hbm>> -> memref<24x128xi32, #tpu.memory_space<hbm>>
        tpu.wait_dma2 semaphore(%run_scoped3A : memref<!tpu.dma_semaphore, #tpu.memory_space<semaphore_mem>>) src(%dma_wait3A_141 : memref<24x128xi32, #tpu.memory_space<hbm>>) dst(%arg6 : memref<24x128xi32, #tpu.memory_space<vmem>>)
        tpu.yield
      }) : () -> ()
      %add3A_91 = arith.addi %select_n3A_40, %mul3A_87 : i32
      "tpu.region"() ({
        %run_scoped3A = tpu.sem_alloc : memref<!tpu.dma_semaphore, #tpu.memory_space<semaphore_mem>>
        %dma_start3A_135 = arith.constant 0 : i32
        %dma_start3A_136 = tpu.memref_slice %arg4[%add3A_91, %dma_start3A_135] : memref<2584x128xi32, #tpu.memory_space<hbm>> -> memref<24x128xi32, #tpu.memory_space<hbm>>
        %dma_start3A_137 = arith.constant 0 : i32
        %dma_start3A_138 = tpu.memref_slice %arg4[%add3A_91, %dma_start3A_137] : memref<2584x128xi32, #tpu.memory_space<hbm>> -> memref<24x128xi32, #tpu.memory_space<hbm>>
        tpu.enqueue_dma source(%dma_start3A_138 : memref<24x128xi32, #tpu.memory_space<hbm>>) target(%arg7 : memref<24x128xi32, #tpu.memory_space<vmem>>) target_semaphore(%run_scoped3A : memref<!tpu.dma_semaphore, #tpu.memory_space<semaphore_mem>>)
        %dma_wait3A = arith.constant 0 : i32
        %dma_wait3A_139 = tpu.memref_slice %arg4[%add3A_91, %dma_wait3A] : memref<2584x128xi32, #tpu.memory_space<hbm>> -> memref<24x128xi32, #tpu.memory_space<hbm>>
        %dma_wait3A_140 = arith.constant 0 : i32
        %dma_wait3A_141 = tpu.memref_slice %arg4[%add3A_91, %dma_wait3A_140] : memref<2584x128xi32, #tpu.memory_space<hbm>> -> memref<24x128xi32, #tpu.memory_space<hbm>>
        tpu.wait_dma2 semaphore(%run_scoped3A : memref<!tpu.dma_semaphore, #tpu.memory_space<semaphore_mem>>) src(%dma_wait3A_141 : memref<24x128xi32, #tpu.memory_space<hbm>>) dst(%arg7 : memref<24x128xi32, #tpu.memory_space<vmem>>)
        tpu.yield
      }) : () -> ()
      %dma_start3A = arith.constant 0 : i32
      %dma_start3A_92 = arith.constant 0 : i32
      %dma_start3A_93 = tpu.memref_slice %arg6[%dma_start3A, %dma_start3A_92] : memref<24x128xi32, #tpu.memory_space<vmem>> -> memref<1x128xi32, #tpu.memory_space<vmem>>
      %dma_start3A_94 = tpu.memref_squeeze %dma_start3A_93 : memref<1x128xi32, #tpu.memory_space<vmem>> -> memref<128xi32, #tpu.memory_space<vmem>>
      %dma_start3A_95 = arith.constant 0 : i32
      %dma_start3A_96 = arith.constant 0 : i32
      %dma_start3A_97 = tpu.memref_slice %arg2[%dma_start3A_95, %dma_start3A_96] : memref<10000x128xf32, #tpu.memory_space<hbm>> -> memref<10000x128xf32, #tpu.memory_space<hbm>>
      tpu.enqueue_indirect_dma source(%dma_start3A_97 : memref<10000x128xf32, #tpu.memory_space<hbm>>) target(%arg8 : memref<128x128xf32, #tpu.memory_space<vmem>>) offsets(%dma_start3A_94 : memref<128xi32, #tpu.memory_space<vmem>>) semaphore(%arg11 : memref<!tpu.dma_semaphore, #tpu.memory_space<semaphore_mem>>)
      %jit3A_98 = arith.constant 2 : i32
      %div3A_99 = arith.divsi %min3A_89, %jit3A_98 : i32
      %sign3A_100 = arith.constant 0 : i32
      %sign3A_101 = arith.cmpi sgt, %min3A_89, %sign3A_100 : i32
      %sign3A_102 = arith.extui %sign3A_101 : i1 to i32
      %sign3A_103 = arith.constant 0 : i32
      %sign3A_104 = arith.cmpi slt, %min3A_89, %sign3A_103 : i32
      %sign3A_105 = arith.extui %sign3A_104 : i1 to i32
      %sign3A_106 = arith.subi %sign3A_102, %sign3A_105 : i32
      %sign3A_107 = arith.constant 0 : i32
      %sign3A_108 = arith.cmpi sgt, %jit3A_98, %sign3A_107 : i32
      %sign3A_109 = arith.extui %sign3A_108 : i1 to i32
      %sign3A_110 = arith.constant 0 : i32
      %sign3A_111 = arith.cmpi slt, %jit3A_98, %sign3A_110 : i32
      %sign3A_112 = arith.extui %sign3A_111 : i1 to i32
      %sign3A_113 = arith.subi %sign3A_109, %sign3A_112 : i32
      %ne3A_114 = arith.cmpi ne, %sign3A_106, %sign3A_113 : i32
      %rem3A_115 = arith.remsi %min3A_89, %jit3A_98 : i32
      %ne3A_116 = arith.constant 0 : i32
      %ne3A_117 = arith.cmpi ne, %rem3A_115, %ne3A_116 : i32
      %and3A_118 = arith.andi %ne3A_114, %ne3A_117 : i1
      %sub3A_119 = arith.constant 1 : i32
      %sub3A_120 = arith.subi %div3A_99, %sub3A_119 : i32
      %select_n3A_121 = arith.select %and3A_118, %sub3A_120, %div3A_99 : i32
      %while3A_122 = arith.constant 0 : i32
      %while3A_123 = arith.constant 0 : i32
      %while3A_124 = arith.subi %select_n3A_121, %while3A_122 : i32
      %while3A_125 = arith.addi %while3A_122, %while3A_124 : i32
      %while3A_126 = arith.constant 1 : i32
      %while3A_127 = arith.divsi %while3A_124, %while3A_126 : i32
      %while3A_128 = arith.muli %while3A_127, %while3A_126 : i32
      %while3A_129 = arith.addi %while3A_122, %while3A_128 : i32
      %while3A_130 = arith.constant 1 : i32
      %while3A_131 = scf.for %while3A_135 = %while3A_122 to %while3A_129 step %while3A_130 iter_args(%while3A_136 = %while3A_123) -> (i32)  : i32 {
        %mul3A_137 = arith.constant 2 : i32
        %mul3A_138 = arith.muli %mul3A_137, %while3A_135 : i32
        %add3A_139 = arith.constant 1 : i32
        %add3A_140 = arith.addi %mul3A_138, %add3A_139 : i32
        %dma_start3A_141 = arith.constant 0 : i32
        %dma_start3A_142 = tpu.memref_slice %arg6[%add3A_140, %dma_start3A_141] : memref<24x128xi32, #tpu.memory_space<vmem>> -> memref<1x128xi32, #tpu.memory_space<vmem>>
        %dma_start3A_143 = tpu.memref_squeeze %dma_start3A_142 : memref<1x128xi32, #tpu.memory_space<vmem>> -> memref<128xi32, #tpu.memory_space<vmem>>
        %dma_start3A_144 = arith.constant 0 : i32
        %dma_start3A_145 = arith.constant 0 : i32
        %dma_start3A_146 = tpu.memref_slice %arg2[%dma_start3A_144, %dma_start3A_145] : memref<10000x128xf32, #tpu.memory_space<hbm>> -> memref<10000x128xf32, #tpu.memory_space<hbm>>
        tpu.enqueue_indirect_dma source(%dma_start3A_146 : memref<10000x128xf32, #tpu.memory_space<hbm>>) target(%arg9 : memref<128x128xf32, #tpu.memory_space<vmem>>) offsets(%dma_start3A_143 : memref<128xi32, #tpu.memory_space<vmem>>) semaphore(%arg12 : memref<!tpu.dma_semaphore, #tpu.memory_space<semaphore_mem>>)
        %dma_wait3A = arith.constant 0 : i32
        %dma_wait3A_147 = tpu.memref_slice %arg6[%mul3A_138, %dma_wait3A] : memref<24x128xi32, #tpu.memory_space<vmem>> -> memref<1x128xi32, #tpu.memory_space<vmem>>
        %dma_wait3A_148 = tpu.memref_squeeze %dma_wait3A_147 : memref<1x128xi32, #tpu.memory_space<vmem>> -> memref<128xi32, #tpu.memory_space<vmem>>
        %dma_wait3A_149 = arith.constant 0 : i32
        %dma_wait3A_150 = arith.constant 0 : i32
        %dma_wait3A_151 = tpu.memref_slice %arg2[%dma_wait3A_149, %dma_wait3A_150] : memref<10000x128xf32, #tpu.memory_space<hbm>> -> memref<10000x128xf32, #tpu.memory_space<hbm>>
        tpu.wait_indirect_dma semaphore(%arg11 : memref<!tpu.dma_semaphore, #tpu.memory_space<semaphore_mem>>) src(%dma_wait3A_151 : memref<10000x128xf32, #tpu.memory_space<hbm>>) dst(%arg8 : memref<128x128xf32, #tpu.memory_space<vmem>>)
        "tpu.region"() ({
          %run_scoped3A = tpu.sem_alloc : memref<!tpu.dma_semaphore, #tpu.memory_space<semaphore_mem>>
          %dma_start3A_169 = arith.constant 0 : i32
          %dma_start3A_170 = tpu.memref_slice %arg7[%mul3A_138, %dma_start3A_169] : memref<24x128xi32, #tpu.memory_space<vmem>> -> memref<1x128xi32, #tpu.memory_space<vmem>>
          %dma_start3A_171 = tpu.memref_squeeze %dma_start3A_170 : memref<1x128xi32, #tpu.memory_space<vmem>> -> memref<128xi32, #tpu.memory_space<vmem>>
          %dma_start3A_172 = arith.constant 0 : i32
          %dma_start3A_173 = arith.constant 0 : i32
          %dma_start3A_174 = tpu.memref_slice %arg10[%dma_start3A_172, %dma_start3A_173] : memref<10016x128xf32, #tpu.memory_space<vmem_shared>> -> memref<10016x128xf32, #tpu.memory_space<vmem_shared>>
          tpu.enqueue_indirect_dma source(%arg8 : memref<128x128xf32, #tpu.memory_space<vmem>>) target(%dma_start3A_174 : memref<10016x128xf32, #tpu.memory_space<vmem_shared>>) offsets(%dma_start3A_171 : memref<128xi32, #tpu.memory_space<vmem>>) semaphore(%run_scoped3A : memref<!tpu.dma_semaphore, #tpu.memory_space<semaphore_mem>>) {add = true}
          %dma_wait3A_175 = arith.constant 0 : i32
          %dma_wait3A_176 = tpu.memref_slice %arg7[%mul3A_138, %dma_wait3A_175] : memref<24x128xi32, #tpu.memory_space<vmem>> -> memref<1x128xi32, #tpu.memory_space<vmem>>
          %dma_wait3A_177 = tpu.memref_squeeze %dma_wait3A_176 : memref<1x128xi32, #tpu.memory_space<vmem>> -> memref<128xi32, #tpu.memory_space<vmem>>
          %dma_wait3A_178 = arith.constant 0 : i32
          %dma_wait3A_179 = arith.constant 0 : i32
          %dma_wait3A_180 = tpu.memref_slice %arg10[%dma_wait3A_178, %dma_wait3A_179] : memref<10016x128xf32, #tpu.memory_space<vmem_shared>> -> memref<10016x128xf32, #tpu.memory_space<vmem_shared>>
          tpu.wait_indirect_dma semaphore(%run_scoped3A : memref<!tpu.dma_semaphore, #tpu.memory_space<semaphore_mem>>) src(%arg8 : memref<128x128xf32, #tpu.memory_space<vmem>>) dst(%dma_wait3A_180 : memref<10016x128xf32, #tpu.memory_space<vmem_shared>>)
          tpu.yield
        }) : () -> ()
        %add3A_152 = arith.constant 2 : i32
        %add3A_153 = arith.addi %mul3A_138, %add3A_152 : i32
        %lt3A_154 = arith.cmpi slt, %add3A_153, %min3A_89 : i32
        %convert_element_type3A_155 = arith.extui %lt3A_154 : i1 to i32
        %cond3A_156 = arith.constant 0 : i32
        %cond3A_157 = arith.cmpi ne, %convert_element_type3A_155, %cond3A_156 : i32
        scf.if %cond3A_157 {
          %add3A_169 = arith.constant 2 : i32
          %add3A_170 = arith.addi %mul3A_138, %add3A_169 : i32
          %dma_start3A_171 = arith.constant 0 : i32
          %dma_start3A_172 = tpu.memref_slice %arg6[%add3A_170, %dma_start3A_171] : memref<24x128xi32, #tpu.memory_space<vmem>> -> memref<1x128xi32, #tpu.memory_space<vmem>>
          %dma_start3A_173 = tpu.memref_squeeze %dma_start3A_172 : memref<1x128xi32, #tpu.memory_space<vmem>> -> memref<128xi32, #tpu.memory_space<vmem>>
          %dma_start3A_174 = arith.constant 0 : i32
          %dma_start3A_175 = arith.constant 0 : i32
          %dma_start3A_176 = tpu.memref_slice %arg2[%dma_start3A_174, %dma_start3A_175] : memref<10000x128xf32, #tpu.memory_space<hbm>> -> memref<10000x128xf32, #tpu.memory_space<hbm>>
          tpu.enqueue_indirect_dma source(%dma_start3A_176 : memref<10000x128xf32, #tpu.memory_space<hbm>>) target(%arg8 : memref<128x128xf32, #tpu.memory_space<vmem>>) offsets(%dma_start3A_173 : memref<128xi32, #tpu.memory_space<vmem>>) semaphore(%arg11 : memref<!tpu.dma_semaphore, #tpu.memory_space<semaphore_mem>>)
        } else {
        }
        %add3A_158 = arith.constant 1 : i32
        %add3A_159 = arith.addi %mul3A_138, %add3A_158 : i32
        %dma_wait3A_160 = arith.constant 0 : i32
        %dma_wait3A_161 = tpu.memref_slice %arg6[%add3A_159, %dma_wait3A_160] : memref<24x128xi32, #tpu.memory_space<vmem>> -> memref<1x128xi32, #tpu.memory_space<vmem>>
        %dma_wait3A_162 = tpu.memref_squeeze %dma_wait3A_161 : memref<1x128xi32, #tpu.memory_space<vmem>> -> memref<128xi32, #tpu.memory_space<vmem>>
        %dma_wait3A_163 = arith.constant 0 : i32
        %dma_wait3A_164 = arith.constant 0 : i32
        %dma_wait3A_165 = tpu.memref_slice %arg2[%dma_wait3A_163, %dma_wait3A_164] : memref<10000x128xf32, #tpu.memory_space<hbm>> -> memref<10000x128xf32, #tpu.memory_space<hbm>>
        tpu.wait_indirect_dma semaphore(%arg12 : memref<!tpu.dma_semaphore, #tpu.memory_space<semaphore_mem>>) src(%dma_wait3A_165 : memref<10000x128xf32, #tpu.memory_space<hbm>>) dst(%arg9 : memref<128x128xf32, #tpu.memory_space<vmem>>)
        %add3A_166 = arith.constant 1 : i32
        %add3A_167 = arith.addi %mul3A_138, %add3A_166 : i32
        "tpu.region"() ({
          %run_scoped3A = tpu.sem_alloc : memref<!tpu.dma_semaphore, #tpu.memory_space<semaphore_mem>>
          %dma_start3A_169 = arith.constant 0 : i32
          %dma_start3A_170 = tpu.memref_slice %arg7[%add3A_167, %dma_start3A_169] : memref<24x128xi32, #tpu.memory_space<vmem>> -> memref<1x128xi32, #tpu.memory_space<vmem>>
          %dma_start3A_171 = tpu.memref_squeeze %dma_start3A_170 : memref<1x128xi32, #tpu.memory_space<vmem>> -> memref<128xi32, #tpu.memory_space<vmem>>
          %dma_start3A_172 = arith.constant 0 : i32
          %dma_start3A_173 = arith.constant 0 : i32
          %dma_start3A_174 = tpu.memref_slice %arg10[%dma_start3A_172, %dma_start3A_173] : memref<10016x128xf32, #tpu.memory_space<vmem_shared>> -> memref<10016x128xf32, #tpu.memory_space<vmem_shared>>
          tpu.enqueue_indirect_dma source(%arg9 : memref<128x128xf32, #tpu.memory_space<vmem>>) target(%dma_start3A_174 : memref<10016x128xf32, #tpu.memory_space<vmem_shared>>) offsets(%dma_start3A_171 : memref<128xi32, #tpu.memory_space<vmem>>) semaphore(%run_scoped3A : memref<!tpu.dma_semaphore, #tpu.memory_space<semaphore_mem>>) {add = true}
          %dma_wait3A_175 = arith.constant 0 : i32
          %dma_wait3A_176 = tpu.memref_slice %arg7[%add3A_167, %dma_wait3A_175] : memref<24x128xi32, #tpu.memory_space<vmem>> -> memref<1x128xi32, #tpu.memory_space<vmem>>
          %dma_wait3A_177 = tpu.memref_squeeze %dma_wait3A_176 : memref<1x128xi32, #tpu.memory_space<vmem>> -> memref<128xi32, #tpu.memory_space<vmem>>
          %dma_wait3A_178 = arith.constant 0 : i32
          %dma_wait3A_179 = arith.constant 0 : i32
          %dma_wait3A_180 = tpu.memref_slice %arg10[%dma_wait3A_178, %dma_wait3A_179] : memref<10016x128xf32, #tpu.memory_space<vmem_shared>> -> memref<10016x128xf32, #tpu.memory_space<vmem_shared>>
          tpu.wait_indirect_dma semaphore(%run_scoped3A : memref<!tpu.dma_semaphore, #tpu.memory_space<semaphore_mem>>) src(%arg9 : memref<128x128xf32, #tpu.memory_space<vmem>>) dst(%dma_wait3A_180 : memref<10016x128xf32, #tpu.memory_space<vmem_shared>>)
          tpu.yield
        }) : () -> ()
        %while3A_168 = arith.constant 0 : i32
        scf.yield %while3A_168 : i32
      }
      %while3A_132 = arith.constant 1 : i32
      %while3A_133 = scf.for %while3A_135 = %while3A_129 to %while3A_125 step %while3A_132 iter_args(%while3A_136 = %while3A_131) -> (i32)  : i32 {
        %mul3A_137 = arith.constant 2 : i32
        %mul3A_138 = arith.muli %mul3A_137, %while3A_135 : i32
        %add3A_139 = arith.constant 1 : i32
        %add3A_140 = arith.addi %mul3A_138, %add3A_139 : i32
        %dma_start3A_141 = arith.constant 0 : i32
        %dma_start3A_142 = tpu.memref_slice %arg6[%add3A_140, %dma_start3A_141] : memref<24x128xi32, #tpu.memory_space<vmem>> -> memref<1x128xi32, #tpu.memory_space<vmem>>
        %dma_start3A_143 = tpu.memref_squeeze %dma_start3A_142 : memref<1x128xi32, #tpu.memory_space<vmem>> -> memref<128xi32, #tpu.memory_space<vmem>>
        %dma_start3A_144 = arith.constant 0 : i32
        %dma_start3A_145 = arith.constant 0 : i32
        %dma_start3A_146 = tpu.memref_slice %arg2[%dma_start3A_144, %dma_start3A_145] : memref<10000x128xf32, #tpu.memory_space<hbm>> -> memref<10000x128xf32, #tpu.memory_space<hbm>>
        tpu.enqueue_indirect_dma source(%dma_start3A_146 : memref<10000x128xf32, #tpu.memory_space<hbm>>) target(%arg9 : memref<128x128xf32, #tpu.memory_space<vmem>>) offsets(%dma_start3A_143 : memref<128xi32, #tpu.memory_space<vmem>>) semaphore(%arg12 : memref<!tpu.dma_semaphore, #tpu.memory_space<semaphore_mem>>)
        %dma_wait3A = arith.constant 0 : i32
        %dma_wait3A_147 = tpu.memref_slice %arg6[%mul3A_138, %dma_wait3A] : memref<24x128xi32, #tpu.memory_space<vmem>> -> memref<1x128xi32, #tpu.memory_space<vmem>>
        %dma_wait3A_148 = tpu.memref_squeeze %dma_wait3A_147 : memref<1x128xi32, #tpu.memory_space<vmem>> -> memref<128xi32, #tpu.memory_space<vmem>>
        %dma_wait3A_149 = arith.constant 0 : i32
        %dma_wait3A_150 = arith.constant 0 : i32
        %dma_wait3A_151 = tpu.memref_slice %arg2[%dma_wait3A_149, %dma_wait3A_150] : memref<10000x128xf32, #tpu.memory_space<hbm>> -> memref<10000x128xf32, #tpu.memory_space<hbm>>
        tpu.wait_indirect_dma semaphore(%arg11 : memref<!tpu.dma_semaphore, #tpu.memory_space<semaphore_mem>>) src(%dma_wait3A_151 : memref<10000x128xf32, #tpu.memory_space<hbm>>) dst(%arg8 : memref<128x128xf32, #tpu.memory_space<vmem>>)
        "tpu.region"() ({
          %run_scoped3A = tpu.sem_alloc : memref<!tpu.dma_semaphore, #tpu.memory_space<semaphore_mem>>
          %dma_start3A_169 = arith.constant 0 : i32
          %dma_start3A_170 = tpu.memref_slice %arg7[%mul3A_138, %dma_start3A_169] : memref<24x128xi32, #tpu.memory_space<vmem>> -> memref<1x128xi32, #tpu.memory_space<vmem>>
          %dma_start3A_171 = tpu.memref_squeeze %dma_start3A_170 : memref<1x128xi32, #tpu.memory_space<vmem>> -> memref<128xi32, #tpu.memory_space<vmem>>
          %dma_start3A_172 = arith.constant 0 : i32
          %dma_start3A_173 = arith.constant 0 : i32
          %dma_start3A_174 = tpu.memref_slice %arg10[%dma_start3A_172, %dma_start3A_173] : memref<10016x128xf32, #tpu.memory_space<vmem_shared>> -> memref<10016x128xf32, #tpu.memory_space<vmem_shared>>
          tpu.enqueue_indirect_dma source(%arg8 : memref<128x128xf32, #tpu.memory_space<vmem>>) target(%dma_start3A_174 : memref<10016x128xf32, #tpu.memory_space<vmem_shared>>) offsets(%dma_start3A_171 : memref<128xi32, #tpu.memory_space<vmem>>) semaphore(%run_scoped3A : memref<!tpu.dma_semaphore, #tpu.memory_space<semaphore_mem>>) {add = true}
          %dma_wait3A_175 = arith.constant 0 : i32
          %dma_wait3A_176 = tpu.memref_slice %arg7[%mul3A_138, %dma_wait3A_175] : memref<24x128xi32, #tpu.memory_space<vmem>> -> memref<1x128xi32, #tpu.memory_space<vmem>>
          %dma_wait3A_177 = tpu.memref_squeeze %dma_wait3A_176 : memref<1x128xi32, #tpu.memory_space<vmem>> -> memref<128xi32, #tpu.memory_space<vmem>>
          %dma_wait3A_178 = arith.constant 0 : i32
          %dma_wait3A_179 = arith.constant 0 : i32
          %dma_wait3A_180 = tpu.memref_slice %arg10[%dma_wait3A_178, %dma_wait3A_179] : memref<10016x128xf32, #tpu.memory_space<vmem_shared>> -> memref<10016x128xf32, #tpu.memory_space<vmem_shared>>
          tpu.wait_indirect_dma semaphore(%run_scoped3A : memref<!tpu.dma_semaphore, #tpu.memory_space<semaphore_mem>>) src(%arg8 : memref<128x128xf32, #tpu.memory_space<vmem>>) dst(%dma_wait3A_180 : memref<10016x128xf32, #tpu.memory_space<vmem_shared>>)
          tpu.yield
        }) : () -> ()
        %add3A_152 = arith.constant 2 : i32
        %add3A_153 = arith.addi %mul3A_138, %add3A_152 : i32
        %lt3A_154 = arith.cmpi slt, %add3A_153, %min3A_89 : i32
        %convert_element_type3A_155 = arith.extui %lt3A_154 : i1 to i32
        %cond3A_156 = arith.constant 0 : i32
        %cond3A_157 = arith.cmpi ne, %convert_element_type3A_155, %cond3A_156 : i32
        scf.if %cond3A_157 {
          %add3A_169 = arith.constant 2 : i32
          %add3A_170 = arith.addi %mul3A_138, %add3A_169 : i32
          %dma_start3A_171 = arith.constant 0 : i32
          %dma_start3A_172 = tpu.memref_slice %arg6[%add3A_170, %dma_start3A_171] : memref<24x128xi32, #tpu.memory_space<vmem>> -> memref<1x128xi32, #tpu.memory_space<vmem>>
          %dma_start3A_173 = tpu.memref_squeeze %dma_start3A_172 : memref<1x128xi32, #tpu.memory_space<vmem>> -> memref<128xi32, #tpu.memory_space<vmem>>
          %dma_start3A_174 = arith.constant 0 : i32
          %dma_start3A_175 = arith.constant 0 : i32
          %dma_start3A_176 = tpu.memref_slice %arg2[%dma_start3A_174, %dma_start3A_175] : memref<10000x128xf32, #tpu.memory_space<hbm>> -> memref<10000x128xf32, #tpu.memory_space<hbm>>
          tpu.enqueue_indirect_dma source(%dma_start3A_176 : memref<10000x128xf32, #tpu.memory_space<hbm>>) target(%arg8 : memref<128x128xf32, #tpu.memory_space<vmem>>) offsets(%dma_start3A_173 : memref<128xi32, #tpu.memory_space<vmem>>) semaphore(%arg11 : memref<!tpu.dma_semaphore, #tpu.memory_space<semaphore_mem>>)
        } else {
        }
        %add3A_158 = arith.constant 1 : i32
        %add3A_159 = arith.addi %mul3A_138, %add3A_158 : i32
        %dma_wait3A_160 = arith.constant 0 : i32
        %dma_wait3A_161 = tpu.memref_slice %arg6[%add3A_159, %dma_wait3A_160] : memref<24x128xi32, #tpu.memory_space<vmem>> -> memref<1x128xi32, #tpu.memory_space<vmem>>
        %dma_wait3A_162 = tpu.memref_squeeze %dma_wait3A_161 : memref<1x128xi32, #tpu.memory_space<vmem>> -> memref<128xi32, #tpu.memory_space<vmem>>
        %dma_wait3A_163 = arith.constant 0 : i32
        %dma_wait3A_164 = arith.constant 0 : i32
        %dma_wait3A_165 = tpu.memref_slice %arg2[%dma_wait3A_163, %dma_wait3A_164] : memref<10000x128xf32, #tpu.memory_space<hbm>> -> memref<10000x128xf32, #tpu.memory_space<hbm>>
        tpu.wait_indirect_dma semaphore(%arg12 : memref<!tpu.dma_semaphore, #tpu.memory_space<semaphore_mem>>) src(%dma_wait3A_165 : memref<10000x128xf32, #tpu.memory_space<hbm>>) dst(%arg9 : memref<128x128xf32, #tpu.memory_space<vmem>>)
        %add3A_166 = arith.constant 1 : i32
        %add3A_167 = arith.addi %mul3A_138, %add3A_166 : i32
        "tpu.region"() ({
          %run_scoped3A = tpu.sem_alloc : memref<!tpu.dma_semaphore, #tpu.memory_space<semaphore_mem>>
          %dma_start3A_169 = arith.constant 0 : i32
          %dma_start3A_170 = tpu.memref_slice %arg7[%add3A_167, %dma_start3A_169] : memref<24x128xi32, #tpu.memory_space<vmem>> -> memref<1x128xi32, #tpu.memory_space<vmem>>
          %dma_start3A_171 = tpu.memref_squeeze %dma_start3A_170 : memref<1x128xi32, #tpu.memory_space<vmem>> -> memref<128xi32, #tpu.memory_space<vmem>>
          %dma_start3A_172 = arith.constant 0 : i32
          %dma_start3A_173 = arith.constant 0 : i32
          %dma_start3A_174 = tpu.memref_slice %arg10[%dma_start3A_172, %dma_start3A_173] : memref<10016x128xf32, #tpu.memory_space<vmem_shared>> -> memref<10016x128xf32, #tpu.memory_space<vmem_shared>>
          tpu.enqueue_indirect_dma source(%arg9 : memref<128x128xf32, #tpu.memory_space<vmem>>) target(%dma_start3A_174 : memref<10016x128xf32, #tpu.memory_space<vmem_shared>>) offsets(%dma_start3A_171 : memref<128xi32, #tpu.memory_space<vmem>>) semaphore(%run_scoped3A : memref<!tpu.dma_semaphore, #tpu.memory_space<semaphore_mem>>) {add = true}
          %dma_wait3A_175 = arith.constant 0 : i32
          %dma_wait3A_176 = tpu.memref_slice %arg7[%add3A_167, %dma_wait3A_175] : memref<24x128xi32, #tpu.memory_space<vmem>> -> memref<1x128xi32, #tpu.memory_space<vmem>>
          %dma_wait3A_177 = tpu.memref_squeeze %dma_wait3A_176 : memref<1x128xi32, #tpu.memory_space<vmem>> -> memref<128xi32, #tpu.memory_space<vmem>>
          %dma_wait3A_178 = arith.constant 0 : i32
          %dma_wait3A_179 = arith.constant 0 : i32
          %dma_wait3A_180 = tpu.memref_slice %arg10[%dma_wait3A_178, %dma_wait3A_179] : memref<10016x128xf32, #tpu.memory_space<vmem_shared>> -> memref<10016x128xf32, #tpu.memory_space<vmem_shared>>
          tpu.wait_indirect_dma semaphore(%run_scoped3A : memref<!tpu.dma_semaphore, #tpu.memory_space<semaphore_mem>>) src(%arg9 : memref<128x128xf32, #tpu.memory_space<vmem>>) dst(%dma_wait3A_180 : memref<10016x128xf32, #tpu.memory_space<vmem_shared>>)
          tpu.yield
        }) : () -> ()
        %while3A_168 = arith.constant 0 : i32
        scf.yield %while3A_168 : i32
      }
      %while3A_134 = arith.constant 0 : i32
      scf.yield %while3A_134 : i32
    }
    %while3A_72 = arith.constant 1 : i32
    %while3A_73 = scf.for %while3A_84 = %while3A_69 to %while3A_65 step %while3A_72 iter_args(%while3A_85 = %while3A_71) -> (i32)  : i32 {
      %mul3A_86 = arith.constant 24 : i32
      %mul3A_87 = arith.muli %while3A_84, %mul3A_86 : i32
      %sub3A_88 = arith.subi %select_n3A, %mul3A_87 : i32
      %min3A = arith.constant 24 : i32
      %min3A_89 = arith.minsi %min3A, %sub3A_88 : i32
      %add3A_90 = arith.addi %select_n3A_40, %mul3A_87 : i32
      "tpu.region"() ({
        %run_scoped3A = tpu.sem_alloc : memref<!tpu.dma_semaphore, #tpu.memory_space<semaphore_mem>>
        %dma_start3A_135 = arith.constant 0 : i32
        %dma_start3A_136 = tpu.memref_slice %arg3[%add3A_90, %dma_start3A_135] : memref<2584x128xi32, #tpu.memory_space<hbm>> -> memref<24x128xi32, #tpu.memory_space<hbm>>
        %dma_start3A_137 = arith.constant 0 : i32
        %dma_start3A_138 = tpu.memref_slice %arg3[%add3A_90, %dma_start3A_137] : memref<2584x128xi32, #tpu.memory_space<hbm>> -> memref<24x128xi32, #tpu.memory_space<hbm>>
        tpu.enqueue_dma source(%dma_start3A_138 : memref<24x128xi32, #tpu.memory_space<hbm>>) target(%arg6 : memref<24x128xi32, #tpu.memory_space<vmem>>) target_semaphore(%run_scoped3A : memref<!tpu.dma_semaphore, #tpu.memory_space<semaphore_mem>>)
        %dma_wait3A = arith.constant 0 : i32
        %dma_wait3A_139 = tpu.memref_slice %arg3[%add3A_90, %dma_wait3A] : memref<2584x128xi32, #tpu.memory_space<hbm>> -> memref<24x128xi32, #tpu.memory_space<hbm>>
        %dma_wait3A_140 = arith.constant 0 : i32
        %dma_wait3A_141 = tpu.memref_slice %arg3[%add3A_90, %dma_wait3A_140] : memref<2584x128xi32, #tpu.memory_space<hbm>> -> memref<24x128xi32, #tpu.memory_space<hbm>>
        tpu.wait_dma2 semaphore(%run_scoped3A : memref<!tpu.dma_semaphore, #tpu.memory_space<semaphore_mem>>) src(%dma_wait3A_141 : memref<24x128xi32, #tpu.memory_space<hbm>>) dst(%arg6 : memref<24x128xi32, #tpu.memory_space<vmem>>)
        tpu.yield
      }) : () -> ()
      %add3A_91 = arith.addi %select_n3A_40, %mul3A_87 : i32
      "tpu.region"() ({
        %run_scoped3A = tpu.sem_alloc : memref<!tpu.dma_semaphore, #tpu.memory_space<semaphore_mem>>
        %dma_start3A_135 = arith.constant 0 : i32
        %dma_start3A_136 = tpu.memref_slice %arg4[%add3A_91, %dma_start3A_135] : memref<2584x128xi32, #tpu.memory_space<hbm>> -> memref<24x128xi32, #tpu.memory_space<hbm>>
        %dma_start3A_137 = arith.constant 0 : i32
        %dma_start3A_138 = tpu.memref_slice %arg4[%add3A_91, %dma_start3A_137] : memref<2584x128xi32, #tpu.memory_space<hbm>> -> memref<24x128xi32, #tpu.memory_space<hbm>>
        tpu.enqueue_dma source(%dma_start3A_138 : memref<24x128xi32, #tpu.memory_space<hbm>>) target(%arg7 : memref<24x128xi32, #tpu.memory_space<vmem>>) target_semaphore(%run_scoped3A : memref<!tpu.dma_semaphore, #tpu.memory_space<semaphore_mem>>)
        %dma_wait3A = arith.constant 0 : i32
        %dma_wait3A_139 = tpu.memref_slice %arg4[%add3A_91, %dma_wait3A] : memref<2584x128xi32, #tpu.memory_space<hbm>> -> memref<24x128xi32, #tpu.memory_space<hbm>>
        %dma_wait3A_140 = arith.constant 0 : i32
        %dma_wait3A_141 = tpu.memref_slice %arg4[%add3A_91, %dma_wait3A_140] : memref<2584x128xi32, #tpu.memory_space<hbm>> -> memref<24x128xi32, #tpu.memory_space<hbm>>
        tpu.wait_dma2 semaphore(%run_scoped3A : memref<!tpu.dma_semaphore, #tpu.memory_space<semaphore_mem>>) src(%dma_wait3A_141 : memref<24x128xi32, #tpu.memory_space<hbm>>) dst(%arg7 : memref<24x128xi32, #tpu.memory_space<vmem>>)
        tpu.yield
      }) : () -> ()
      %dma_start3A = arith.constant 0 : i32
      %dma_start3A_92 = arith.constant 0 : i32
      %dma_start3A_93 = tpu.memref_slice %arg6[%dma_start3A, %dma_start3A_92] : memref<24x128xi32, #tpu.memory_space<vmem>> -> memref<1x128xi32, #tpu.memory_space<vmem>>
      %dma_start3A_94 = tpu.memref_squeeze %dma_start3A_93 : memref<1x128xi32, #tpu.memory_space<vmem>> -> memref<128xi32, #tpu.memory_space<vmem>>
      %dma_start3A_95 = arith.constant 0 : i32
      %dma_start3A_96 = arith.constant 0 : i32
      %dma_start3A_97 = tpu.memref_slice %arg2[%dma_start3A_95, %dma_start3A_96] : memref<10000x128xf32, #tpu.memory_space<hbm>> -> memref<10000x128xf32, #tpu.memory_space<hbm>>
      tpu.enqueue_indirect_dma source(%dma_start3A_97 : memref<10000x128xf32, #tpu.memory_space<hbm>>) target(%arg8 : memref<128x128xf32, #tpu.memory_space<vmem>>) offsets(%dma_start3A_94 : memref<128xi32, #tpu.memory_space<vmem>>) semaphore(%arg11 : memref<!tpu.dma_semaphore, #tpu.memory_space<semaphore_mem>>)
      %jit3A_98 = arith.constant 2 : i32
      %div3A_99 = arith.divsi %min3A_89, %jit3A_98 : i32
      %sign3A_100 = arith.constant 0 : i32
      %sign3A_101 = arith.cmpi sgt, %min3A_89, %sign3A_100 : i32
      %sign3A_102 = arith.extui %sign3A_101 : i1 to i32
      %sign3A_103 = arith.constant 0 : i32
      %sign3A_104 = arith.cmpi slt, %min3A_89, %sign3A_103 : i32
      %sign3A_105 = arith.extui %sign3A_104 : i1 to i32
      %sign3A_106 = arith.subi %sign3A_102, %sign3A_105 : i32
      %sign3A_107 = arith.constant 0 : i32
      %sign3A_108 = arith.cmpi sgt, %jit3A_98, %sign3A_107 : i32
      %sign3A_109 = arith.extui %sign3A_108 : i1 to i32
      %sign3A_110 = arith.constant 0 : i32
      %sign3A_111 = arith.cmpi slt, %jit3A_98, %sign3A_110 : i32
      %sign3A_112 = arith.extui %sign3A_111 : i1 to i32
      %sign3A_113 = arith.subi %sign3A_109, %sign3A_112 : i32
      %ne3A_114 = arith.cmpi ne, %sign3A_106, %sign3A_113 : i32
      %rem3A_115 = arith.remsi %min3A_89, %jit3A_98 : i32
      %ne3A_116 = arith.constant 0 : i32
      %ne3A_117 = arith.cmpi ne, %rem3A_115, %ne3A_116 : i32
      %and3A_118 = arith.andi %ne3A_114, %ne3A_117 : i1
      %sub3A_119 = arith.constant 1 : i32
      %sub3A_120 = arith.subi %div3A_99, %sub3A_119 : i32
      %select_n3A_121 = arith.select %and3A_118, %sub3A_120, %div3A_99 : i32
      %while3A_122 = arith.constant 0 : i32
      %while3A_123 = arith.constant 0 : i32
      %while3A_124 = arith.subi %select_n3A_121, %while3A_122 : i32
      %while3A_125 = arith.addi %while3A_122, %while3A_124 : i32
      %while3A_126 = arith.constant 1 : i32
      %while3A_127 = arith.divsi %while3A_124, %while3A_126 : i32
      %while3A_128 = arith.muli %while3A_127, %while3A_126 : i32
      %while3A_129 = arith.addi %while3A_122, %while3A_128 : i32
      %while3A_130 = arith.constant 1 : i32
      %while3A_131 = scf.for %while3A_135 = %while3A_122 to %while3A_129 step %while3A_130 iter_args(%while3A_136 = %while3A_123) -> (i32)  : i32 {
        %mul3A_137 = arith.constant 2 : i32
        %mul3A_138 = arith.muli %mul3A_137, %while3A_135 : i32
        %add3A_139 = arith.constant 1 : i32
        %add3A_140 = arith.addi %mul3A_138, %add3A_139 : i32
        %dma_start3A_141 = arith.constant 0 : i32
        %dma_start3A_142 = tpu.memref_slice %arg6[%add3A_140, %dma_start3A_141] : memref<24x128xi32, #tpu.memory_space<vmem>> -> memref<1x128xi32, #tpu.memory_space<vmem>>
        %dma_start3A_143 = tpu.memref_squeeze %dma_start3A_142 : memref<1x128xi32, #tpu.memory_space<vmem>> -> memref<128xi32, #tpu.memory_space<vmem>>
        %dma_start3A_144 = arith.constant 0 : i32
        %dma_start3A_145 = arith.constant 0 : i32
        %dma_start3A_146 = tpu.memref_slice %arg2[%dma_start3A_144, %dma_start3A_145] : memref<10000x128xf32, #tpu.memory_space<hbm>> -> memref<10000x128xf32, #tpu.memory_space<hbm>>
        tpu.enqueue_indirect_dma source(%dma_start3A_146 : memref<10000x128xf32, #tpu.memory_space<hbm>>) target(%arg9 : memref<128x128xf32, #tpu.memory_space<vmem>>) offsets(%dma_start3A_143 : memref<128xi32, #tpu.memory_space<vmem>>) semaphore(%arg12 : memref<!tpu.dma_semaphore, #tpu.memory_space<semaphore_mem>>)
        %dma_wait3A = arith.constant 0 : i32
        %dma_wait3A_147 = tpu.memref_slice %arg6[%mul3A_138, %dma_wait3A] : memref<24x128xi32, #tpu.memory_space<vmem>> -> memref<1x128xi32, #tpu.memory_space<vmem>>
        %dma_wait3A_148 = tpu.memref_squeeze %dma_wait3A_147 : memref<1x128xi32, #tpu.memory_space<vmem>> -> memref<128xi32, #tpu.memory_space<vmem>>
        %dma_wait3A_149 = arith.constant 0 : i32
        %dma_wait3A_150 = arith.constant 0 : i32
        %dma_wait3A_151 = tpu.memref_slice %arg2[%dma_wait3A_149, %dma_wait3A_150] : memref<10000x128xf32, #tpu.memory_space<hbm>> -> memref<10000x128xf32, #tpu.memory_space<hbm>>
        tpu.wait_indirect_dma semaphore(%arg11 : memref<!tpu.dma_semaphore, #tpu.memory_space<semaphore_mem>>) src(%dma_wait3A_151 : memref<10000x128xf32, #tpu.memory_space<hbm>>) dst(%arg8 : memref<128x128xf32, #tpu.memory_space<vmem>>)
        "tpu.region"() ({
          %run_scoped3A = tpu.sem_alloc : memref<!tpu.dma_semaphore, #tpu.memory_space<semaphore_mem>>
          %dma_start3A_169 = arith.constant 0 : i32
          %dma_start3A_170 = tpu.memref_slice %arg7[%mul3A_138, %dma_start3A_169] : memref<24x128xi32, #tpu.memory_space<vmem>> -> memref<1x128xi32, #tpu.memory_space<vmem>>
          %dma_start3A_171 = tpu.memref_squeeze %dma_start3A_170 : memref<1x128xi32, #tpu.memory_space<vmem>> -> memref<128xi32, #tpu.memory_space<vmem>>
          %dma_start3A_172 = arith.constant 0 : i32
          %dma_start3A_173 = arith.constant 0 : i32
          %dma_start3A_174 = tpu.memref_slice %arg10[%dma_start3A_172, %dma_start3A_173] : memref<10016x128xf32, #tpu.memory_space<vmem_shared>> -> memref<10016x128xf32, #tpu.memory_space<vmem_shared>>
          tpu.enqueue_indirect_dma source(%arg8 : memref<128x128xf32, #tpu.memory_space<vmem>>) target(%dma_start3A_174 : memref<10016x128xf32, #tpu.memory_space<vmem_shared>>) offsets(%dma_start3A_171 : memref<128xi32, #tpu.memory_space<vmem>>) semaphore(%run_scoped3A : memref<!tpu.dma_semaphore, #tpu.memory_space<semaphore_mem>>) {add = true}
          %dma_wait3A_175 = arith.constant 0 : i32
          %dma_wait3A_176 = tpu.memref_slice %arg7[%mul3A_138, %dma_wait3A_175] : memref<24x128xi32, #tpu.memory_space<vmem>> -> memref<1x128xi32, #tpu.memory_space<vmem>>
          %dma_wait3A_177 = tpu.memref_squeeze %dma_wait3A_176 : memref<1x128xi32, #tpu.memory_space<vmem>> -> memref<128xi32, #tpu.memory_space<vmem>>
          %dma_wait3A_178 = arith.constant 0 : i32
          %dma_wait3A_179 = arith.constant 0 : i32
          %dma_wait3A_180 = tpu.memref_slice %arg10[%dma_wait3A_178, %dma_wait3A_179] : memref<10016x128xf32, #tpu.memory_space<vmem_shared>> -> memref<10016x128xf32, #tpu.memory_space<vmem_shared>>
          tpu.wait_indirect_dma semaphore(%run_scoped3A : memref<!tpu.dma_semaphore, #tpu.memory_space<semaphore_mem>>) src(%arg8 : memref<128x128xf32, #tpu.memory_space<vmem>>) dst(%dma_wait3A_180 : memref<10016x128xf32, #tpu.memory_space<vmem_shared>>)
          tpu.yield
        }) : () -> ()
        %add3A_152 = arith.constant 2 : i32
        %add3A_153 = arith.addi %mul3A_138, %add3A_152 : i32
        %lt3A_154 = arith.cmpi slt, %add3A_153, %min3A_89 : i32
        %convert_element_type3A_155 = arith.extui %lt3A_154 : i1 to i32
        %cond3A_156 = arith.constant 0 : i32
        %cond3A_157 = arith.cmpi ne, %convert_element_type3A_155, %cond3A_156 : i32
        scf.if %cond3A_157 {
          %add3A_169 = arith.constant 2 : i32
          %add3A_170 = arith.addi %mul3A_138, %add3A_169 : i32
          %dma_start3A_171 = arith.constant 0 : i32
          %dma_start3A_172 = tpu.memref_slice %arg6[%add3A_170, %dma_start3A_171] : memref<24x128xi32, #tpu.memory_space<vmem>> -> memref<1x128xi32, #tpu.memory_space<vmem>>
          %dma_start3A_173 = tpu.memref_squeeze %dma_start3A_172 : memref<1x128xi32, #tpu.memory_space<vmem>> -> memref<128xi32, #tpu.memory_space<vmem>>
          %dma_start3A_174 = arith.constant 0 : i32
          %dma_start3A_175 = arith.constant 0 : i32
          %dma_start3A_176 = tpu.memref_slice %arg2[%dma_start3A_174, %dma_start3A_175] : memref<10000x128xf32, #tpu.memory_space<hbm>> -> memref<10000x128xf32, #tpu.memory_space<hbm>>
          tpu.enqueue_indirect_dma source(%dma_start3A_176 : memref<10000x128xf32, #tpu.memory_space<hbm>>) target(%arg8 : memref<128x128xf32, #tpu.memory_space<vmem>>) offsets(%dma_start3A_173 : memref<128xi32, #tpu.memory_space<vmem>>) semaphore(%arg11 : memref<!tpu.dma_semaphore, #tpu.memory_space<semaphore_mem>>)
        } else {
        }
        %add3A_158 = arith.constant 1 : i32
        %add3A_159 = arith.addi %mul3A_138, %add3A_158 : i32
        %dma_wait3A_160 = arith.constant 0 : i32
        %dma_wait3A_161 = tpu.memref_slice %arg6[%add3A_159, %dma_wait3A_160] : memref<24x128xi32, #tpu.memory_space<vmem>> -> memref<1x128xi32, #tpu.memory_space<vmem>>
        %dma_wait3A_162 = tpu.memref_squeeze %dma_wait3A_161 : memref<1x128xi32, #tpu.memory_space<vmem>> -> memref<128xi32, #tpu.memory_space<vmem>>
        %dma_wait3A_163 = arith.constant 0 : i32
        %dma_wait3A_164 = arith.constant 0 : i32
        %dma_wait3A_165 = tpu.memref_slice %arg2[%dma_wait3A_163, %dma_wait3A_164] : memref<10000x128xf32, #tpu.memory_space<hbm>> -> memref<10000x128xf32, #tpu.memory_space<hbm>>
        tpu.wait_indirect_dma semaphore(%arg12 : memref<!tpu.dma_semaphore, #tpu.memory_space<semaphore_mem>>) src(%dma_wait3A_165 : memref<10000x128xf32, #tpu.memory_space<hbm>>) dst(%arg9 : memref<128x128xf32, #tpu.memory_space<vmem>>)
        %add3A_166 = arith.constant 1 : i32
        %add3A_167 = arith.addi %mul3A_138, %add3A_166 : i32
        "tpu.region"() ({
          %run_scoped3A = tpu.sem_alloc : memref<!tpu.dma_semaphore, #tpu.memory_space<semaphore_mem>>
          %dma_start3A_169 = arith.constant 0 : i32
          %dma_start3A_170 = tpu.memref_slice %arg7[%add3A_167, %dma_start3A_169] : memref<24x128xi32, #tpu.memory_space<vmem>> -> memref<1x128xi32, #tpu.memory_space<vmem>>
          %dma_start3A_171 = tpu.memref_squeeze %dma_start3A_170 : memref<1x128xi32, #tpu.memory_space<vmem>> -> memref<128xi32, #tpu.memory_space<vmem>>
          %dma_start3A_172 = arith.constant 0 : i32
          %dma_start3A_173 = arith.constant 0 : i32
          %dma_start3A_174 = tpu.memref_slice %arg10[%dma_start3A_172, %dma_start3A_173] : memref<10016x128xf32, #tpu.memory_space<vmem_shared>> -> memref<10016x128xf32, #tpu.memory_space<vmem_shared>>
          tpu.enqueue_indirect_dma source(%arg9 : memref<128x128xf32, #tpu.memory_space<vmem>>) target(%dma_start3A_174 : memref<10016x128xf32, #tpu.memory_space<vmem_shared>>) offsets(%dma_start3A_171 : memref<128xi32, #tpu.memory_space<vmem>>) semaphore(%run_scoped3A : memref<!tpu.dma_semaphore, #tpu.memory_space<semaphore_mem>>) {add = true}
          %dma_wait3A_175 = arith.constant 0 : i32
          %dma_wait3A_176 = tpu.memref_slice %arg7[%add3A_167, %dma_wait3A_175] : memref<24x128xi32, #tpu.memory_space<vmem>> -> memref<1x128xi32, #tpu.memory_space<vmem>>
          %dma_wait3A_177 = tpu.memref_squeeze %dma_wait3A_176 : memref<1x128xi32, #tpu.memory_space<vmem>> -> memref<128xi32, #tpu.memory_space<vmem>>
          %dma_wait3A_178 = arith.constant 0 : i32
          %dma_wait3A_179 = arith.constant 0 : i32
          %dma_wait3A_180 = tpu.memref_slice %arg10[%dma_wait3A_178, %dma_wait3A_179] : memref<10016x128xf32, #tpu.memory_space<vmem_shared>> -> memref<10016x128xf32, #tpu.memory_space<vmem_shared>>
          tpu.wait_indirect_dma semaphore(%run_scoped3A : memref<!tpu.dma_semaphore, #tpu.memory_space<semaphore_mem>>) src(%arg9 : memref<128x128xf32, #tpu.memory_space<vmem>>) dst(%dma_wait3A_180 : memref<10016x128xf32, #tpu.memory_space<vmem_shared>>)
          tpu.yield
        }) : () -> ()
        %while3A_168 = arith.constant 0 : i32
        scf.yield %while3A_168 : i32
      }
      %while3A_132 = arith.constant 1 : i32
      %while3A_133 = scf.for %while3A_135 = %while3A_129 to %while3A_125 step %while3A_132 iter_args(%while3A_136 = %while3A_131) -> (i32)  : i32 {
        %mul3A_137 = arith.constant 2 : i32
        %mul3A_138 = arith.muli %mul3A_137, %while3A_135 : i32
        %add3A_139 = arith.constant 1 : i32
        %add3A_140 = arith.addi %mul3A_138, %add3A_139 : i32
        %dma_start3A_141 = arith.constant 0 : i32
        %dma_start3A_142 = tpu.memref_slice %arg6[%add3A_140, %dma_start3A_141] : memref<24x128xi32, #tpu.memory_space<vmem>> -> memref<1x128xi32, #tpu.memory_space<vmem>>
        %dma_start3A_143 = tpu.memref_squeeze %dma_start3A_142 : memref<1x128xi32, #tpu.memory_space<vmem>> -> memref<128xi32, #tpu.memory_space<vmem>>
        %dma_start3A_144 = arith.constant 0 : i32
        %dma_start3A_145 = arith.constant 0 : i32
        %dma_start3A_146 = tpu.memref_slice %arg2[%dma_start3A_144, %dma_start3A_145] : memref<10000x128xf32, #tpu.memory_space<hbm>> -> memref<10000x128xf32, #tpu.memory_space<hbm>>
        tpu.enqueue_indirect_dma source(%dma_start3A_146 : memref<10000x128xf32, #tpu.memory_space<hbm>>) target(%arg9 : memref<128x128xf32, #tpu.memory_space<vmem>>) offsets(%dma_start3A_143 : memref<128xi32, #tpu.memory_space<vmem>>) semaphore(%arg12 : memref<!tpu.dma_semaphore, #tpu.memory_space<semaphore_mem>>)
        %dma_wait3A = arith.constant 0 : i32
        %dma_wait3A_147 = tpu.memref_slice %arg6[%mul3A_138, %dma_wait3A] : memref<24x128xi32, #tpu.memory_space<vmem>> -> memref<1x128xi32, #tpu.memory_space<vmem>>
        %dma_wait3A_148 = tpu.memref_squeeze %dma_wait3A_147 : memref<1x128xi32, #tpu.memory_space<vmem>> -> memref<128xi32, #tpu.memory_space<vmem>>
        %dma_wait3A_149 = arith.constant 0 : i32
        %dma_wait3A_150 = arith.constant 0 : i32
        %dma_wait3A_151 = tpu.memref_slice %arg2[%dma_wait3A_149, %dma_wait3A_150] : memref<10000x128xf32, #tpu.memory_space<hbm>> -> memref<10000x128xf32, #tpu.memory_space<hbm>>
        tpu.wait_indirect_dma semaphore(%arg11 : memref<!tpu.dma_semaphore, #tpu.memory_space<semaphore_mem>>) src(%dma_wait3A_151 : memref<10000x128xf32, #tpu.memory_space<hbm>>) dst(%arg8 : memref<128x128xf32, #tpu.memory_space<vmem>>)
        "tpu.region"() ({
          %run_scoped3A = tpu.sem_alloc : memref<!tpu.dma_semaphore, #tpu.memory_space<semaphore_mem>>
          %dma_start3A_169 = arith.constant 0 : i32
          %dma_start3A_170 = tpu.memref_slice %arg7[%mul3A_138, %dma_start3A_169] : memref<24x128xi32, #tpu.memory_space<vmem>> -> memref<1x128xi32, #tpu.memory_space<vmem>>
          %dma_start3A_171 = tpu.memref_squeeze %dma_start3A_170 : memref<1x128xi32, #tpu.memory_space<vmem>> -> memref<128xi32, #tpu.memory_space<vmem>>
          %dma_start3A_172 = arith.constant 0 : i32
          %dma_start3A_173 = arith.constant 0 : i32
          %dma_start3A_174 = tpu.memref_slice %arg10[%dma_start3A_172, %dma_start3A_173] : memref<10016x128xf32, #tpu.memory_space<vmem_shared>> -> memref<10016x128xf32, #tpu.memory_space<vmem_shared>>
          tpu.enqueue_indirect_dma source(%arg8 : memref<128x128xf32, #tpu.memory_space<vmem>>) target(%dma_start3A_174 : memref<10016x128xf32, #tpu.memory_space<vmem_shared>>) offsets(%dma_start3A_171 : memref<128xi32, #tpu.memory_space<vmem>>) semaphore(%run_scoped3A : memref<!tpu.dma_semaphore, #tpu.memory_space<semaphore_mem>>) {add = true}
          %dma_wait3A_175 = arith.constant 0 : i32
          %dma_wait3A_176 = tpu.memref_slice %arg7[%mul3A_138, %dma_wait3A_175] : memref<24x128xi32, #tpu.memory_space<vmem>> -> memref<1x128xi32, #tpu.memory_space<vmem>>
          %dma_wait3A_177 = tpu.memref_squeeze %dma_wait3A_176 : memref<1x128xi32, #tpu.memory_space<vmem>> -> memref<128xi32, #tpu.memory_space<vmem>>
          %dma_wait3A_178 = arith.constant 0 : i32
          %dma_wait3A_179 = arith.constant 0 : i32
          %dma_wait3A_180 = tpu.memref_slice %arg10[%dma_wait3A_178, %dma_wait3A_179] : memref<10016x128xf32, #tpu.memory_space<vmem_shared>> -> memref<10016x128xf32, #tpu.memory_space<vmem_shared>>
          tpu.wait_indirect_dma semaphore(%run_scoped3A : memref<!tpu.dma_semaphore, #tpu.memory_space<semaphore_mem>>) src(%arg8 : memref<128x128xf32, #tpu.memory_space<vmem>>) dst(%dma_wait3A_180 : memref<10016x128xf32, #tpu.memory_space<vmem_shared>>)
          tpu.yield
        }) : () -> ()
        %add3A_152 = arith.constant 2 : i32
        %add3A_153 = arith.addi %mul3A_138, %add3A_152 : i32
        %lt3A_154 = arith.cmpi slt, %add3A_153, %min3A_89 : i32
        %convert_element_type3A_155 = arith.extui %lt3A_154 : i1 to i32
        %cond3A_156 = arith.constant 0 : i32
        %cond3A_157 = arith.cmpi ne, %convert_element_type3A_155, %cond3A_156 : i32
        scf.if %cond3A_157 {
          %add3A_169 = arith.constant 2 : i32
          %add3A_170 = arith.addi %mul3A_138, %add3A_169 : i32
          %dma_start3A_171 = arith.constant 0 : i32
          %dma_start3A_172 = tpu.memref_slice %arg6[%add3A_170, %dma_start3A_171] : memref<24x128xi32, #tpu.memory_space<vmem>> -> memref<1x128xi32, #tpu.memory_space<vmem>>
          %dma_start3A_173 = tpu.memref_squeeze %dma_start3A_172 : memref<1x128xi32, #tpu.memory_space<vmem>> -> memref<128xi32, #tpu.memory_space<vmem>>
          %dma_start3A_174 = arith.constant 0 : i32
          %dma_start3A_175 = arith.constant 0 : i32
          %dma_start3A_176 = tpu.memref_slice %arg2[%dma_start3A_174, %dma_start3A_175] : memref<10000x128xf32, #tpu.memory_space<hbm>> -> memref<10000x128xf32, #tpu.memory_space<hbm>>
          tpu.enqueue_indirect_dma source(%dma_start3A_176 : memref<10000x128xf32, #tpu.memory_space<hbm>>) target(%arg8 : memref<128x128xf32, #tpu.memory_space<vmem>>) offsets(%dma_start3A_173 : memref<128xi32, #tpu.memory_space<vmem>>) semaphore(%arg11 : memref<!tpu.dma_semaphore, #tpu.memory_space<semaphore_mem>>)
        } else {
        }
        %add3A_158 = arith.constant 1 : i32
        %add3A_159 = arith.addi %mul3A_138, %add3A_158 : i32
        %dma_wait3A_160 = arith.constant 0 : i32
        %dma_wait3A_161 = tpu.memref_slice %arg6[%add3A_159, %dma_wait3A_160] : memref<24x128xi32, #tpu.memory_space<vmem>> -> memref<1x128xi32, #tpu.memory_space<vmem>>
        %dma_wait3A_162 = tpu.memref_squeeze %dma_wait3A_161 : memref<1x128xi32, #tpu.memory_space<vmem>> -> memref<128xi32, #tpu.memory_space<vmem>>
        %dma_wait3A_163 = arith.constant 0 : i32
        %dma_wait3A_164 = arith.constant 0 : i32
        %dma_wait3A_165 = tpu.memref_slice %arg2[%dma_wait3A_163, %dma_wait3A_164] : memref<10000x128xf32, #tpu.memory_space<hbm>> -> memref<10000x128xf32, #tpu.memory_space<hbm>>
        tpu.wait_indirect_dma semaphore(%arg12 : memref<!tpu.dma_semaphore, #tpu.memory_space<semaphore_mem>>) src(%dma_wait3A_165 : memref<10000x128xf32, #tpu.memory_space<hbm>>) dst(%arg9 : memref<128x128xf32, #tpu.memory_space<vmem>>)
        %add3A_166 = arith.constant 1 : i32
        %add3A_167 = arith.addi %mul3A_138, %add3A_166 : i32
        "tpu.region"() ({
          %run_scoped3A = tpu.sem_alloc : memref<!tpu.dma_semaphore, #tpu.memory_space<semaphore_mem>>
          %dma_start3A_169 = arith.constant 0 : i32
          %dma_start3A_170 = tpu.memref_slice %arg7[%add3A_167, %dma_start3A_169] : memref<24x128xi32, #tpu.memory_space<vmem>> -> memref<1x128xi32, #tpu.memory_space<vmem>>
          %dma_start3A_171 = tpu.memref_squeeze %dma_start3A_170 : memref<1x128xi32, #tpu.memory_space<vmem>> -> memref<128xi32, #tpu.memory_space<vmem>>
          %dma_start3A_172 = arith.constant 0 : i32
          %dma_start3A_173 = arith.constant 0 : i32
          %dma_start3A_174 = tpu.memref_slice %arg10[%dma_start3A_172, %dma_start3A_173] : memref<10016x128xf32, #tpu.memory_space<vmem_shared>> -> memref<10016x128xf32, #tpu.memory_space<vmem_shared>>
          tpu.enqueue_indirect_dma source(%arg9 : memref<128x128xf32, #tpu.memory_space<vmem>>) target(%dma_start3A_174 : memref<10016x128xf32, #tpu.memory_space<vmem_shared>>) offsets(%dma_start3A_171 : memref<128xi32, #tpu.memory_space<vmem>>) semaphore(%run_scoped3A : memref<!tpu.dma_semaphore, #tpu.memory_space<semaphore_mem>>) {add = true}
          %dma_wait3A_175 = arith.constant 0 : i32
          %dma_wait3A_176 = tpu.memref_slice %arg7[%add3A_167, %dma_wait3A_175] : memref<24x128xi32, #tpu.memory_space<vmem>> -> memref<1x128xi32, #tpu.memory_space<vmem>>
          %dma_wait3A_177 = tpu.memref_squeeze %dma_wait3A_176 : memref<1x128xi32, #tpu.memory_space<vmem>> -> memref<128xi32, #tpu.memory_space<vmem>>
          %dma_wait3A_178 = arith.constant 0 : i32
          %dma_wait3A_179 = arith.constant 0 : i32
          %dma_wait3A_180 = tpu.memref_slice %arg10[%dma_wait3A_178, %dma_wait3A_179] : memref<10016x128xf32, #tpu.memory_space<vmem_shared>> -> memref<10016x128xf32, #tpu.memory_space<vmem_shared>>
          tpu.wait_indirect_dma semaphore(%run_scoped3A : memref<!tpu.dma_semaphore, #tpu.memory_space<semaphore_mem>>) src(%arg9 : memref<128x128xf32, #tpu.memory_space<vmem>>) dst(%dma_wait3A_180 : memref<10016x128xf32, #tpu.memory_space<vmem_shared>>)
          tpu.yield
        }) : () -> ()
        %while3A_168 = arith.constant 0 : i32
        scf.yield %while3A_168 : i32
      }
      %while3A_134 = arith.constant 0 : i32
      scf.yield %while3A_134 : i32
    }
    %barrier3A_74 = arith.constant 0 : index
    tpu.barrier barrier_id(%barrier3A_74)
    "tpu.trace_stop"() : () -> ()
    "tpu.trace_start"() <{level = 10 : i32, message = "ph3_dump"}> : () -> ()
    %mul3A_75 = arith.constant 624 : i32
    %mul3A_76 = arith.muli %arg1, %mul3A_75 : i32
    %mul3A_77 = arith.constant 624 : i32
    %mul3A_78 = arith.muli %arg1, %mul3A_77 : i32
    "tpu.region"() ({
      %run_scoped3A = tpu.sem_alloc : memref<!tpu.dma_semaphore, #tpu.memory_space<semaphore_mem>>
      %dma_start3A = arith.constant 0 : i32
      %dma_start3A_84 = arith.constant 0 : i32
      %dma_start3A_85 = tpu.memref_slice %arg5[%arg0, %dma_start3A, %dma_start3A_84] : memref<2x10000x128xf32, #tpu.memory_space<hbm>> -> memref<1x10000x128xf32, #tpu.memory_space<hbm>>
      %dma_start3A_86 = tpu.memref_squeeze %dma_start3A_85 : memref<1x10000x128xf32, #tpu.memory_space<hbm>> -> memref<10000x128xf32, #tpu.memory_space<hbm>>
      %dma_start3A_87 = arith.constant 0 : i32
      %dma_start3A_88 = tpu.memref_slice %dma_start3A_86[%mul3A_78, %dma_start3A_87] : memref<10000x128xf32, #tpu.memory_space<hbm>> -> memref<624x128xf32, #tpu.memory_space<hbm>>
      %dma_start3A_89 = arith.constant 0 : i32
      %dma_start3A_90 = tpu.memref_slice %arg10[%mul3A_76, %dma_start3A_89] : memref<10016x128xf32, #tpu.memory_space<vmem_shared>> -> memref<624x128xf32, #tpu.memory_space<vmem_shared>>
      tpu.enqueue_dma source(%dma_start3A_90 : memref<624x128xf32, #tpu.memory_space<vmem_shared>>) target(%dma_start3A_88 : memref<624x128xf32, #tpu.memory_space<hbm>>) target_semaphore(%run_scoped3A : memref<!tpu.dma_semaphore, #tpu.memory_space<semaphore_mem>>)
      %dma_wait3A = arith.constant 0 : i32
      %dma_wait3A_91 = arith.constant 0 : i32
      %dma_wait3A_92 = tpu.memref_slice %arg5[%arg0, %dma_wait3A, %dma_wait3A_91] : memref<2x10000x128xf32, #tpu.memory_space<hbm>> -> memref<1x10000x128xf32, #tpu.memory_space<hbm>>
      %dma_wait3A_93 = tpu.memref_squeeze %dma_wait3A_92 : memref<1x10000x128xf32, #tpu.memory_space<hbm>> -> memref<10000x128xf32, #tpu.memory_space<hbm>>
      %dma_wait3A_94 = arith.constant 0 : i32
      %dma_wait3A_95 = tpu.memref_slice %dma_wait3A_93[%mul3A_78, %dma_wait3A_94] : memref<10000x128xf32, #tpu.memory_space<hbm>> -> memref<624x128xf32, #tpu.memory_space<hbm>>
      %dma_wait3A_96 = arith.constant 0 : i32
      %dma_wait3A_97 = tpu.memref_slice %arg10[%mul3A_76, %dma_wait3A_96] : memref<10016x128xf32, #tpu.memory_space<vmem_shared>> -> memref<624x128xf32, #tpu.memory_space<vmem_shared>>
      tpu.wait_dma2 semaphore(%run_scoped3A : memref<!tpu.dma_semaphore, #tpu.memory_space<semaphore_mem>>) src(%dma_wait3A_97 : memref<624x128xf32, #tpu.memory_space<vmem_shared>>) dst(%dma_wait3A_95 : memref<624x128xf32, #tpu.memory_space<hbm>>)
      tpu.yield
    }) : () -> ()
    %lt3A_79 = arith.constant 2 : i32
    %lt3A_80 = arith.cmpi slt, %arg1, %lt3A_79 : i32
    %convert_element_type3A_81 = arith.extui %lt3A_80 : i1 to i32
    %cond3A_82 = arith.constant 0 : i32
    %cond3A_83 = arith.cmpi ne, %convert_element_type3A_81, %cond3A_82 : i32
    scf.if %cond3A_83 {
      %mul3A_84 = arith.constant 8 : i32
      %mul3A_85 = arith.muli %arg1, %mul3A_84 : i32
      %add3A_86 = arith.constant 9984 : i32
      %add3A_87 = arith.addi %add3A_86, %mul3A_85 : i32
      "tpu.region"() ({
        %run_scoped3A = tpu.sem_alloc : memref<!tpu.dma_semaphore, #tpu.memory_space<semaphore_mem>>
        %dma_start3A = arith.constant 0 : i32
        %dma_start3A_88 = arith.constant 0 : i32
        %dma_start3A_89 = tpu.memref_slice %arg5[%arg0, %dma_start3A, %dma_start3A_88] : memref<2x10000x128xf32, #tpu.memory_space<hbm>> -> memref<1x10000x128xf32, #tpu.memory_space<hbm>>
        %dma_start3A_90 = tpu.memref_squeeze %dma_start3A_89 : memref<1x10000x128xf32, #tpu.memory_space<hbm>> -> memref<10000x128xf32, #tpu.memory_space<hbm>>
        %dma_start3A_91 = arith.constant 0 : i32
        %dma_start3A_92 = tpu.memref_slice %dma_start3A_90[%add3A_87, %dma_start3A_91] : memref<10000x128xf32, #tpu.memory_space<hbm>> -> memref<8x128xf32, #tpu.memory_space<hbm>>
        %dma_start3A_93 = arith.constant 0 : i32
        %dma_start3A_94 = tpu.memref_slice %arg10[%add3A_87, %dma_start3A_93] : memref<10016x128xf32, #tpu.memory_space<vmem_shared>> -> memref<8x128xf32, #tpu.memory_space<vmem_shared>>
        tpu.enqueue_dma source(%dma_start3A_94 : memref<8x128xf32, #tpu.memory_space<vmem_shared>>) target(%dma_start3A_92 : memref<8x128xf32, #tpu.memory_space<hbm>>) target_semaphore(%run_scoped3A : memref<!tpu.dma_semaphore, #tpu.memory_space<semaphore_mem>>)
        %dma_wait3A = arith.constant 0 : i32
        %dma_wait3A_95 = arith.constant 0 : i32
        %dma_wait3A_96 = tpu.memref_slice %arg5[%arg0, %dma_wait3A, %dma_wait3A_95] : memref<2x10000x128xf32, #tpu.memory_space<hbm>> -> memref<1x10000x128xf32, #tpu.memory_space<hbm>>
        %dma_wait3A_97 = tpu.memref_squeeze %dma_wait3A_96 : memref<1x10000x128xf32, #tpu.memory_space<hbm>> -> memref<10000x128xf32, #tpu.memory_space<hbm>>
        %dma_wait3A_98 = arith.constant 0 : i32
        %dma_wait3A_99 = tpu.memref_slice %dma_wait3A_97[%add3A_87, %dma_wait3A_98] : memref<10000x128xf32, #tpu.memory_space<hbm>> -> memref<8x128xf32, #tpu.memory_space<hbm>>
        %dma_wait3A_100 = arith.constant 0 : i32
        %dma_wait3A_101 = tpu.memref_slice %arg10[%add3A_87, %dma_wait3A_100] : memref<10016x128xf32, #tpu.memory_space<vmem_shared>> -> memref<8x128xf32, #tpu.memory_space<vmem_shared>>
        tpu.wait_dma2 semaphore(%run_scoped3A : memref<!tpu.dma_semaphore, #tpu.memory_space<semaphore_mem>>) src(%dma_wait3A_101 : memref<8x128xf32, #tpu.memory_space<vmem_shared>>) dst(%dma_wait3A_99 : memref<8x128xf32, #tpu.memory_space<hbm>>)
        tpu.yield
      }) : () -> ()
    } else {
    }
    "tpu.trace_stop"() : () -> ()
    return
  }
}

#map = affine_map<(d0, d1) -> (0, 0)>
#map1 = affine_map<(d0, d1) -> (0, 0, 0)>
module attributes {stable_mosaic.version = 14 : i64} {
  func.func @edge_kernel(%arg0: i32, %arg1: i32, %arg2: memref<10000x128xf32, #tpu.memory_space<hbm>>, %arg3: memref<2584x128xi32, #tpu.memory_space<hbm>>, %arg4: memref<2584x128xi32, #tpu.memory_space<hbm>>, %arg5: memref<2x10000x128xf32, #tpu.memory_space<hbm>>, %arg6: memref<24x128xi32, #tpu.memory_space<vmem>>, %arg7: memref<24x128xi32, #tpu.memory_space<vmem>>, %arg8: memref<128x128xf32, #tpu.memory_space<vmem>>, %arg9: memref<128x128xf32, #tpu.memory_space<vmem>>, %arg10: memref<10016x128xf32, #tpu.memory_space<vmem_shared>>, %arg11: memref<!tpu.dma_semaphore, #tpu.memory_space<semaphore_mem>>, %arg12: memref<!tpu.dma_semaphore, #tpu.memory_space<semaphore_mem>>) attributes {dimension_semantics = [#tpu.dimension_semantics<core_parallel>, #tpu.dimension_semantics<subcore_parallel>], iteration_bounds = array<i64: 2, 16>, scalar_prefetch = 0 : i64, scratch_operands = 7 : i64, tpu.core_type = #tpu.core_type<sc_vector_subcore>, window_params = [{transform_indices = #map}, {transform_indices = #map}, {transform_indices = #map}, {transform_indices = #map1}]} {
    "tpu.trace_start"() <{level = 10 : i32, message = "ph1_zero"}> : () -> ()
    %scan3A = arith.constant 0 : i32
    %scan3A_0 = arith.constant 0 : i32
    %scan3A_1 = arith.constant 832 : i32
    %scan3A_2 = arith.addi %scan3A_0, %scan3A_1 : i32
    %scan3A_3 = arith.constant 1 : i32
    %scan3A_4 = scf.for %scan3A_84 = %scan3A_0 to %scan3A_2 step %scan3A_3 iter_args(%scan3A_85 = %scan3A) -> (i32)  : i32 {
      %jit3A_86 = arith.constant 8 : i32
      %div3A_87 = arith.divsi %scan3A_84, %jit3A_86 : i32
      %sign3A_88 = arith.constant 0 : i32
      %sign3A_89 = arith.cmpi sgt, %scan3A_84, %sign3A_88 : i32
      %sign3A_90 = arith.extui %sign3A_89 : i1 to i32
      %sign3A_91 = arith.constant 0 : i32
      %sign3A_92 = arith.cmpi slt, %scan3A_84, %sign3A_91 : i32
      %sign3A_93 = arith.extui %sign3A_92 : i1 to i32
      %sign3A_94 = arith.subi %sign3A_90, %sign3A_93 : i32
      %sign3A_95 = arith.constant 0 : i32
      %sign3A_96 = arith.cmpi sgt, %jit3A_86, %sign3A_95 : i32
      %sign3A_97 = arith.extui %sign3A_96 : i1 to i32
      %sign3A_98 = arith.constant 0 : i32
      %sign3A_99 = arith.cmpi slt, %jit3A_86, %sign3A_98 : i32
      %sign3A_100 = arith.extui %sign3A_99 : i1 to i32
      %sign3A_101 = arith.subi %sign3A_97, %sign3A_100 : i32
      %ne3A_102 = arith.cmpi ne, %sign3A_94, %sign3A_101 : i32
      %rem3A_103 = arith.remsi %scan3A_84, %jit3A_86 : i32
      %ne3A_104 = arith.constant 0 : i32
      %ne3A_105 = arith.cmpi ne, %rem3A_103, %ne3A_104 : i32
      %and3A_106 = arith.andi %ne3A_102, %ne3A_105 : i1
      %sub3A_107 = arith.constant 1 : i32
      %sub3A_108 = arith.subi %div3A_87, %sub3A_107 : i32
      %select_n3A_109 = arith.select %and3A_106, %sub3A_108, %div3A_87 : i32
      %jit3A_110 = arith.constant 8 : i32
      %eq3A_111 = arith.constant 0 : i32
      %eq3A_112 = arith.cmpi eq, %jit3A_110, %eq3A_111 : i32
      %jit3A_113 = arith.constant 1 : i32
      %select_n3A_114 = arith.select %eq3A_112, %jit3A_113, %jit3A_110 : i32
      %rem3A_115 = arith.remsi %scan3A_84, %select_n3A_114 : i32
      %ne3A_116 = arith.constant 0 : i32
      %ne3A_117 = arith.cmpi ne, %rem3A_115, %ne3A_116 : i32
      %lt3A_118 = arith.constant 0 : i32
      %lt3A_119 = arith.cmpi slt, %rem3A_115, %lt3A_118 : i32
      %lt3A_120 = arith.constant 0 : i32
      %lt3A_121 = arith.cmpi slt, %select_n3A_114, %lt3A_120 : i32
      %ne3A_122 = arith.xori %lt3A_119, %lt3A_121 : i1
      %and3A_123 = arith.andi %ne3A_122, %ne3A_117 : i1
      %add3A_124 = arith.addi %rem3A_115, %select_n3A_114 : i32
      %select_n3A_125 = arith.select %and3A_123, %add3A_124, %rem3A_115 : i32
      %mul3A_126 = arith.constant 16 : i32
      %mul3A_127 = arith.muli %select_n3A_125, %mul3A_126 : i32
      %broadcast_in_dim3A = arith.constant 0.000000e+00 : f32
      %broadcast_in_dim3A_128 = vector.broadcast %broadcast_in_dim3A : f32 to vector<16xf32>
      %swap3A = arith.index_cast %select_n3A_109 : i32 to index
      %swap3A_129 = arith.index_cast %mul3A_127 : i32 to index
      %swap3A_130 = tpu.vector_load %arg8[%swap3A, %swap3A_129] {strides = array<i32>} : memref<128x128xf32, #tpu.memory_space<vmem>>, vector<1x16xf32>,
      %swap3A_131 = vector.shape_cast %swap3A_130 : vector<1x16xf32> to vector<16xf32>
      %swap3A_132 = vector.shape_cast %broadcast_in_dim3A_128 : vector<16xf32> to vector<1x16xf32>
      tpu.vector_store %arg8[%swap3A, %swap3A_129], %swap3A_132 {strides = array<i32>} : memref<128x128xf32, #tpu.memory_space<vmem>>, vector<1x16xf32>,
      %scan3A_133 = arith.constant 0 : i32
      scf.yield %scan3A_133 : i32
    }
    %scan3A_5 = arith.constant 832 : i32
    %mul3A = arith.constant 624 : i32
    %mul3A_6 = arith.muli %arg1, %mul3A : i32
    %add3A = arith.constant 0 : i32
    %add3A_7 = arith.addi %mul3A_6, %add3A : i32
    "tpu.region"() ({
      %run_scoped3A = tpu.sem_alloc : memref<!tpu.dma_semaphore, #tpu.memory_space<semaphore_mem>>
      %dma_start3A = arith.constant 0 : i32
      %dma_start3A_84 = arith.constant 0 : i32
      %dma_start3A_85 = tpu.memref_slice %arg8[%dma_start3A, %dma_start3A_84] : memref<128x128xf32, #tpu.memory_space<vmem>> -> memref<104x128xf32, #tpu.memory_space<vmem>>
      %dma_start3A_86 = arith.constant 0 : i32
      %dma_start3A_87 = tpu.memref_slice %arg10[%add3A_7, %dma_start3A_86] : memref<10016x128xf32, #tpu.memory_space<vmem_shared>> -> memref<104x128xf32, #tpu.memory_space<vmem_shared>>
      %dma_start3A_88 = arith.constant 0 : i32
      %dma_start3A_89 = tpu.memref_slice %arg10[%add3A_7, %dma_start3A_88] : memref<10016x128xf32, #tpu.memory_space<vmem_shared>> -> memref<104x128xf32, #tpu.memory_space<vmem_shared>>
      %dma_start3A_90 = arith.constant 0 : i32
      %dma_start3A_91 = arith.constant 0 : i32
      %dma_start3A_92 = tpu.memref_slice %arg8[%dma_start3A_90, %dma_start3A_91] : memref<128x128xf32, #tpu.memory_space<vmem>> -> memref<104x128xf32, #tpu.memory_space<vmem>>
      tpu.enqueue_dma source(%dma_start3A_92 : memref<104x128xf32, #tpu.memory_space<vmem>>) target(%dma_start3A_89 : memref<104x128xf32, #tpu.memory_space<vmem_shared>>) target_semaphore(%run_scoped3A : memref<!tpu.dma_semaphore, #tpu.memory_space<semaphore_mem>>)
      %dma_wait3A = arith.constant 0 : i32
      %dma_wait3A_93 = arith.constant 0 : i32
      %dma_wait3A_94 = tpu.memref_slice %arg8[%dma_wait3A, %dma_wait3A_93] : memref<128x128xf32, #tpu.memory_space<vmem>> -> memref<104x128xf32, #tpu.memory_space<vmem>>
      %dma_wait3A_95 = arith.constant 0 : i32
      %dma_wait3A_96 = tpu.memref_slice %arg10[%add3A_7, %dma_wait3A_95] : memref<10016x128xf32, #tpu.memory_space<vmem_shared>> -> memref<104x128xf32, #tpu.memory_space<vmem_shared>>
      %dma_wait3A_97 = arith.constant 0 : i32
      %dma_wait3A_98 = tpu.memref_slice %arg10[%add3A_7, %dma_wait3A_97] : memref<10016x128xf32, #tpu.memory_space<vmem_shared>> -> memref<104x128xf32, #tpu.memory_space<vmem_shared>>
      %dma_wait3A_99 = arith.constant 0 : i32
      %dma_wait3A_100 = arith.constant 0 : i32
      %dma_wait3A_101 = tpu.memref_slice %arg8[%dma_wait3A_99, %dma_wait3A_100] : memref<128x128xf32, #tpu.memory_space<vmem>> -> memref<104x128xf32, #tpu.memory_space<vmem>>
      tpu.wait_dma2 semaphore(%run_scoped3A : memref<!tpu.dma_semaphore, #tpu.memory_space<semaphore_mem>>) src(%dma_wait3A_101 : memref<104x128xf32, #tpu.memory_space<vmem>>) dst(%dma_wait3A_98 : memref<104x128xf32, #tpu.memory_space<vmem_shared>>)
      tpu.yield
    }) : () -> ()
    %mul3A_8 = arith.constant 624 : i32
    %mul3A_9 = arith.muli %arg1, %mul3A_8 : i32
    %add3A_10 = arith.constant 104 : i32
    %add3A_11 = arith.addi %mul3A_9, %add3A_10 : i32
    "tpu.region"() ({
      %run_scoped3A = tpu.sem_alloc : memref<!tpu.dma_semaphore, #tpu.memory_space<semaphore_mem>>
      %dma_start3A = arith.constant 0 : i32
      %dma_start3A_84 = arith.constant 0 : i32
      %dma_start3A_85 = tpu.memref_slice %arg8[%dma_start3A, %dma_start3A_84] : memref<128x128xf32, #tpu.memory_space<vmem>> -> memref<104x128xf32, #tpu.memory_space<vmem>>
      %dma_start3A_86 = arith.constant 0 : i32
      %dma_start3A_87 = tpu.memref_slice %arg10[%add3A_11, %dma_start3A_86] : memref<10016x128xf32, #tpu.memory_space<vmem_shared>> -> memref<104x128xf32, #tpu.memory_space<vmem_shared>>
      %dma_start3A_88 = arith.constant 0 : i32
      %dma_start3A_89 = tpu.memref_slice %arg10[%add3A_11, %dma_start3A_88] : memref<10016x128xf32, #tpu.memory_space<vmem_shared>> -> memref<104x128xf32, #tpu.memory_space<vmem_shared>>
      %dma_start3A_90 = arith.constant 0 : i32
      %dma_start3A_91 = arith.constant 0 : i32
      %dma_start3A_92 = tpu.memref_slice %arg8[%dma_start3A_90, %dma_start3A_91] : memref<128x128xf32, #tpu.memory_space<vmem>> -> memref<104x128xf32, #tpu.memory_space<vmem>>
      tpu.enqueue_dma source(%dma_start3A_92 : memref<104x128xf32, #tpu.memory_space<vmem>>) target(%dma_start3A_89 : memref<104x128xf32, #tpu.memory_space<vmem_shared>>) target_semaphore(%run_scoped3A : memref<!tpu.dma_semaphore, #tpu.memory_space<semaphore_mem>>)
      %dma_wait3A = arith.constant 0 : i32
      %dma_wait3A_93 = arith.constant 0 : i32
      %dma_wait3A_94 = tpu.memref_slice %arg8[%dma_wait3A, %dma_wait3A_93] : memref<128x128xf32, #tpu.memory_space<vmem>> -> memref<104x128xf32, #tpu.memory_space<vmem>>
      %dma_wait3A_95 = arith.constant 0 : i32
      %dma_wait3A_96 = tpu.memref_slice %arg10[%add3A_11, %dma_wait3A_95] : memref<10016x128xf32, #tpu.memory_space<vmem_shared>> -> memref<104x128xf32, #tpu.memory_space<vmem_shared>>
      %dma_wait3A_97 = arith.constant 0 : i32
      %dma_wait3A_98 = tpu.memref_slice %arg10[%add3A_11, %dma_wait3A_97] : memref<10016x128xf32, #tpu.memory_space<vmem_shared>> -> memref<104x128xf32, #tpu.memory_space<vmem_shared>>
      %dma_wait3A_99 = arith.constant 0 : i32
      %dma_wait3A_100 = arith.constant 0 : i32
      %dma_wait3A_101 = tpu.memref_slice %arg8[%dma_wait3A_99, %dma_wait3A_100] : memref<128x128xf32, #tpu.memory_space<vmem>> -> memref<104x128xf32, #tpu.memory_space<vmem>>
      tpu.wait_dma2 semaphore(%run_scoped3A : memref<!tpu.dma_semaphore, #tpu.memory_space<semaphore_mem>>) src(%dma_wait3A_101 : memref<104x128xf32, #tpu.memory_space<vmem>>) dst(%dma_wait3A_98 : memref<104x128xf32, #tpu.memory_space<vmem_shared>>)
      tpu.yield
    }) : () -> ()
    %mul3A_12 = arith.constant 624 : i32
    %mul3A_13 = arith.muli %arg1, %mul3A_12 : i32
    %add3A_14 = arith.constant 208 : i32
    %add3A_15 = arith.addi %mul3A_13, %add3A_14 : i32
    "tpu.region"() ({
      %run_scoped3A = tpu.sem_alloc : memref<!tpu.dma_semaphore, #tpu.memory_space<semaphore_mem>>
      %dma_start3A = arith.constant 0 : i32
      %dma_start3A_84 = arith.constant 0 : i32
      %dma_start3A_85 = tpu.memref_slice %arg8[%dma_start3A, %dma_start3A_84] : memref<128x128xf32, #tpu.memory_space<vmem>> -> memref<104x128xf32, #tpu.memory_space<vmem>>
      %dma_start3A_86 = arith.constant 0 : i32
      %dma_start3A_87 = tpu.memref_slice %arg10[%add3A_15, %dma_start3A_86] : memref<10016x128xf32, #tpu.memory_space<vmem_shared>> -> memref<104x128xf32, #tpu.memory_space<vmem_shared>>
      %dma_start3A_88 = arith.constant 0 : i32
      %dma_start3A_89 = tpu.memref_slice %arg10[%add3A_15, %dma_start3A_88] : memref<10016x128xf32, #tpu.memory_space<vmem_shared>> -> memref<104x128xf32, #tpu.memory_space<vmem_shared>>
      %dma_start3A_90 = arith.constant 0 : i32
      %dma_start3A_91 = arith.constant 0 : i32
      %dma_start3A_92 = tpu.memref_slice %arg8[%dma_start3A_90, %dma_start3A_91] : memref<128x128xf32, #tpu.memory_space<vmem>> -> memref<104x128xf32, #tpu.memory_space<vmem>>
      tpu.enqueue_dma source(%dma_start3A_92 : memref<104x128xf32, #tpu.memory_space<vmem>>) target(%dma_start3A_89 : memref<104x128xf32, #tpu.memory_space<vmem_shared>>) target_semaphore(%run_scoped3A : memref<!tpu.dma_semaphore, #tpu.memory_space<semaphore_mem>>)
      %dma_wait3A = arith.constant 0 : i32
      %dma_wait3A_93 = arith.constant 0 : i32
      %dma_wait3A_94 = tpu.memref_slice %arg8[%dma_wait3A, %dma_wait3A_93] : memref<128x128xf32, #tpu.memory_space<vmem>> -> memref<104x128xf32, #tpu.memory_space<vmem>>
      %dma_wait3A_95 = arith.constant 0 : i32
      %dma_wait3A_96 = tpu.memref_slice %arg10[%add3A_15, %dma_wait3A_95] : memref<10016x128xf32, #tpu.memory_space<vmem_shared>> -> memref<104x128xf32, #tpu.memory_space<vmem_shared>>
      %dma_wait3A_97 = arith.constant 0 : i32
      %dma_wait3A_98 = tpu.memref_slice %arg10[%add3A_15, %dma_wait3A_97] : memref<10016x128xf32, #tpu.memory_space<vmem_shared>> -> memref<104x128xf32, #tpu.memory_space<vmem_shared>>
      %dma_wait3A_99 = arith.constant 0 : i32
      %dma_wait3A_100 = arith.constant 0 : i32
      %dma_wait3A_101 = tpu.memref_slice %arg8[%dma_wait3A_99, %dma_wait3A_100] : memref<128x128xf32, #tpu.memory_space<vmem>> -> memref<104x128xf32, #tpu.memory_space<vmem>>
      tpu.wait_dma2 semaphore(%run_scoped3A : memref<!tpu.dma_semaphore, #tpu.memory_space<semaphore_mem>>) src(%dma_wait3A_101 : memref<104x128xf32, #tpu.memory_space<vmem>>) dst(%dma_wait3A_98 : memref<104x128xf32, #tpu.memory_space<vmem_shared>>)
      tpu.yield
    }) : () -> ()
    %mul3A_16 = arith.constant 624 : i32
    %mul3A_17 = arith.muli %arg1, %mul3A_16 : i32
    %add3A_18 = arith.constant 312 : i32
    %add3A_19 = arith.addi %mul3A_17, %add3A_18 : i32
    "tpu.region"() ({
      %run_scoped3A = tpu.sem_alloc : memref<!tpu.dma_semaphore, #tpu.memory_space<semaphore_mem>>
      %dma_start3A = arith.constant 0 : i32
      %dma_start3A_84 = arith.constant 0 : i32
      %dma_start3A_85 = tpu.memref_slice %arg8[%dma_start3A, %dma_start3A_84] : memref<128x128xf32, #tpu.memory_space<vmem>> -> memref<104x128xf32, #tpu.memory_space<vmem>>
      %dma_start3A_86 = arith.constant 0 : i32
      %dma_start3A_87 = tpu.memref_slice %arg10[%add3A_19, %dma_start3A_86] : memref<10016x128xf32, #tpu.memory_space<vmem_shared>> -> memref<104x128xf32, #tpu.memory_space<vmem_shared>>
      %dma_start3A_88 = arith.constant 0 : i32
      %dma_start3A_89 = tpu.memref_slice %arg10[%add3A_19, %dma_start3A_88] : memref<10016x128xf32, #tpu.memory_space<vmem_shared>> -> memref<104x128xf32, #tpu.memory_space<vmem_shared>>
      %dma_start3A_90 = arith.constant 0 : i32
      %dma_start3A_91 = arith.constant 0 : i32
      %dma_start3A_92 = tpu.memref_slice %arg8[%dma_start3A_90, %dma_start3A_91] : memref<128x128xf32, #tpu.memory_space<vmem>> -> memref<104x128xf32, #tpu.memory_space<vmem>>
      tpu.enqueue_dma source(%dma_start3A_92 : memref<104x128xf32, #tpu.memory_space<vmem>>) target(%dma_start3A_89 : memref<104x128xf32, #tpu.memory_space<vmem_shared>>) target_semaphore(%run_scoped3A : memref<!tpu.dma_semaphore, #tpu.memory_space<semaphore_mem>>)
      %dma_wait3A = arith.constant 0 : i32
      %dma_wait3A_93 = arith.constant 0 : i32
      %dma_wait3A_94 = tpu.memref_slice %arg8[%dma_wait3A, %dma_wait3A_93] : memref<128x128xf32, #tpu.memory_space<vmem>> -> memref<104x128xf32, #tpu.memory_space<vmem>>
      %dma_wait3A_95 = arith.constant 0 : i32
      %dma_wait3A_96 = tpu.memref_slice %arg10[%add3A_19, %dma_wait3A_95] : memref<10016x128xf32, #tpu.memory_space<vmem_shared>> -> memref<104x128xf32, #tpu.memory_space<vmem_shared>>
      %dma_wait3A_97 = arith.constant 0 : i32
      %dma_wait3A_98 = tpu.memref_slice %arg10[%add3A_19, %dma_wait3A_97] : memref<10016x128xf32, #tpu.memory_space<vmem_shared>> -> memref<104x128xf32, #tpu.memory_space<vmem_shared>>
      %dma_wait3A_99 = arith.constant 0 : i32
      %dma_wait3A_100 = arith.constant 0 : i32
      %dma_wait3A_101 = tpu.memref_slice %arg8[%dma_wait3A_99, %dma_wait3A_100] : memref<128x128xf32, #tpu.memory_space<vmem>> -> memref<104x128xf32, #tpu.memory_space<vmem>>
      tpu.wait_dma2 semaphore(%run_scoped3A : memref<!tpu.dma_semaphore, #tpu.memory_space<semaphore_mem>>) src(%dma_wait3A_101 : memref<104x128xf32, #tpu.memory_space<vmem>>) dst(%dma_wait3A_98 : memref<104x128xf32, #tpu.memory_space<vmem_shared>>)
      tpu.yield
    }) : () -> ()
    %mul3A_20 = arith.constant 624 : i32
    %mul3A_21 = arith.muli %arg1, %mul3A_20 : i32
    %add3A_22 = arith.constant 416 : i32
    %add3A_23 = arith.addi %mul3A_21, %add3A_22 : i32
    "tpu.region"() ({
      %run_scoped3A = tpu.sem_alloc : memref<!tpu.dma_semaphore, #tpu.memory_space<semaphore_mem>>
      %dma_start3A = arith.constant 0 : i32
      %dma_start3A_84 = arith.constant 0 : i32
      %dma_start3A_85 = tpu.memref_slice %arg8[%dma_start3A, %dma_start3A_84] : memref<128x128xf32, #tpu.memory_space<vmem>> -> memref<104x128xf32, #tpu.memory_space<vmem>>
      %dma_start3A_86 = arith.constant 0 : i32
      %dma_start3A_87 = tpu.memref_slice %arg10[%add3A_23, %dma_start3A_86] : memref<10016x128xf32, #tpu.memory_space<vmem_shared>> -> memref<104x128xf32, #tpu.memory_space<vmem_shared>>
      %dma_start3A_88 = arith.constant 0 : i32
      %dma_start3A_89 = tpu.memref_slice %arg10[%add3A_23, %dma_start3A_88] : memref<10016x128xf32, #tpu.memory_space<vmem_shared>> -> memref<104x128xf32, #tpu.memory_space<vmem_shared>>
      %dma_start3A_90 = arith.constant 0 : i32
      %dma_start3A_91 = arith.constant 0 : i32
      %dma_start3A_92 = tpu.memref_slice %arg8[%dma_start3A_90, %dma_start3A_91] : memref<128x128xf32, #tpu.memory_space<vmem>> -> memref<104x128xf32, #tpu.memory_space<vmem>>
      tpu.enqueue_dma source(%dma_start3A_92 : memref<104x128xf32, #tpu.memory_space<vmem>>) target(%dma_start3A_89 : memref<104x128xf32, #tpu.memory_space<vmem_shared>>) target_semaphore(%run_scoped3A : memref<!tpu.dma_semaphore, #tpu.memory_space<semaphore_mem>>)
      %dma_wait3A = arith.constant 0 : i32
      %dma_wait3A_93 = arith.constant 0 : i32
      %dma_wait3A_94 = tpu.memref_slice %arg8[%dma_wait3A, %dma_wait3A_93] : memref<128x128xf32, #tpu.memory_space<vmem>> -> memref<104x128xf32, #tpu.memory_space<vmem>>
      %dma_wait3A_95 = arith.constant 0 : i32
      %dma_wait3A_96 = tpu.memref_slice %arg10[%add3A_23, %dma_wait3A_95] : memref<10016x128xf32, #tpu.memory_space<vmem_shared>> -> memref<104x128xf32, #tpu.memory_space<vmem_shared>>
      %dma_wait3A_97 = arith.constant 0 : i32
      %dma_wait3A_98 = tpu.memref_slice %arg10[%add3A_23, %dma_wait3A_97] : memref<10016x128xf32, #tpu.memory_space<vmem_shared>> -> memref<104x128xf32, #tpu.memory_space<vmem_shared>>
      %dma_wait3A_99 = arith.constant 0 : i32
      %dma_wait3A_100 = arith.constant 0 : i32
      %dma_wait3A_101 = tpu.memref_slice %arg8[%dma_wait3A_99, %dma_wait3A_100] : memref<128x128xf32, #tpu.memory_space<vmem>> -> memref<104x128xf32, #tpu.memory_space<vmem>>
      tpu.wait_dma2 semaphore(%run_scoped3A : memref<!tpu.dma_semaphore, #tpu.memory_space<semaphore_mem>>) src(%dma_wait3A_101 : memref<104x128xf32, #tpu.memory_space<vmem>>) dst(%dma_wait3A_98 : memref<104x128xf32, #tpu.memory_space<vmem_shared>>)
      tpu.yield
    }) : () -> ()
    %mul3A_24 = arith.constant 624 : i32
    %mul3A_25 = arith.muli %arg1, %mul3A_24 : i32
    %add3A_26 = arith.constant 520 : i32
    %add3A_27 = arith.addi %mul3A_25, %add3A_26 : i32
    "tpu.region"() ({
      %run_scoped3A = tpu.sem_alloc : memref<!tpu.dma_semaphore, #tpu.memory_space<semaphore_mem>>
      %dma_start3A = arith.constant 0 : i32
      %dma_start3A_84 = arith.constant 0 : i32
      %dma_start3A_85 = tpu.memref_slice %arg8[%dma_start3A, %dma_start3A_84] : memref<128x128xf32, #tpu.memory_space<vmem>> -> memref<104x128xf32, #tpu.memory_space<vmem>>
      %dma_start3A_86 = arith.constant 0 : i32
      %dma_start3A_87 = tpu.memref_slice %arg10[%add3A_27, %dma_start3A_86] : memref<10016x128xf32, #tpu.memory_space<vmem_shared>> -> memref<104x128xf32, #tpu.memory_space<vmem_shared>>
      %dma_start3A_88 = arith.constant 0 : i32
      %dma_start3A_89 = tpu.memref_slice %arg10[%add3A_27, %dma_start3A_88] : memref<10016x128xf32, #tpu.memory_space<vmem_shared>> -> memref<104x128xf32, #tpu.memory_space<vmem_shared>>
      %dma_start3A_90 = arith.constant 0 : i32
      %dma_start3A_91 = arith.constant 0 : i32
      %dma_start3A_92 = tpu.memref_slice %arg8[%dma_start3A_90, %dma_start3A_91] : memref<128x128xf32, #tpu.memory_space<vmem>> -> memref<104x128xf32, #tpu.memory_space<vmem>>
      tpu.enqueue_dma source(%dma_start3A_92 : memref<104x128xf32, #tpu.memory_space<vmem>>) target(%dma_start3A_89 : memref<104x128xf32, #tpu.memory_space<vmem_shared>>) target_semaphore(%run_scoped3A : memref<!tpu.dma_semaphore, #tpu.memory_space<semaphore_mem>>)
      %dma_wait3A = arith.constant 0 : i32
      %dma_wait3A_93 = arith.constant 0 : i32
      %dma_wait3A_94 = tpu.memref_slice %arg8[%dma_wait3A, %dma_wait3A_93] : memref<128x128xf32, #tpu.memory_space<vmem>> -> memref<104x128xf32, #tpu.memory_space<vmem>>
      %dma_wait3A_95 = arith.constant 0 : i32
      %dma_wait3A_96 = tpu.memref_slice %arg10[%add3A_27, %dma_wait3A_95] : memref<10016x128xf32, #tpu.memory_space<vmem_shared>> -> memref<104x128xf32, #tpu.memory_space<vmem_shared>>
      %dma_wait3A_97 = arith.constant 0 : i32
      %dma_wait3A_98 = tpu.memref_slice %arg10[%add3A_27, %dma_wait3A_97] : memref<10016x128xf32, #tpu.memory_space<vmem_shared>> -> memref<104x128xf32, #tpu.memory_space<vmem_shared>>
      %dma_wait3A_99 = arith.constant 0 : i32
      %dma_wait3A_100 = arith.constant 0 : i32
      %dma_wait3A_101 = tpu.memref_slice %arg8[%dma_wait3A_99, %dma_wait3A_100] : memref<128x128xf32, #tpu.memory_space<vmem>> -> memref<104x128xf32, #tpu.memory_space<vmem>>
      tpu.wait_dma2 semaphore(%run_scoped3A : memref<!tpu.dma_semaphore, #tpu.memory_space<semaphore_mem>>) src(%dma_wait3A_101 : memref<104x128xf32, #tpu.memory_space<vmem>>) dst(%dma_wait3A_98 : memref<104x128xf32, #tpu.memory_space<vmem_shared>>)
      tpu.yield
    }) : () -> ()
    %lt3A = arith.constant 2 : i32
    %lt3A_28 = arith.cmpi slt, %arg1, %lt3A : i32
    %convert_element_type3A = arith.extui %lt3A_28 : i1 to i32
    %cond3A = arith.constant 0 : i32
    %cond3A_29 = arith.cmpi ne, %convert_element_type3A, %cond3A : i32
    scf.if %cond3A_29 {
      %mul3A_84 = arith.constant 8 : i32
      %mul3A_85 = arith.muli %arg1, %mul3A_84 : i32
      %add3A_86 = arith.constant 9984 : i32
      %add3A_87 = arith.addi %add3A_86, %mul3A_85 : i32
      "tpu.region"() ({
        %run_scoped3A = tpu.sem_alloc : memref<!tpu.dma_semaphore, #tpu.memory_space<semaphore_mem>>
        %dma_start3A = arith.constant 0 : i32
        %dma_start3A_88 = arith.constant 0 : i32
        %dma_start3A_89 = tpu.memref_slice %arg8[%dma_start3A, %dma_start3A_88] : memref<128x128xf32, #tpu.memory_space<vmem>> -> memref<8x128xf32, #tpu.memory_space<vmem>>
        %dma_start3A_90 = arith.constant 0 : i32
        %dma_start3A_91 = tpu.memref_slice %arg10[%add3A_87, %dma_start3A_90] : memref<10016x128xf32, #tpu.memory_space<vmem_shared>> -> memref<8x128xf32, #tpu.memory_space<vmem_shared>>
        %dma_start3A_92 = arith.constant 0 : i32
        %dma_start3A_93 = tpu.memref_slice %arg10[%add3A_87, %dma_start3A_92] : memref<10016x128xf32, #tpu.memory_space<vmem_shared>> -> memref<8x128xf32, #tpu.memory_space<vmem_shared>>
        %dma_start3A_94 = arith.constant 0 : i32
        %dma_start3A_95 = arith.constant 0 : i32
        %dma_start3A_96 = tpu.memref_slice %arg8[%dma_start3A_94, %dma_start3A_95] : memref<128x128xf32, #tpu.memory_space<vmem>> -> memref<8x128xf32, #tpu.memory_space<vmem>>
        tpu.enqueue_dma source(%dma_start3A_96 : memref<8x128xf32, #tpu.memory_space<vmem>>) target(%dma_start3A_93 : memref<8x128xf32, #tpu.memory_space<vmem_shared>>) target_semaphore(%run_scoped3A : memref<!tpu.dma_semaphore, #tpu.memory_space<semaphore_mem>>)
        %dma_wait3A = arith.constant 0 : i32
        %dma_wait3A_97 = arith.constant 0 : i32
        %dma_wait3A_98 = tpu.memref_slice %arg8[%dma_wait3A, %dma_wait3A_97] : memref<128x128xf32, #tpu.memory_space<vmem>> -> memref<8x128xf32, #tpu.memory_space<vmem>>
        %dma_wait3A_99 = arith.constant 0 : i32
        %dma_wait3A_100 = tpu.memref_slice %arg10[%add3A_87, %dma_wait3A_99] : memref<10016x128xf32, #tpu.memory_space<vmem_shared>> -> memref<8x128xf32, #tpu.memory_space<vmem_shared>>
        %dma_wait3A_101 = arith.constant 0 : i32
        %dma_wait3A_102 = tpu.memref_slice %arg10[%add3A_87, %dma_wait3A_101] : memref<10016x128xf32, #tpu.memory_space<vmem_shared>> -> memref<8x128xf32, #tpu.memory_space<vmem_shared>>
        %dma_wait3A_103 = arith.constant 0 : i32
        %dma_wait3A_104 = arith.constant 0 : i32
        %dma_wait3A_105 = tpu.memref_slice %arg8[%dma_wait3A_103, %dma_wait3A_104] : memref<128x128xf32, #tpu.memory_space<vmem>> -> memref<8x128xf32, #tpu.memory_space<vmem>>
        tpu.wait_dma2 semaphore(%run_scoped3A : memref<!tpu.dma_semaphore, #tpu.memory_space<semaphore_mem>>) src(%dma_wait3A_105 : memref<8x128xf32, #tpu.memory_space<vmem>>) dst(%dma_wait3A_102 : memref<8x128xf32, #tpu.memory_space<vmem_shared>>)
        tpu.yield
      }) : () -> ()
    } else {
    }
    %barrier3A = arith.constant 0 : index
    tpu.barrier barrier_id(%barrier3A)
    %eq3A = arith.constant 0 : i32
    "tpu.trace_stop"() : () -> ()
    %eq3A_30 = arith.cmpi eq, %arg0, %eq3A : i32
    %jit3A = arith.constant 80 : i32
    %jit3A_31 = arith.constant 80 : i32
    %select_n3A = arith.select %eq3A_30, %jit3A, %jit3A_31 : i32
    %eq3A_32 = arith.constant 0 : i32
    %eq3A_33 = arith.cmpi eq, %arg0, %eq3A_32 : i32
    %mul3A_34 = arith.constant 80 : i32
    %mul3A_35 = arith.muli %arg1, %mul3A_34 : i32
    %mul3A_36 = arith.constant 80 : i32
    %mul3A_37 = arith.muli %arg1, %mul3A_36 : i32
    %add3A_38 = arith.constant 1280 : i32
    %add3A_39 = arith.addi %add3A_38, %mul3A_37 : i32
    %select_n3A_40 = arith.select %eq3A_33, %mul3A_35, %add3A_39 : i32
    "tpu.trace_start"() <{level = 10 : i32, message = "ph2_edges"}> : () -> ()
    %add3A_41 = arith.constant 24 : i32
    %add3A_42 = arith.addi %select_n3A, %add3A_41 : i32
    %sub3A = arith.constant 1 : i32
    %sub3A_43 = arith.subi %add3A_42, %sub3A : i32
    %jit3A_44 = arith.constant 24 : i32
    %div3A = arith.divsi %sub3A_43, %jit3A_44 : i32
    %sign3A = arith.constant 0 : i32
    %sign3A_45 = arith.cmpi sgt, %sub3A_43, %sign3A : i32
    %sign3A_46 = arith.extui %sign3A_45 : i1 to i32
    %sign3A_47 = arith.constant 0 : i32
    %sign3A_48 = arith.cmpi slt, %sub3A_43, %sign3A_47 : i32
    %sign3A_49 = arith.extui %sign3A_48 : i1 to i32
    %sign3A_50 = arith.subi %sign3A_46, %sign3A_49 : i32
    %sign3A_51 = arith.constant 0 : i32
    %sign3A_52 = arith.cmpi sgt, %jit3A_44, %sign3A_51 : i32
    %sign3A_53 = arith.extui %sign3A_52 : i1 to i32
    %sign3A_54 = arith.constant 0 : i32
    %sign3A_55 = arith.cmpi slt, %jit3A_44, %sign3A_54 : i32
    %sign3A_56 = arith.extui %sign3A_55 : i1 to i32
    %sign3A_57 = arith.subi %sign3A_53, %sign3A_56 : i32
    %ne3A = arith.cmpi ne, %sign3A_50, %sign3A_57 : i32
    %rem3A = arith.remsi %sub3A_43, %jit3A_44 : i32
    %ne3A_58 = arith.constant 0 : i32
    %ne3A_59 = arith.cmpi ne, %rem3A, %ne3A_58 : i32
    %and3A = arith.andi %ne3A, %ne3A_59 : i1
    %sub3A_60 = arith.constant 1 : i32
    %sub3A_61 = arith.subi %div3A, %sub3A_60 : i32
    %select_n3A_62 = arith.select %and3A, %sub3A_61, %div3A : i32
    %while3A = arith.constant 0 : i32
    %while3A_63 = arith.constant 0 : i32
    %while3A_64 = arith.subi %select_n3A_62, %while3A : i32
    %while3A_65 = arith.addi %while3A, %while3A_64 : i32
    %while3A_66 = arith.constant 1 : i32
    %while3A_67 = arith.divsi %while3A_64, %while3A_66 : i32
    %while3A_68 = arith.muli %while3A_67, %while3A_66 : i32
    %while3A_69 = arith.addi %while3A, %while3A_68 : i32
    %while3A_70 = arith.constant 1 : i32
    %while3A_71 = scf.for %while3A_84 = %while3A to %while3A_69 step %while3A_70 iter_args(%while3A_85 = %while3A_63) -> (i32)  : i32 {
      %mul3A_86 = arith.constant 24 : i32
      %mul3A_87 = arith.muli %while3A_84, %mul3A_86 : i32
      %sub3A_88 = arith.subi %select_n3A, %mul3A_87 : i32
      %min3A = arith.constant 24 : i32
      %min3A_89 = arith.minsi %min3A, %sub3A_88 : i32
      %add3A_90 = arith.addi %select_n3A_40, %mul3A_87 : i32
      "tpu.region"() ({
        %run_scoped3A = tpu.sem_alloc : memref<!tpu.dma_semaphore, #tpu.memory_space<semaphore_mem>>
        %dma_start3A_135 = arith.constant 0 : i32
        %dma_start3A_136 = tpu.memref_slice %arg3[%add3A_90, %dma_start3A_135] : memref<2584x128xi32, #tpu.memory_space<hbm>> -> memref<24x128xi32, #tpu.memory_space<hbm>>
        %dma_start3A_137 = arith.constant 0 : i32
        %dma_start3A_138 = tpu.memref_slice %arg3[%add3A_90, %dma_start3A_137] : memref<2584x128xi32, #tpu.memory_space<hbm>> -> memref<24x128xi32, #tpu.memory_space<hbm>>
        tpu.enqueue_dma source(%dma_start3A_138 : memref<24x128xi32, #tpu.memory_space<hbm>>) target(%arg6 : memref<24x128xi32, #tpu.memory_space<vmem>>) target_semaphore(%run_scoped3A : memref<!tpu.dma_semaphore, #tpu.memory_space<semaphore_mem>>)
        %dma_wait3A = arith.constant 0 : i32
        %dma_wait3A_139 = tpu.memref_slice %arg3[%add3A_90, %dma_wait3A] : memref<2584x128xi32, #tpu.memory_space<hbm>> -> memref<24x128xi32, #tpu.memory_space<hbm>>
        %dma_wait3A_140 = arith.constant 0 : i32
        %dma_wait3A_141 = tpu.memref_slice %arg3[%add3A_90, %dma_wait3A_140] : memref<2584x128xi32, #tpu.memory_space<hbm>> -> memref<24x128xi32, #tpu.memory_space<hbm>>
        tpu.wait_dma2 semaphore(%run_scoped3A : memref<!tpu.dma_semaphore, #tpu.memory_space<semaphore_mem>>) src(%dma_wait3A_141 : memref<24x128xi32, #tpu.memory_space<hbm>>) dst(%arg6 : memref<24x128xi32, #tpu.memory_space<vmem>>)
        tpu.yield
      }) : () -> ()
      %add3A_91 = arith.addi %select_n3A_40, %mul3A_87 : i32
      "tpu.region"() ({
        %run_scoped3A = tpu.sem_alloc : memref<!tpu.dma_semaphore, #tpu.memory_space<semaphore_mem>>
        %dma_start3A_135 = arith.constant 0 : i32
        %dma_start3A_136 = tpu.memref_slice %arg4[%add3A_91, %dma_start3A_135] : memref<2584x128xi32, #tpu.memory_space<hbm>> -> memref<24x128xi32, #tpu.memory_space<hbm>>
        %dma_start3A_137 = arith.constant 0 : i32
        %dma_start3A_138 = tpu.memref_slice %arg4[%add3A_91, %dma_start3A_137] : memref<2584x128xi32, #tpu.memory_space<hbm>> -> memref<24x128xi32, #tpu.memory_space<hbm>>
        tpu.enqueue_dma source(%dma_start3A_138 : memref<24x128xi32, #tpu.memory_space<hbm>>) target(%arg7 : memref<24x128xi32, #tpu.memory_space<vmem>>) target_semaphore(%run_scoped3A : memref<!tpu.dma_semaphore, #tpu.memory_space<semaphore_mem>>)
        %dma_wait3A = arith.constant 0 : i32
        %dma_wait3A_139 = tpu.memref_slice %arg4[%add3A_91, %dma_wait3A] : memref<2584x128xi32, #tpu.memory_space<hbm>> -> memref<24x128xi32, #tpu.memory_space<hbm>>
        %dma_wait3A_140 = arith.constant 0 : i32
        %dma_wait3A_141 = tpu.memref_slice %arg4[%add3A_91, %dma_wait3A_140] : memref<2584x128xi32, #tpu.memory_space<hbm>> -> memref<24x128xi32, #tpu.memory_space<hbm>>
        tpu.wait_dma2 semaphore(%run_scoped3A : memref<!tpu.dma_semaphore, #tpu.memory_space<semaphore_mem>>) src(%dma_wait3A_141 : memref<24x128xi32, #tpu.memory_space<hbm>>) dst(%arg7 : memref<24x128xi32, #tpu.memory_space<vmem>>)
        tpu.yield
      }) : () -> ()
      %dma_start3A = arith.constant 0 : i32
      %dma_start3A_92 = arith.constant 0 : i32
      %dma_start3A_93 = tpu.memref_slice %arg6[%dma_start3A, %dma_start3A_92] : memref<24x128xi32, #tpu.memory_space<vmem>> -> memref<1x128xi32, #tpu.memory_space<vmem>>
      %dma_start3A_94 = tpu.memref_squeeze %dma_start3A_93 : memref<1x128xi32, #tpu.memory_space<vmem>> -> memref<128xi32, #tpu.memory_space<vmem>>
      %dma_start3A_95 = arith.constant 0 : i32
      %dma_start3A_96 = arith.constant 0 : i32
      %dma_start3A_97 = tpu.memref_slice %arg2[%dma_start3A_95, %dma_start3A_96] : memref<10000x128xf32, #tpu.memory_space<hbm>> -> memref<10000x128xf32, #tpu.memory_space<hbm>>
      tpu.enqueue_indirect_dma source(%dma_start3A_97 : memref<10000x128xf32, #tpu.memory_space<hbm>>) target(%arg8 : memref<128x128xf32, #tpu.memory_space<vmem>>) offsets(%dma_start3A_94 : memref<128xi32, #tpu.memory_space<vmem>>) semaphore(%arg11 : memref<!tpu.dma_semaphore, #tpu.memory_space<semaphore_mem>>)
      %jit3A_98 = arith.constant 2 : i32
      %div3A_99 = arith.divsi %min3A_89, %jit3A_98 : i32
      %sign3A_100 = arith.constant 0 : i32
      %sign3A_101 = arith.cmpi sgt, %min3A_89, %sign3A_100 : i32
      %sign3A_102 = arith.extui %sign3A_101 : i1 to i32
      %sign3A_103 = arith.constant 0 : i32
      %sign3A_104 = arith.cmpi slt, %min3A_89, %sign3A_103 : i32
      %sign3A_105 = arith.extui %sign3A_104 : i1 to i32
      %sign3A_106 = arith.subi %sign3A_102, %sign3A_105 : i32
      %sign3A_107 = arith.constant 0 : i32
      %sign3A_108 = arith.cmpi sgt, %jit3A_98, %sign3A_107 : i32
      %sign3A_109 = arith.extui %sign3A_108 : i1 to i32
      %sign3A_110 = arith.constant 0 : i32
      %sign3A_111 = arith.cmpi slt, %jit3A_98, %sign3A_110 : i32
      %sign3A_112 = arith.extui %sign3A_111 : i1 to i32
      %sign3A_113 = arith.subi %sign3A_109, %sign3A_112 : i32
      %ne3A_114 = arith.cmpi ne, %sign3A_106, %sign3A_113 : i32
      %rem3A_115 = arith.remsi %min3A_89, %jit3A_98 : i32
      %ne3A_116 = arith.constant 0 : i32
      %ne3A_117 = arith.cmpi ne, %rem3A_115, %ne3A_116 : i32
      %and3A_118 = arith.andi %ne3A_114, %ne3A_117 : i1
      %sub3A_119 = arith.constant 1 : i32
      %sub3A_120 = arith.subi %div3A_99, %sub3A_119 : i32
      %select_n3A_121 = arith.select %and3A_118, %sub3A_120, %div3A_99 : i32
      %while3A_122 = arith.constant 0 : i32
      %while3A_123 = arith.constant 0 : i32
      %while3A_124 = arith.subi %select_n3A_121, %while3A_122 : i32
      %while3A_125 = arith.addi %while3A_122, %while3A_124 : i32
      %while3A_126 = arith.constant 1 : i32
      %while3A_127 = arith.divsi %while3A_124, %while3A_126 : i32
      %while3A_128 = arith.muli %while3A_127, %while3A_126 : i32
      %while3A_129 = arith.addi %while3A_122, %while3A_128 : i32
      %while3A_130 = arith.constant 1 : i32
      %while3A_131 = scf.for %while3A_135 = %while3A_122 to %while3A_129 step %while3A_130 iter_args(%while3A_136 = %while3A_123) -> (i32)  : i32 {
        %mul3A_137 = arith.constant 2 : i32
        %mul3A_138 = arith.muli %mul3A_137, %while3A_135 : i32
        %add3A_139 = arith.constant 1 : i32
        %add3A_140 = arith.addi %mul3A_138, %add3A_139 : i32
        %dma_start3A_141 = arith.constant 0 : i32
        %dma_start3A_142 = tpu.memref_slice %arg6[%add3A_140, %dma_start3A_141] : memref<24x128xi32, #tpu.memory_space<vmem>> -> memref<1x128xi32, #tpu.memory_space<vmem>>
        %dma_start3A_143 = tpu.memref_squeeze %dma_start3A_142 : memref<1x128xi32, #tpu.memory_space<vmem>> -> memref<128xi32, #tpu.memory_space<vmem>>
        %dma_start3A_144 = arith.constant 0 : i32
        %dma_start3A_145 = arith.constant 0 : i32
        %dma_start3A_146 = tpu.memref_slice %arg2[%dma_start3A_144, %dma_start3A_145] : memref<10000x128xf32, #tpu.memory_space<hbm>> -> memref<10000x128xf32, #tpu.memory_space<hbm>>
        tpu.enqueue_indirect_dma source(%dma_start3A_146 : memref<10000x128xf32, #tpu.memory_space<hbm>>) target(%arg9 : memref<128x128xf32, #tpu.memory_space<vmem>>) offsets(%dma_start3A_143 : memref<128xi32, #tpu.memory_space<vmem>>) semaphore(%arg12 : memref<!tpu.dma_semaphore, #tpu.memory_space<semaphore_mem>>)
        %dma_wait3A = arith.constant 0 : i32
        %dma_wait3A_147 = tpu.memref_slice %arg6[%mul3A_138, %dma_wait3A] : memref<24x128xi32, #tpu.memory_space<vmem>> -> memref<1x128xi32, #tpu.memory_space<vmem>>
        %dma_wait3A_148 = tpu.memref_squeeze %dma_wait3A_147 : memref<1x128xi32, #tpu.memory_space<vmem>> -> memref<128xi32, #tpu.memory_space<vmem>>
        %dma_wait3A_149 = arith.constant 0 : i32
        %dma_wait3A_150 = arith.constant 0 : i32
        %dma_wait3A_151 = tpu.memref_slice %arg2[%dma_wait3A_149, %dma_wait3A_150] : memref<10000x128xf32, #tpu.memory_space<hbm>> -> memref<10000x128xf32, #tpu.memory_space<hbm>>
        tpu.wait_indirect_dma semaphore(%arg11 : memref<!tpu.dma_semaphore, #tpu.memory_space<semaphore_mem>>) src(%dma_wait3A_151 : memref<10000x128xf32, #tpu.memory_space<hbm>>) dst(%arg8 : memref<128x128xf32, #tpu.memory_space<vmem>>)
        "tpu.region"() ({
          %run_scoped3A = tpu.sem_alloc : memref<!tpu.dma_semaphore, #tpu.memory_space<semaphore_mem>>
          %dma_start3A_169 = arith.constant 0 : i32
          %dma_start3A_170 = tpu.memref_slice %arg7[%mul3A_138, %dma_start3A_169] : memref<24x128xi32, #tpu.memory_space<vmem>> -> memref<1x128xi32, #tpu.memory_space<vmem>>
          %dma_start3A_171 = tpu.memref_squeeze %dma_start3A_170 : memref<1x128xi32, #tpu.memory_space<vmem>> -> memref<128xi32, #tpu.memory_space<vmem>>
          %dma_start3A_172 = arith.constant 0 : i32
          %dma_start3A_173 = arith.constant 0 : i32
          %dma_start3A_174 = tpu.memref_slice %arg10[%dma_start3A_172, %dma_start3A_173] : memref<10016x128xf32, #tpu.memory_space<vmem_shared>> -> memref<10016x128xf32, #tpu.memory_space<vmem_shared>>
          tpu.enqueue_indirect_dma source(%arg8 : memref<128x128xf32, #tpu.memory_space<vmem>>) target(%dma_start3A_174 : memref<10016x128xf32, #tpu.memory_space<vmem_shared>>) offsets(%dma_start3A_171 : memref<128xi32, #tpu.memory_space<vmem>>) semaphore(%run_scoped3A : memref<!tpu.dma_semaphore, #tpu.memory_space<semaphore_mem>>) {add = true}
          %dma_wait3A_175 = arith.constant 0 : i32
          %dma_wait3A_176 = tpu.memref_slice %arg7[%mul3A_138, %dma_wait3A_175] : memref<24x128xi32, #tpu.memory_space<vmem>> -> memref<1x128xi32, #tpu.memory_space<vmem>>
          %dma_wait3A_177 = tpu.memref_squeeze %dma_wait3A_176 : memref<1x128xi32, #tpu.memory_space<vmem>> -> memref<128xi32, #tpu.memory_space<vmem>>
          %dma_wait3A_178 = arith.constant 0 : i32
          %dma_wait3A_179 = arith.constant 0 : i32
          %dma_wait3A_180 = tpu.memref_slice %arg10[%dma_wait3A_178, %dma_wait3A_179] : memref<10016x128xf32, #tpu.memory_space<vmem_shared>> -> memref<10016x128xf32, #tpu.memory_space<vmem_shared>>
          tpu.wait_indirect_dma semaphore(%run_scoped3A : memref<!tpu.dma_semaphore, #tpu.memory_space<semaphore_mem>>) src(%arg8 : memref<128x128xf32, #tpu.memory_space<vmem>>) dst(%dma_wait3A_180 : memref<10016x128xf32, #tpu.memory_space<vmem_shared>>)
          tpu.yield
        }) : () -> ()
        %add3A_152 = arith.constant 2 : i32
        %add3A_153 = arith.addi %mul3A_138, %add3A_152 : i32
        %lt3A_154 = arith.cmpi slt, %add3A_153, %min3A_89 : i32
        %convert_element_type3A_155 = arith.extui %lt3A_154 : i1 to i32
        %cond3A_156 = arith.constant 0 : i32
        %cond3A_157 = arith.cmpi ne, %convert_element_type3A_155, %cond3A_156 : i32
        scf.if %cond3A_157 {
          %add3A_169 = arith.constant 2 : i32
          %add3A_170 = arith.addi %mul3A_138, %add3A_169 : i32
          %dma_start3A_171 = arith.constant 0 : i32
          %dma_start3A_172 = tpu.memref_slice %arg6[%add3A_170, %dma_start3A_171] : memref<24x128xi32, #tpu.memory_space<vmem>> -> memref<1x128xi32, #tpu.memory_space<vmem>>
          %dma_start3A_173 = tpu.memref_squeeze %dma_start3A_172 : memref<1x128xi32, #tpu.memory_space<vmem>> -> memref<128xi32, #tpu.memory_space<vmem>>
          %dma_start3A_174 = arith.constant 0 : i32
          %dma_start3A_175 = arith.constant 0 : i32
          %dma_start3A_176 = tpu.memref_slice %arg2[%dma_start3A_174, %dma_start3A_175] : memref<10000x128xf32, #tpu.memory_space<hbm>> -> memref<10000x128xf32, #tpu.memory_space<hbm>>
          tpu.enqueue_indirect_dma source(%dma_start3A_176 : memref<10000x128xf32, #tpu.memory_space<hbm>>) target(%arg8 : memref<128x128xf32, #tpu.memory_space<vmem>>) offsets(%dma_start3A_173 : memref<128xi32, #tpu.memory_space<vmem>>) semaphore(%arg11 : memref<!tpu.dma_semaphore, #tpu.memory_space<semaphore_mem>>)
        } else {
        }
        %add3A_158 = arith.constant 1 : i32
        %add3A_159 = arith.addi %mul3A_138, %add3A_158 : i32
        %dma_wait3A_160 = arith.constant 0 : i32
        %dma_wait3A_161 = tpu.memref_slice %arg6[%add3A_159, %dma_wait3A_160] : memref<24x128xi32, #tpu.memory_space<vmem>> -> memref<1x128xi32, #tpu.memory_space<vmem>>
        %dma_wait3A_162 = tpu.memref_squeeze %dma_wait3A_161 : memref<1x128xi32, #tpu.memory_space<vmem>> -> memref<128xi32, #tpu.memory_space<vmem>>
        %dma_wait3A_163 = arith.constant 0 : i32
        %dma_wait3A_164 = arith.constant 0 : i32
        %dma_wait3A_165 = tpu.memref_slice %arg2[%dma_wait3A_163, %dma_wait3A_164] : memref<10000x128xf32, #tpu.memory_space<hbm>> -> memref<10000x128xf32, #tpu.memory_space<hbm>>
        tpu.wait_indirect_dma semaphore(%arg12 : memref<!tpu.dma_semaphore, #tpu.memory_space<semaphore_mem>>) src(%dma_wait3A_165 : memref<10000x128xf32, #tpu.memory_space<hbm>>) dst(%arg9 : memref<128x128xf32, #tpu.memory_space<vmem>>)
        %add3A_166 = arith.constant 1 : i32
        %add3A_167 = arith.addi %mul3A_138, %add3A_166 : i32
        "tpu.region"() ({
          %run_scoped3A = tpu.sem_alloc : memref<!tpu.dma_semaphore, #tpu.memory_space<semaphore_mem>>
          %dma_start3A_169 = arith.constant 0 : i32
          %dma_start3A_170 = tpu.memref_slice %arg7[%add3A_167, %dma_start3A_169] : memref<24x128xi32, #tpu.memory_space<vmem>> -> memref<1x128xi32, #tpu.memory_space<vmem>>
          %dma_start3A_171 = tpu.memref_squeeze %dma_start3A_170 : memref<1x128xi32, #tpu.memory_space<vmem>> -> memref<128xi32, #tpu.memory_space<vmem>>
          %dma_start3A_172 = arith.constant 0 : i32
          %dma_start3A_173 = arith.constant 0 : i32
          %dma_start3A_174 = tpu.memref_slice %arg10[%dma_start3A_172, %dma_start3A_173] : memref<10016x128xf32, #tpu.memory_space<vmem_shared>> -> memref<10016x128xf32, #tpu.memory_space<vmem_shared>>
          tpu.enqueue_indirect_dma source(%arg9 : memref<128x128xf32, #tpu.memory_space<vmem>>) target(%dma_start3A_174 : memref<10016x128xf32, #tpu.memory_space<vmem_shared>>) offsets(%dma_start3A_171 : memref<128xi32, #tpu.memory_space<vmem>>) semaphore(%run_scoped3A : memref<!tpu.dma_semaphore, #tpu.memory_space<semaphore_mem>>) {add = true}
          %dma_wait3A_175 = arith.constant 0 : i32
          %dma_wait3A_176 = tpu.memref_slice %arg7[%add3A_167, %dma_wait3A_175] : memref<24x128xi32, #tpu.memory_space<vmem>> -> memref<1x128xi32, #tpu.memory_space<vmem>>
          %dma_wait3A_177 = tpu.memref_squeeze %dma_wait3A_176 : memref<1x128xi32, #tpu.memory_space<vmem>> -> memref<128xi32, #tpu.memory_space<vmem>>
          %dma_wait3A_178 = arith.constant 0 : i32
          %dma_wait3A_179 = arith.constant 0 : i32
          %dma_wait3A_180 = tpu.memref_slice %arg10[%dma_wait3A_178, %dma_wait3A_179] : memref<10016x128xf32, #tpu.memory_space<vmem_shared>> -> memref<10016x128xf32, #tpu.memory_space<vmem_shared>>
          tpu.wait_indirect_dma semaphore(%run_scoped3A : memref<!tpu.dma_semaphore, #tpu.memory_space<semaphore_mem>>) src(%arg9 : memref<128x128xf32, #tpu.memory_space<vmem>>) dst(%dma_wait3A_180 : memref<10016x128xf32, #tpu.memory_space<vmem_shared>>)
          tpu.yield
        }) : () -> ()
        %while3A_168 = arith.constant 0 : i32
        scf.yield %while3A_168 : i32
      }
      %while3A_132 = arith.constant 1 : i32
      %while3A_133 = scf.for %while3A_135 = %while3A_129 to %while3A_125 step %while3A_132 iter_args(%while3A_136 = %while3A_131) -> (i32)  : i32 {
        %mul3A_137 = arith.constant 2 : i32
        %mul3A_138 = arith.muli %mul3A_137, %while3A_135 : i32
        %add3A_139 = arith.constant 1 : i32
        %add3A_140 = arith.addi %mul3A_138, %add3A_139 : i32
        %dma_start3A_141 = arith.constant 0 : i32
        %dma_start3A_142 = tpu.memref_slice %arg6[%add3A_140, %dma_start3A_141] : memref<24x128xi32, #tpu.memory_space<vmem>> -> memref<1x128xi32, #tpu.memory_space<vmem>>
        %dma_start3A_143 = tpu.memref_squeeze %dma_start3A_142 : memref<1x128xi32, #tpu.memory_space<vmem>> -> memref<128xi32, #tpu.memory_space<vmem>>
        %dma_start3A_144 = arith.constant 0 : i32
        %dma_start3A_145 = arith.constant 0 : i32
        %dma_start3A_146 = tpu.memref_slice %arg2[%dma_start3A_144, %dma_start3A_145] : memref<10000x128xf32, #tpu.memory_space<hbm>> -> memref<10000x128xf32, #tpu.memory_space<hbm>>
        tpu.enqueue_indirect_dma source(%dma_start3A_146 : memref<10000x128xf32, #tpu.memory_space<hbm>>) target(%arg9 : memref<128x128xf32, #tpu.memory_space<vmem>>) offsets(%dma_start3A_143 : memref<128xi32, #tpu.memory_space<vmem>>) semaphore(%arg12 : memref<!tpu.dma_semaphore, #tpu.memory_space<semaphore_mem>>)
        %dma_wait3A = arith.constant 0 : i32
        %dma_wait3A_147 = tpu.memref_slice %arg6[%mul3A_138, %dma_wait3A] : memref<24x128xi32, #tpu.memory_space<vmem>> -> memref<1x128xi32, #tpu.memory_space<vmem>>
        %dma_wait3A_148 = tpu.memref_squeeze %dma_wait3A_147 : memref<1x128xi32, #tpu.memory_space<vmem>> -> memref<128xi32, #tpu.memory_space<vmem>>
        %dma_wait3A_149 = arith.constant 0 : i32
        %dma_wait3A_150 = arith.constant 0 : i32
        %dma_wait3A_151 = tpu.memref_slice %arg2[%dma_wait3A_149, %dma_wait3A_150] : memref<10000x128xf32, #tpu.memory_space<hbm>> -> memref<10000x128xf32, #tpu.memory_space<hbm>>
        tpu.wait_indirect_dma semaphore(%arg11 : memref<!tpu.dma_semaphore, #tpu.memory_space<semaphore_mem>>) src(%dma_wait3A_151 : memref<10000x128xf32, #tpu.memory_space<hbm>>) dst(%arg8 : memref<128x128xf32, #tpu.memory_space<vmem>>)
        "tpu.region"() ({
          %run_scoped3A = tpu.sem_alloc : memref<!tpu.dma_semaphore, #tpu.memory_space<semaphore_mem>>
          %dma_start3A_169 = arith.constant 0 : i32
          %dma_start3A_170 = tpu.memref_slice %arg7[%mul3A_138, %dma_start3A_169] : memref<24x128xi32, #tpu.memory_space<vmem>> -> memref<1x128xi32, #tpu.memory_space<vmem>>
          %dma_start3A_171 = tpu.memref_squeeze %dma_start3A_170 : memref<1x128xi32, #tpu.memory_space<vmem>> -> memref<128xi32, #tpu.memory_space<vmem>>
          %dma_start3A_172 = arith.constant 0 : i32
          %dma_start3A_173 = arith.constant 0 : i32
          %dma_start3A_174 = tpu.memref_slice %arg10[%dma_start3A_172, %dma_start3A_173] : memref<10016x128xf32, #tpu.memory_space<vmem_shared>> -> memref<10016x128xf32, #tpu.memory_space<vmem_shared>>
          tpu.enqueue_indirect_dma source(%arg8 : memref<128x128xf32, #tpu.memory_space<vmem>>) target(%dma_start3A_174 : memref<10016x128xf32, #tpu.memory_space<vmem_shared>>) offsets(%dma_start3A_171 : memref<128xi32, #tpu.memory_space<vmem>>) semaphore(%run_scoped3A : memref<!tpu.dma_semaphore, #tpu.memory_space<semaphore_mem>>) {add = true}
          %dma_wait3A_175 = arith.constant 0 : i32
          %dma_wait3A_176 = tpu.memref_slice %arg7[%mul3A_138, %dma_wait3A_175] : memref<24x128xi32, #tpu.memory_space<vmem>> -> memref<1x128xi32, #tpu.memory_space<vmem>>
          %dma_wait3A_177 = tpu.memref_squeeze %dma_wait3A_176 : memref<1x128xi32, #tpu.memory_space<vmem>> -> memref<128xi32, #tpu.memory_space<vmem>>
          %dma_wait3A_178 = arith.constant 0 : i32
          %dma_wait3A_179 = arith.constant 0 : i32
          %dma_wait3A_180 = tpu.memref_slice %arg10[%dma_wait3A_178, %dma_wait3A_179] : memref<10016x128xf32, #tpu.memory_space<vmem_shared>> -> memref<10016x128xf32, #tpu.memory_space<vmem_shared>>
          tpu.wait_indirect_dma semaphore(%run_scoped3A : memref<!tpu.dma_semaphore, #tpu.memory_space<semaphore_mem>>) src(%arg8 : memref<128x128xf32, #tpu.memory_space<vmem>>) dst(%dma_wait3A_180 : memref<10016x128xf32, #tpu.memory_space<vmem_shared>>)
          tpu.yield
        }) : () -> ()
        %add3A_152 = arith.constant 2 : i32
        %add3A_153 = arith.addi %mul3A_138, %add3A_152 : i32
        %lt3A_154 = arith.cmpi slt, %add3A_153, %min3A_89 : i32
        %convert_element_type3A_155 = arith.extui %lt3A_154 : i1 to i32
        %cond3A_156 = arith.constant 0 : i32
        %cond3A_157 = arith.cmpi ne, %convert_element_type3A_155, %cond3A_156 : i32
        scf.if %cond3A_157 {
          %add3A_169 = arith.constant 2 : i32
          %add3A_170 = arith.addi %mul3A_138, %add3A_169 : i32
          %dma_start3A_171 = arith.constant 0 : i32
          %dma_start3A_172 = tpu.memref_slice %arg6[%add3A_170, %dma_start3A_171] : memref<24x128xi32, #tpu.memory_space<vmem>> -> memref<1x128xi32, #tpu.memory_space<vmem>>
          %dma_start3A_173 = tpu.memref_squeeze %dma_start3A_172 : memref<1x128xi32, #tpu.memory_space<vmem>> -> memref<128xi32, #tpu.memory_space<vmem>>
          %dma_start3A_174 = arith.constant 0 : i32
          %dma_start3A_175 = arith.constant 0 : i32
          %dma_start3A_176 = tpu.memref_slice %arg2[%dma_start3A_174, %dma_start3A_175] : memref<10000x128xf32, #tpu.memory_space<hbm>> -> memref<10000x128xf32, #tpu.memory_space<hbm>>
          tpu.enqueue_indirect_dma source(%dma_start3A_176 : memref<10000x128xf32, #tpu.memory_space<hbm>>) target(%arg8 : memref<128x128xf32, #tpu.memory_space<vmem>>) offsets(%dma_start3A_173 : memref<128xi32, #tpu.memory_space<vmem>>) semaphore(%arg11 : memref<!tpu.dma_semaphore, #tpu.memory_space<semaphore_mem>>)
        } else {
        }
        %add3A_158 = arith.constant 1 : i32
        %add3A_159 = arith.addi %mul3A_138, %add3A_158 : i32
        %dma_wait3A_160 = arith.constant 0 : i32
        %dma_wait3A_161 = tpu.memref_slice %arg6[%add3A_159, %dma_wait3A_160] : memref<24x128xi32, #tpu.memory_space<vmem>> -> memref<1x128xi32, #tpu.memory_space<vmem>>
        %dma_wait3A_162 = tpu.memref_squeeze %dma_wait3A_161 : memref<1x128xi32, #tpu.memory_space<vmem>> -> memref<128xi32, #tpu.memory_space<vmem>>
        %dma_wait3A_163 = arith.constant 0 : i32
        %dma_wait3A_164 = arith.constant 0 : i32
        %dma_wait3A_165 = tpu.memref_slice %arg2[%dma_wait3A_163, %dma_wait3A_164] : memref<10000x128xf32, #tpu.memory_space<hbm>> -> memref<10000x128xf32, #tpu.memory_space<hbm>>
        tpu.wait_indirect_dma semaphore(%arg12 : memref<!tpu.dma_semaphore, #tpu.memory_space<semaphore_mem>>) src(%dma_wait3A_165 : memref<10000x128xf32, #tpu.memory_space<hbm>>) dst(%arg9 : memref<128x128xf32, #tpu.memory_space<vmem>>)
        %add3A_166 = arith.constant 1 : i32
        %add3A_167 = arith.addi %mul3A_138, %add3A_166 : i32
        "tpu.region"() ({
          %run_scoped3A = tpu.sem_alloc : memref<!tpu.dma_semaphore, #tpu.memory_space<semaphore_mem>>
          %dma_start3A_169 = arith.constant 0 : i32
          %dma_start3A_170 = tpu.memref_slice %arg7[%add3A_167, %dma_start3A_169] : memref<24x128xi32, #tpu.memory_space<vmem>> -> memref<1x128xi32, #tpu.memory_space<vmem>>
          %dma_start3A_171 = tpu.memref_squeeze %dma_start3A_170 : memref<1x128xi32, #tpu.memory_space<vmem>> -> memref<128xi32, #tpu.memory_space<vmem>>
          %dma_start3A_172 = arith.constant 0 : i32
          %dma_start3A_173 = arith.constant 0 : i32
          %dma_start3A_174 = tpu.memref_slice %arg10[%dma_start3A_172, %dma_start3A_173] : memref<10016x128xf32, #tpu.memory_space<vmem_shared>> -> memref<10016x128xf32, #tpu.memory_space<vmem_shared>>
          tpu.enqueue_indirect_dma source(%arg9 : memref<128x128xf32, #tpu.memory_space<vmem>>) target(%dma_start3A_174 : memref<10016x128xf32, #tpu.memory_space<vmem_shared>>) offsets(%dma_start3A_171 : memref<128xi32, #tpu.memory_space<vmem>>) semaphore(%run_scoped3A : memref<!tpu.dma_semaphore, #tpu.memory_space<semaphore_mem>>) {add = true}
          %dma_wait3A_175 = arith.constant 0 : i32
          %dma_wait3A_176 = tpu.memref_slice %arg7[%add3A_167, %dma_wait3A_175] : memref<24x128xi32, #tpu.memory_space<vmem>> -> memref<1x128xi32, #tpu.memory_space<vmem>>
          %dma_wait3A_177 = tpu.memref_squeeze %dma_wait3A_176 : memref<1x128xi32, #tpu.memory_space<vmem>> -> memref<128xi32, #tpu.memory_space<vmem>>
          %dma_wait3A_178 = arith.constant 0 : i32
          %dma_wait3A_179 = arith.constant 0 : i32
          %dma_wait3A_180 = tpu.memref_slice %arg10[%dma_wait3A_178, %dma_wait3A_179] : memref<10016x128xf32, #tpu.memory_space<vmem_shared>> -> memref<10016x128xf32, #tpu.memory_space<vmem_shared>>
          tpu.wait_indirect_dma semaphore(%run_scoped3A : memref<!tpu.dma_semaphore, #tpu.memory_space<semaphore_mem>>) src(%arg9 : memref<128x128xf32, #tpu.memory_space<vmem>>) dst(%dma_wait3A_180 : memref<10016x128xf32, #tpu.memory_space<vmem_shared>>)
          tpu.yield
        }) : () -> ()
        %while3A_168 = arith.constant 0 : i32
        scf.yield %while3A_168 : i32
      }
      %while3A_134 = arith.constant 0 : i32
      scf.yield %while3A_134 : i32
    }
    %while3A_72 = arith.constant 1 : i32
    %while3A_73 = scf.for %while3A_84 = %while3A_69 to %while3A_65 step %while3A_72 iter_args(%while3A_85 = %while3A_71) -> (i32)  : i32 {
      %mul3A_86 = arith.constant 24 : i32
      %mul3A_87 = arith.muli %while3A_84, %mul3A_86 : i32
      %sub3A_88 = arith.subi %select_n3A, %mul3A_87 : i32
      %min3A = arith.constant 24 : i32
      %min3A_89 = arith.minsi %min3A, %sub3A_88 : i32
      %add3A_90 = arith.addi %select_n3A_40, %mul3A_87 : i32
      "tpu.region"() ({
        %run_scoped3A = tpu.sem_alloc : memref<!tpu.dma_semaphore, #tpu.memory_space<semaphore_mem>>
        %dma_start3A_135 = arith.constant 0 : i32
        %dma_start3A_136 = tpu.memref_slice %arg3[%add3A_90, %dma_start3A_135] : memref<2584x128xi32, #tpu.memory_space<hbm>> -> memref<24x128xi32, #tpu.memory_space<hbm>>
        %dma_start3A_137 = arith.constant 0 : i32
        %dma_start3A_138 = tpu.memref_slice %arg3[%add3A_90, %dma_start3A_137] : memref<2584x128xi32, #tpu.memory_space<hbm>> -> memref<24x128xi32, #tpu.memory_space<hbm>>
        tpu.enqueue_dma source(%dma_start3A_138 : memref<24x128xi32, #tpu.memory_space<hbm>>) target(%arg6 : memref<24x128xi32, #tpu.memory_space<vmem>>) target_semaphore(%run_scoped3A : memref<!tpu.dma_semaphore, #tpu.memory_space<semaphore_mem>>)
        %dma_wait3A = arith.constant 0 : i32
        %dma_wait3A_139 = tpu.memref_slice %arg3[%add3A_90, %dma_wait3A] : memref<2584x128xi32, #tpu.memory_space<hbm>> -> memref<24x128xi32, #tpu.memory_space<hbm>>
        %dma_wait3A_140 = arith.constant 0 : i32
        %dma_wait3A_141 = tpu.memref_slice %arg3[%add3A_90, %dma_wait3A_140] : memref<2584x128xi32, #tpu.memory_space<hbm>> -> memref<24x128xi32, #tpu.memory_space<hbm>>
        tpu.wait_dma2 semaphore(%run_scoped3A : memref<!tpu.dma_semaphore, #tpu.memory_space<semaphore_mem>>) src(%dma_wait3A_141 : memref<24x128xi32, #tpu.memory_space<hbm>>) dst(%arg6 : memref<24x128xi32, #tpu.memory_space<vmem>>)
        tpu.yield
      }) : () -> ()
      %add3A_91 = arith.addi %select_n3A_40, %mul3A_87 : i32
      "tpu.region"() ({
        %run_scoped3A = tpu.sem_alloc : memref<!tpu.dma_semaphore, #tpu.memory_space<semaphore_mem>>
        %dma_start3A_135 = arith.constant 0 : i32
        %dma_start3A_136 = tpu.memref_slice %arg4[%add3A_91, %dma_start3A_135] : memref<2584x128xi32, #tpu.memory_space<hbm>> -> memref<24x128xi32, #tpu.memory_space<hbm>>
        %dma_start3A_137 = arith.constant 0 : i32
        %dma_start3A_138 = tpu.memref_slice %arg4[%add3A_91, %dma_start3A_137] : memref<2584x128xi32, #tpu.memory_space<hbm>> -> memref<24x128xi32, #tpu.memory_space<hbm>>
        tpu.enqueue_dma source(%dma_start3A_138 : memref<24x128xi32, #tpu.memory_space<hbm>>) target(%arg7 : memref<24x128xi32, #tpu.memory_space<vmem>>) target_semaphore(%run_scoped3A : memref<!tpu.dma_semaphore, #tpu.memory_space<semaphore_mem>>)
        %dma_wait3A = arith.constant 0 : i32
        %dma_wait3A_139 = tpu.memref_slice %arg4[%add3A_91, %dma_wait3A] : memref<2584x128xi32, #tpu.memory_space<hbm>> -> memref<24x128xi32, #tpu.memory_space<hbm>>
        %dma_wait3A_140 = arith.constant 0 : i32
        %dma_wait3A_141 = tpu.memref_slice %arg4[%add3A_91, %dma_wait3A_140] : memref<2584x128xi32, #tpu.memory_space<hbm>> -> memref<24x128xi32, #tpu.memory_space<hbm>>
        tpu.wait_dma2 semaphore(%run_scoped3A : memref<!tpu.dma_semaphore, #tpu.memory_space<semaphore_mem>>) src(%dma_wait3A_141 : memref<24x128xi32, #tpu.memory_space<hbm>>) dst(%arg7 : memref<24x128xi32, #tpu.memory_space<vmem>>)
        tpu.yield
      }) : () -> ()
      %dma_start3A = arith.constant 0 : i32
      %dma_start3A_92 = arith.constant 0 : i32
      %dma_start3A_93 = tpu.memref_slice %arg6[%dma_start3A, %dma_start3A_92] : memref<24x128xi32, #tpu.memory_space<vmem>> -> memref<1x128xi32, #tpu.memory_space<vmem>>
      %dma_start3A_94 = tpu.memref_squeeze %dma_start3A_93 : memref<1x128xi32, #tpu.memory_space<vmem>> -> memref<128xi32, #tpu.memory_space<vmem>>
      %dma_start3A_95 = arith.constant 0 : i32
      %dma_start3A_96 = arith.constant 0 : i32
      %dma_start3A_97 = tpu.memref_slice %arg2[%dma_start3A_95, %dma_start3A_96] : memref<10000x128xf32, #tpu.memory_space<hbm>> -> memref<10000x128xf32, #tpu.memory_space<hbm>>
      tpu.enqueue_indirect_dma source(%dma_start3A_97 : memref<10000x128xf32, #tpu.memory_space<hbm>>) target(%arg8 : memref<128x128xf32, #tpu.memory_space<vmem>>) offsets(%dma_start3A_94 : memref<128xi32, #tpu.memory_space<vmem>>) semaphore(%arg11 : memref<!tpu.dma_semaphore, #tpu.memory_space<semaphore_mem>>)
      %jit3A_98 = arith.constant 2 : i32
      %div3A_99 = arith.divsi %min3A_89, %jit3A_98 : i32
      %sign3A_100 = arith.constant 0 : i32
      %sign3A_101 = arith.cmpi sgt, %min3A_89, %sign3A_100 : i32
      %sign3A_102 = arith.extui %sign3A_101 : i1 to i32
      %sign3A_103 = arith.constant 0 : i32
      %sign3A_104 = arith.cmpi slt, %min3A_89, %sign3A_103 : i32
      %sign3A_105 = arith.extui %sign3A_104 : i1 to i32
      %sign3A_106 = arith.subi %sign3A_102, %sign3A_105 : i32
      %sign3A_107 = arith.constant 0 : i32
      %sign3A_108 = arith.cmpi sgt, %jit3A_98, %sign3A_107 : i32
      %sign3A_109 = arith.extui %sign3A_108 : i1 to i32
      %sign3A_110 = arith.constant 0 : i32
      %sign3A_111 = arith.cmpi slt, %jit3A_98, %sign3A_110 : i32
      %sign3A_112 = arith.extui %sign3A_111 : i1 to i32
      %sign3A_113 = arith.subi %sign3A_109, %sign3A_112 : i32
      %ne3A_114 = arith.cmpi ne, %sign3A_106, %sign3A_113 : i32
      %rem3A_115 = arith.remsi %min3A_89, %jit3A_98 : i32
      %ne3A_116 = arith.constant 0 : i32
      %ne3A_117 = arith.cmpi ne, %rem3A_115, %ne3A_116 : i32
      %and3A_118 = arith.andi %ne3A_114, %ne3A_117 : i1
      %sub3A_119 = arith.constant 1 : i32
      %sub3A_120 = arith.subi %div3A_99, %sub3A_119 : i32
      %select_n3A_121 = arith.select %and3A_118, %sub3A_120, %div3A_99 : i32
      %while3A_122 = arith.constant 0 : i32
      %while3A_123 = arith.constant 0 : i32
      %while3A_124 = arith.subi %select_n3A_121, %while3A_122 : i32
      %while3A_125 = arith.addi %while3A_122, %while3A_124 : i32
      %while3A_126 = arith.constant 1 : i32
      %while3A_127 = arith.divsi %while3A_124, %while3A_126 : i32
      %while3A_128 = arith.muli %while3A_127, %while3A_126 : i32
      %while3A_129 = arith.addi %while3A_122, %while3A_128 : i32
      %while3A_130 = arith.constant 1 : i32
      %while3A_131 = scf.for %while3A_135 = %while3A_122 to %while3A_129 step %while3A_130 iter_args(%while3A_136 = %while3A_123) -> (i32)  : i32 {
        %mul3A_137 = arith.constant 2 : i32
        %mul3A_138 = arith.muli %mul3A_137, %while3A_135 : i32
        %add3A_139 = arith.constant 1 : i32
        %add3A_140 = arith.addi %mul3A_138, %add3A_139 : i32
        %dma_start3A_141 = arith.constant 0 : i32
        %dma_start3A_142 = tpu.memref_slice %arg6[%add3A_140, %dma_start3A_141] : memref<24x128xi32, #tpu.memory_space<vmem>> -> memref<1x128xi32, #tpu.memory_space<vmem>>
        %dma_start3A_143 = tpu.memref_squeeze %dma_start3A_142 : memref<1x128xi32, #tpu.memory_space<vmem>> -> memref<128xi32, #tpu.memory_space<vmem>>
        %dma_start3A_144 = arith.constant 0 : i32
        %dma_start3A_145 = arith.constant 0 : i32
        %dma_start3A_146 = tpu.memref_slice %arg2[%dma_start3A_144, %dma_start3A_145] : memref<10000x128xf32, #tpu.memory_space<hbm>> -> memref<10000x128xf32, #tpu.memory_space<hbm>>
        tpu.enqueue_indirect_dma source(%dma_start3A_146 : memref<10000x128xf32, #tpu.memory_space<hbm>>) target(%arg9 : memref<128x128xf32, #tpu.memory_space<vmem>>) offsets(%dma_start3A_143 : memref<128xi32, #tpu.memory_space<vmem>>) semaphore(%arg12 : memref<!tpu.dma_semaphore, #tpu.memory_space<semaphore_mem>>)
        %dma_wait3A = arith.constant 0 : i32
        %dma_wait3A_147 = tpu.memref_slice %arg6[%mul3A_138, %dma_wait3A] : memref<24x128xi32, #tpu.memory_space<vmem>> -> memref<1x128xi32, #tpu.memory_space<vmem>>
        %dma_wait3A_148 = tpu.memref_squeeze %dma_wait3A_147 : memref<1x128xi32, #tpu.memory_space<vmem>> -> memref<128xi32, #tpu.memory_space<vmem>>
        %dma_wait3A_149 = arith.constant 0 : i32
        %dma_wait3A_150 = arith.constant 0 : i32
        %dma_wait3A_151 = tpu.memref_slice %arg2[%dma_wait3A_149, %dma_wait3A_150] : memref<10000x128xf32, #tpu.memory_space<hbm>> -> memref<10000x128xf32, #tpu.memory_space<hbm>>
        tpu.wait_indirect_dma semaphore(%arg11 : memref<!tpu.dma_semaphore, #tpu.memory_space<semaphore_mem>>) src(%dma_wait3A_151 : memref<10000x128xf32, #tpu.memory_space<hbm>>) dst(%arg8 : memref<128x128xf32, #tpu.memory_space<vmem>>)
        "tpu.region"() ({
          %run_scoped3A = tpu.sem_alloc : memref<!tpu.dma_semaphore, #tpu.memory_space<semaphore_mem>>
          %dma_start3A_169 = arith.constant 0 : i32
          %dma_start3A_170 = tpu.memref_slice %arg7[%mul3A_138, %dma_start3A_169] : memref<24x128xi32, #tpu.memory_space<vmem>> -> memref<1x128xi32, #tpu.memory_space<vmem>>
          %dma_start3A_171 = tpu.memref_squeeze %dma_start3A_170 : memref<1x128xi32, #tpu.memory_space<vmem>> -> memref<128xi32, #tpu.memory_space<vmem>>
          %dma_start3A_172 = arith.constant 0 : i32
          %dma_start3A_173 = arith.constant 0 : i32
          %dma_start3A_174 = tpu.memref_slice %arg10[%dma_start3A_172, %dma_start3A_173] : memref<10016x128xf32, #tpu.memory_space<vmem_shared>> -> memref<10016x128xf32, #tpu.memory_space<vmem_shared>>
          tpu.enqueue_indirect_dma source(%arg8 : memref<128x128xf32, #tpu.memory_space<vmem>>) target(%dma_start3A_174 : memref<10016x128xf32, #tpu.memory_space<vmem_shared>>) offsets(%dma_start3A_171 : memref<128xi32, #tpu.memory_space<vmem>>) semaphore(%run_scoped3A : memref<!tpu.dma_semaphore, #tpu.memory_space<semaphore_mem>>) {add = true}
          %dma_wait3A_175 = arith.constant 0 : i32
          %dma_wait3A_176 = tpu.memref_slice %arg7[%mul3A_138, %dma_wait3A_175] : memref<24x128xi32, #tpu.memory_space<vmem>> -> memref<1x128xi32, #tpu.memory_space<vmem>>
          %dma_wait3A_177 = tpu.memref_squeeze %dma_wait3A_176 : memref<1x128xi32, #tpu.memory_space<vmem>> -> memref<128xi32, #tpu.memory_space<vmem>>
          %dma_wait3A_178 = arith.constant 0 : i32
          %dma_wait3A_179 = arith.constant 0 : i32
          %dma_wait3A_180 = tpu.memref_slice %arg10[%dma_wait3A_178, %dma_wait3A_179] : memref<10016x128xf32, #tpu.memory_space<vmem_shared>> -> memref<10016x128xf32, #tpu.memory_space<vmem_shared>>
          tpu.wait_indirect_dma semaphore(%run_scoped3A : memref<!tpu.dma_semaphore, #tpu.memory_space<semaphore_mem>>) src(%arg8 : memref<128x128xf32, #tpu.memory_space<vmem>>) dst(%dma_wait3A_180 : memref<10016x128xf32, #tpu.memory_space<vmem_shared>>)
          tpu.yield
        }) : () -> ()
        %add3A_152 = arith.constant 2 : i32
        %add3A_153 = arith.addi %mul3A_138, %add3A_152 : i32
        %lt3A_154 = arith.cmpi slt, %add3A_153, %min3A_89 : i32
        %convert_element_type3A_155 = arith.extui %lt3A_154 : i1 to i32
        %cond3A_156 = arith.constant 0 : i32
        %cond3A_157 = arith.cmpi ne, %convert_element_type3A_155, %cond3A_156 : i32
        scf.if %cond3A_157 {
          %add3A_169 = arith.constant 2 : i32
          %add3A_170 = arith.addi %mul3A_138, %add3A_169 : i32
          %dma_start3A_171 = arith.constant 0 : i32
          %dma_start3A_172 = tpu.memref_slice %arg6[%add3A_170, %dma_start3A_171] : memref<24x128xi32, #tpu.memory_space<vmem>> -> memref<1x128xi32, #tpu.memory_space<vmem>>
          %dma_start3A_173 = tpu.memref_squeeze %dma_start3A_172 : memref<1x128xi32, #tpu.memory_space<vmem>> -> memref<128xi32, #tpu.memory_space<vmem>>
          %dma_start3A_174 = arith.constant 0 : i32
          %dma_start3A_175 = arith.constant 0 : i32
          %dma_start3A_176 = tpu.memref_slice %arg2[%dma_start3A_174, %dma_start3A_175] : memref<10000x128xf32, #tpu.memory_space<hbm>> -> memref<10000x128xf32, #tpu.memory_space<hbm>>
          tpu.enqueue_indirect_dma source(%dma_start3A_176 : memref<10000x128xf32, #tpu.memory_space<hbm>>) target(%arg8 : memref<128x128xf32, #tpu.memory_space<vmem>>) offsets(%dma_start3A_173 : memref<128xi32, #tpu.memory_space<vmem>>) semaphore(%arg11 : memref<!tpu.dma_semaphore, #tpu.memory_space<semaphore_mem>>)
        } else {
        }
        %add3A_158 = arith.constant 1 : i32
        %add3A_159 = arith.addi %mul3A_138, %add3A_158 : i32
        %dma_wait3A_160 = arith.constant 0 : i32
        %dma_wait3A_161 = tpu.memref_slice %arg6[%add3A_159, %dma_wait3A_160] : memref<24x128xi32, #tpu.memory_space<vmem>> -> memref<1x128xi32, #tpu.memory_space<vmem>>
        %dma_wait3A_162 = tpu.memref_squeeze %dma_wait3A_161 : memref<1x128xi32, #tpu.memory_space<vmem>> -> memref<128xi32, #tpu.memory_space<vmem>>
        %dma_wait3A_163 = arith.constant 0 : i32
        %dma_wait3A_164 = arith.constant 0 : i32
        %dma_wait3A_165 = tpu.memref_slice %arg2[%dma_wait3A_163, %dma_wait3A_164] : memref<10000x128xf32, #tpu.memory_space<hbm>> -> memref<10000x128xf32, #tpu.memory_space<hbm>>
        tpu.wait_indirect_dma semaphore(%arg12 : memref<!tpu.dma_semaphore, #tpu.memory_space<semaphore_mem>>) src(%dma_wait3A_165 : memref<10000x128xf32, #tpu.memory_space<hbm>>) dst(%arg9 : memref<128x128xf32, #tpu.memory_space<vmem>>)
        %add3A_166 = arith.constant 1 : i32
        %add3A_167 = arith.addi %mul3A_138, %add3A_166 : i32
        "tpu.region"() ({
          %run_scoped3A = tpu.sem_alloc : memref<!tpu.dma_semaphore, #tpu.memory_space<semaphore_mem>>
          %dma_start3A_169 = arith.constant 0 : i32
          %dma_start3A_170 = tpu.memref_slice %arg7[%add3A_167, %dma_start3A_169] : memref<24x128xi32, #tpu.memory_space<vmem>> -> memref<1x128xi32, #tpu.memory_space<vmem>>
          %dma_start3A_171 = tpu.memref_squeeze %dma_start3A_170 : memref<1x128xi32, #tpu.memory_space<vmem>> -> memref<128xi32, #tpu.memory_space<vmem>>
          %dma_start3A_172 = arith.constant 0 : i32
          %dma_start3A_173 = arith.constant 0 : i32
          %dma_start3A_174 = tpu.memref_slice %arg10[%dma_start3A_172, %dma_start3A_173] : memref<10016x128xf32, #tpu.memory_space<vmem_shared>> -> memref<10016x128xf32, #tpu.memory_space<vmem_shared>>
          tpu.enqueue_indirect_dma source(%arg9 : memref<128x128xf32, #tpu.memory_space<vmem>>) target(%dma_start3A_174 : memref<10016x128xf32, #tpu.memory_space<vmem_shared>>) offsets(%dma_start3A_171 : memref<128xi32, #tpu.memory_space<vmem>>) semaphore(%run_scoped3A : memref<!tpu.dma_semaphore, #tpu.memory_space<semaphore_mem>>) {add = true}
          %dma_wait3A_175 = arith.constant 0 : i32
          %dma_wait3A_176 = tpu.memref_slice %arg7[%add3A_167, %dma_wait3A_175] : memref<24x128xi32, #tpu.memory_space<vmem>> -> memref<1x128xi32, #tpu.memory_space<vmem>>
          %dma_wait3A_177 = tpu.memref_squeeze %dma_wait3A_176 : memref<1x128xi32, #tpu.memory_space<vmem>> -> memref<128xi32, #tpu.memory_space<vmem>>
          %dma_wait3A_178 = arith.constant 0 : i32
          %dma_wait3A_179 = arith.constant 0 : i32
          %dma_wait3A_180 = tpu.memref_slice %arg10[%dma_wait3A_178, %dma_wait3A_179] : memref<10016x128xf32, #tpu.memory_space<vmem_shared>> -> memref<10016x128xf32, #tpu.memory_space<vmem_shared>>
          tpu.wait_indirect_dma semaphore(%run_scoped3A : memref<!tpu.dma_semaphore, #tpu.memory_space<semaphore_mem>>) src(%arg9 : memref<128x128xf32, #tpu.memory_space<vmem>>) dst(%dma_wait3A_180 : memref<10016x128xf32, #tpu.memory_space<vmem_shared>>)
          tpu.yield
        }) : () -> ()
        %while3A_168 = arith.constant 0 : i32
        scf.yield %while3A_168 : i32
      }
      %while3A_132 = arith.constant 1 : i32
      %while3A_133 = scf.for %while3A_135 = %while3A_129 to %while3A_125 step %while3A_132 iter_args(%while3A_136 = %while3A_131) -> (i32)  : i32 {
        %mul3A_137 = arith.constant 2 : i32
        %mul3A_138 = arith.muli %mul3A_137, %while3A_135 : i32
        %add3A_139 = arith.constant 1 : i32
        %add3A_140 = arith.addi %mul3A_138, %add3A_139 : i32
        %dma_start3A_141 = arith.constant 0 : i32
        %dma_start3A_142 = tpu.memref_slice %arg6[%add3A_140, %dma_start3A_141] : memref<24x128xi32, #tpu.memory_space<vmem>> -> memref<1x128xi32, #tpu.memory_space<vmem>>
        %dma_start3A_143 = tpu.memref_squeeze %dma_start3A_142 : memref<1x128xi32, #tpu.memory_space<vmem>> -> memref<128xi32, #tpu.memory_space<vmem>>
        %dma_start3A_144 = arith.constant 0 : i32
        %dma_start3A_145 = arith.constant 0 : i32
        %dma_start3A_146 = tpu.memref_slice %arg2[%dma_start3A_144, %dma_start3A_145] : memref<10000x128xf32, #tpu.memory_space<hbm>> -> memref<10000x128xf32, #tpu.memory_space<hbm>>
        tpu.enqueue_indirect_dma source(%dma_start3A_146 : memref<10000x128xf32, #tpu.memory_space<hbm>>) target(%arg9 : memref<128x128xf32, #tpu.memory_space<vmem>>) offsets(%dma_start3A_143 : memref<128xi32, #tpu.memory_space<vmem>>) semaphore(%arg12 : memref<!tpu.dma_semaphore, #tpu.memory_space<semaphore_mem>>)
        %dma_wait3A = arith.constant 0 : i32
        %dma_wait3A_147 = tpu.memref_slice %arg6[%mul3A_138, %dma_wait3A] : memref<24x128xi32, #tpu.memory_space<vmem>> -> memref<1x128xi32, #tpu.memory_space<vmem>>
        %dma_wait3A_148 = tpu.memref_squeeze %dma_wait3A_147 : memref<1x128xi32, #tpu.memory_space<vmem>> -> memref<128xi32, #tpu.memory_space<vmem>>
        %dma_wait3A_149 = arith.constant 0 : i32
        %dma_wait3A_150 = arith.constant 0 : i32
        %dma_wait3A_151 = tpu.memref_slice %arg2[%dma_wait3A_149, %dma_wait3A_150] : memref<10000x128xf32, #tpu.memory_space<hbm>> -> memref<10000x128xf32, #tpu.memory_space<hbm>>
        tpu.wait_indirect_dma semaphore(%arg11 : memref<!tpu.dma_semaphore, #tpu.memory_space<semaphore_mem>>) src(%dma_wait3A_151 : memref<10000x128xf32, #tpu.memory_space<hbm>>) dst(%arg8 : memref<128x128xf32, #tpu.memory_space<vmem>>)
        "tpu.region"() ({
          %run_scoped3A = tpu.sem_alloc : memref<!tpu.dma_semaphore, #tpu.memory_space<semaphore_mem>>
          %dma_start3A_169 = arith.constant 0 : i32
          %dma_start3A_170 = tpu.memref_slice %arg7[%mul3A_138, %dma_start3A_169] : memref<24x128xi32, #tpu.memory_space<vmem>> -> memref<1x128xi32, #tpu.memory_space<vmem>>
          %dma_start3A_171 = tpu.memref_squeeze %dma_start3A_170 : memref<1x128xi32, #tpu.memory_space<vmem>> -> memref<128xi32, #tpu.memory_space<vmem>>
          %dma_start3A_172 = arith.constant 0 : i32
          %dma_start3A_173 = arith.constant 0 : i32
          %dma_start3A_174 = tpu.memref_slice %arg10[%dma_start3A_172, %dma_start3A_173] : memref<10016x128xf32, #tpu.memory_space<vmem_shared>> -> memref<10016x128xf32, #tpu.memory_space<vmem_shared>>
          tpu.enqueue_indirect_dma source(%arg8 : memref<128x128xf32, #tpu.memory_space<vmem>>) target(%dma_start3A_174 : memref<10016x128xf32, #tpu.memory_space<vmem_shared>>) offsets(%dma_start3A_171 : memref<128xi32, #tpu.memory_space<vmem>>) semaphore(%run_scoped3A : memref<!tpu.dma_semaphore, #tpu.memory_space<semaphore_mem>>) {add = true}
          %dma_wait3A_175 = arith.constant 0 : i32
          %dma_wait3A_176 = tpu.memref_slice %arg7[%mul3A_138, %dma_wait3A_175] : memref<24x128xi32, #tpu.memory_space<vmem>> -> memref<1x128xi32, #tpu.memory_space<vmem>>
          %dma_wait3A_177 = tpu.memref_squeeze %dma_wait3A_176 : memref<1x128xi32, #tpu.memory_space<vmem>> -> memref<128xi32, #tpu.memory_space<vmem>>
          %dma_wait3A_178 = arith.constant 0 : i32
          %dma_wait3A_179 = arith.constant 0 : i32
          %dma_wait3A_180 = tpu.memref_slice %arg10[%dma_wait3A_178, %dma_wait3A_179] : memref<10016x128xf32, #tpu.memory_space<vmem_shared>> -> memref<10016x128xf32, #tpu.memory_space<vmem_shared>>
          tpu.wait_indirect_dma semaphore(%run_scoped3A : memref<!tpu.dma_semaphore, #tpu.memory_space<semaphore_mem>>) src(%arg8 : memref<128x128xf32, #tpu.memory_space<vmem>>) dst(%dma_wait3A_180 : memref<10016x128xf32, #tpu.memory_space<vmem_shared>>)
          tpu.yield
        }) : () -> ()
        %add3A_152 = arith.constant 2 : i32
        %add3A_153 = arith.addi %mul3A_138, %add3A_152 : i32
        %lt3A_154 = arith.cmpi slt, %add3A_153, %min3A_89 : i32
        %convert_element_type3A_155 = arith.extui %lt3A_154 : i1 to i32
        %cond3A_156 = arith.constant 0 : i32
        %cond3A_157 = arith.cmpi ne, %convert_element_type3A_155, %cond3A_156 : i32
        scf.if %cond3A_157 {
          %add3A_169 = arith.constant 2 : i32
          %add3A_170 = arith.addi %mul3A_138, %add3A_169 : i32
          %dma_start3A_171 = arith.constant 0 : i32
          %dma_start3A_172 = tpu.memref_slice %arg6[%add3A_170, %dma_start3A_171] : memref<24x128xi32, #tpu.memory_space<vmem>> -> memref<1x128xi32, #tpu.memory_space<vmem>>
          %dma_start3A_173 = tpu.memref_squeeze %dma_start3A_172 : memref<1x128xi32, #tpu.memory_space<vmem>> -> memref<128xi32, #tpu.memory_space<vmem>>
          %dma_start3A_174 = arith.constant 0 : i32
          %dma_start3A_175 = arith.constant 0 : i32
          %dma_start3A_176 = tpu.memref_slice %arg2[%dma_start3A_174, %dma_start3A_175] : memref<10000x128xf32, #tpu.memory_space<hbm>> -> memref<10000x128xf32, #tpu.memory_space<hbm>>
          tpu.enqueue_indirect_dma source(%dma_start3A_176 : memref<10000x128xf32, #tpu.memory_space<hbm>>) target(%arg8 : memref<128x128xf32, #tpu.memory_space<vmem>>) offsets(%dma_start3A_173 : memref<128xi32, #tpu.memory_space<vmem>>) semaphore(%arg11 : memref<!tpu.dma_semaphore, #tpu.memory_space<semaphore_mem>>)
        } else {
        }
        %add3A_158 = arith.constant 1 : i32
        %add3A_159 = arith.addi %mul3A_138, %add3A_158 : i32
        %dma_wait3A_160 = arith.constant 0 : i32
        %dma_wait3A_161 = tpu.memref_slice %arg6[%add3A_159, %dma_wait3A_160] : memref<24x128xi32, #tpu.memory_space<vmem>> -> memref<1x128xi32, #tpu.memory_space<vmem>>
        %dma_wait3A_162 = tpu.memref_squeeze %dma_wait3A_161 : memref<1x128xi32, #tpu.memory_space<vmem>> -> memref<128xi32, #tpu.memory_space<vmem>>
        %dma_wait3A_163 = arith.constant 0 : i32
        %dma_wait3A_164 = arith.constant 0 : i32
        %dma_wait3A_165 = tpu.memref_slice %arg2[%dma_wait3A_163, %dma_wait3A_164] : memref<10000x128xf32, #tpu.memory_space<hbm>> -> memref<10000x128xf32, #tpu.memory_space<hbm>>
        tpu.wait_indirect_dma semaphore(%arg12 : memref<!tpu.dma_semaphore, #tpu.memory_space<semaphore_mem>>) src(%dma_wait3A_165 : memref<10000x128xf32, #tpu.memory_space<hbm>>) dst(%arg9 : memref<128x128xf32, #tpu.memory_space<vmem>>)
        %add3A_166 = arith.constant 1 : i32
        %add3A_167 = arith.addi %mul3A_138, %add3A_166 : i32
        "tpu.region"() ({
          %run_scoped3A = tpu.sem_alloc : memref<!tpu.dma_semaphore, #tpu.memory_space<semaphore_mem>>
          %dma_start3A_169 = arith.constant 0 : i32
          %dma_start3A_170 = tpu.memref_slice %arg7[%add3A_167, %dma_start3A_169] : memref<24x128xi32, #tpu.memory_space<vmem>> -> memref<1x128xi32, #tpu.memory_space<vmem>>
          %dma_start3A_171 = tpu.memref_squeeze %dma_start3A_170 : memref<1x128xi32, #tpu.memory_space<vmem>> -> memref<128xi32, #tpu.memory_space<vmem>>
          %dma_start3A_172 = arith.constant 0 : i32
          %dma_start3A_173 = arith.constant 0 : i32
          %dma_start3A_174 = tpu.memref_slice %arg10[%dma_start3A_172, %dma_start3A_173] : memref<10016x128xf32, #tpu.memory_space<vmem_shared>> -> memref<10016x128xf32, #tpu.memory_space<vmem_shared>>
          tpu.enqueue_indirect_dma source(%arg9 : memref<128x128xf32, #tpu.memory_space<vmem>>) target(%dma_start3A_174 : memref<10016x128xf32, #tpu.memory_space<vmem_shared>>) offsets(%dma_start3A_171 : memref<128xi32, #tpu.memory_space<vmem>>) semaphore(%run_scoped3A : memref<!tpu.dma_semaphore, #tpu.memory_space<semaphore_mem>>) {add = true}
          %dma_wait3A_175 = arith.constant 0 : i32
          %dma_wait3A_176 = tpu.memref_slice %arg7[%add3A_167, %dma_wait3A_175] : memref<24x128xi32, #tpu.memory_space<vmem>> -> memref<1x128xi32, #tpu.memory_space<vmem>>
          %dma_wait3A_177 = tpu.memref_squeeze %dma_wait3A_176 : memref<1x128xi32, #tpu.memory_space<vmem>> -> memref<128xi32, #tpu.memory_space<vmem>>
          %dma_wait3A_178 = arith.constant 0 : i32
          %dma_wait3A_179 = arith.constant 0 : i32
          %dma_wait3A_180 = tpu.memref_slice %arg10[%dma_wait3A_178, %dma_wait3A_179] : memref<10016x128xf32, #tpu.memory_space<vmem_shared>> -> memref<10016x128xf32, #tpu.memory_space<vmem_shared>>
          tpu.wait_indirect_dma semaphore(%run_scoped3A : memref<!tpu.dma_semaphore, #tpu.memory_space<semaphore_mem>>) src(%arg9 : memref<128x128xf32, #tpu.memory_space<vmem>>) dst(%dma_wait3A_180 : memref<10016x128xf32, #tpu.memory_space<vmem_shared>>)
          tpu.yield
        }) : () -> ()
        %while3A_168 = arith.constant 0 : i32
        scf.yield %while3A_168 : i32
      }
      %while3A_134 = arith.constant 0 : i32
      scf.yield %while3A_134 : i32
    }
    %barrier3A_74 = arith.constant 0 : index
    tpu.barrier barrier_id(%barrier3A_74)
    "tpu.trace_stop"() : () -> ()
    "tpu.trace_start"() <{level = 10 : i32, message = "ph3_dump"}> : () -> ()
    %mul3A_75 = arith.constant 624 : i32
    %mul3A_76 = arith.muli %arg1, %mul3A_75 : i32
    %mul3A_77 = arith.constant 624 : i32
    %mul3A_78 = arith.muli %arg1, %mul3A_77 : i32
    "tpu.region"() ({
      %run_scoped3A = tpu.sem_alloc : memref<!tpu.dma_semaphore, #tpu.memory_space<semaphore_mem>>
      %dma_start3A = arith.constant 0 : i32
      %dma_start3A_84 = arith.constant 0 : i32
      %dma_start3A_85 = tpu.memref_slice %arg5[%arg0, %dma_start3A, %dma_start3A_84] : memref<2x10000x128xf32, #tpu.memory_space<hbm>> -> memref<1x10000x128xf32, #tpu.memory_space<hbm>>
      %dma_start3A_86 = tpu.memref_squeeze %dma_start3A_85 : memref<1x10000x128xf32, #tpu.memory_space<hbm>> -> memref<10000x128xf32, #tpu.memory_space<hbm>>
      %dma_start3A_87 = arith.constant 0 : i32
      %dma_start3A_88 = tpu.memref_slice %dma_start3A_86[%mul3A_78, %dma_start3A_87] : memref<10000x128xf32, #tpu.memory_space<hbm>> -> memref<624x128xf32, #tpu.memory_space<hbm>>
      %dma_start3A_89 = arith.constant 0 : i32
      %dma_start3A_90 = tpu.memref_slice %arg10[%mul3A_76, %dma_start3A_89] : memref<10016x128xf32, #tpu.memory_space<vmem_shared>> -> memref<624x128xf32, #tpu.memory_space<vmem_shared>>
      tpu.enqueue_dma source(%dma_start3A_90 : memref<624x128xf32, #tpu.memory_space<vmem_shared>>) target(%dma_start3A_88 : memref<624x128xf32, #tpu.memory_space<hbm>>) target_semaphore(%run_scoped3A : memref<!tpu.dma_semaphore, #tpu.memory_space<semaphore_mem>>)
      %dma_wait3A = arith.constant 0 : i32
      %dma_wait3A_91 = arith.constant 0 : i32
      %dma_wait3A_92 = tpu.memref_slice %arg5[%arg0, %dma_wait3A, %dma_wait3A_91] : memref<2x10000x128xf32, #tpu.memory_space<hbm>> -> memref<1x10000x128xf32, #tpu.memory_space<hbm>>
      %dma_wait3A_93 = tpu.memref_squeeze %dma_wait3A_92 : memref<1x10000x128xf32, #tpu.memory_space<hbm>> -> memref<10000x128xf32, #tpu.memory_space<hbm>>
      %dma_wait3A_94 = arith.constant 0 : i32
      %dma_wait3A_95 = tpu.memref_slice %dma_wait3A_93[%mul3A_78, %dma_wait3A_94] : memref<10000x128xf32, #tpu.memory_space<hbm>> -> memref<624x128xf32, #tpu.memory_space<hbm>>
      %dma_wait3A_96 = arith.constant 0 : i32
      %dma_wait3A_97 = tpu.memref_slice %arg10[%mul3A_76, %dma_wait3A_96] : memref<10016x128xf32, #tpu.memory_space<vmem_shared>> -> memref<624x128xf32, #tpu.memory_space<vmem_shared>>
      tpu.wait_dma2 semaphore(%run_scoped3A : memref<!tpu.dma_semaphore, #tpu.memory_space<semaphore_mem>>) src(%dma_wait3A_97 : memref<624x128xf32, #tpu.memory_space<vmem_shared>>) dst(%dma_wait3A_95 : memref<624x128xf32, #tpu.memory_space<hbm>>)
      tpu.yield
    }) : () -> ()
    %lt3A_79 = arith.constant 2 : i32
    %lt3A_80 = arith.cmpi slt, %arg1, %lt3A_79 : i32
    %convert_element_type3A_81 = arith.extui %lt3A_80 : i1 to i32
    %cond3A_82 = arith.constant 0 : i32
    %cond3A_83 = arith.cmpi ne, %convert_element_type3A_81, %cond3A_82 : i32
    scf.if %cond3A_83 {
      %mul3A_84 = arith.constant 8 : i32
      %mul3A_85 = arith.muli %arg1, %mul3A_84 : i32
      %add3A_86 = arith.constant 9984 : i32
      %add3A_87 = arith.addi %add3A_86, %mul3A_85 : i32
      "tpu.region"() ({
        %run_scoped3A = tpu.sem_alloc : memref<!tpu.dma_semaphore, #tpu.memory_space<semaphore_mem>>
        %dma_start3A = arith.constant 0 : i32
        %dma_start3A_88 = arith.constant 0 : i32
        %dma_start3A_89 = tpu.memref_slice %arg5[%arg0, %dma_start3A, %dma_start3A_88] : memref<2x10000x128xf32, #tpu.memory_space<hbm>> -> memref<1x10000x128xf32, #tpu.memory_space<hbm>>
        %dma_start3A_90 = tpu.memref_squeeze %dma_start3A_89 : memref<1x10000x128xf32, #tpu.memory_space<hbm>> -> memref<10000x128xf32, #tpu.memory_space<hbm>>
        %dma_start3A_91 = arith.constant 0 : i32
        %dma_start3A_92 = tpu.memref_slice %dma_start3A_90[%add3A_87, %dma_start3A_91] : memref<10000x128xf32, #tpu.memory_space<hbm>> -> memref<8x128xf32, #tpu.memory_space<hbm>>
        %dma_start3A_93 = arith.constant 0 : i32
        %dma_start3A_94 = tpu.memref_slice %arg10[%add3A_87, %dma_start3A_93] : memref<10016x128xf32, #tpu.memory_space<vmem_shared>> -> memref<8x128xf32, #tpu.memory_space<vmem_shared>>
        tpu.enqueue_dma source(%dma_start3A_94 : memref<8x128xf32, #tpu.memory_space<vmem_shared>>) target(%dma_start3A_92 : memref<8x128xf32, #tpu.memory_space<hbm>>) target_semaphore(%run_scoped3A : memref<!tpu.dma_semaphore, #tpu.memory_space<semaphore_mem>>)
        %dma_wait3A = arith.constant 0 : i32
        %dma_wait3A_95 = arith.constant 0 : i32
        %dma_wait3A_96 = tpu.memref_slice %arg5[%arg0, %dma_wait3A, %dma_wait3A_95] : memref<2x10000x128xf32, #tpu.memory_space<hbm>> -> memref<1x10000x128xf32, #tpu.memory_space<hbm>>
        %dma_wait3A_97 = tpu.memref_squeeze %dma_wait3A_96 : memref<1x10000x128xf32, #tpu.memory_space<hbm>> -> memref<10000x128xf32, #tpu.memory_space<hbm>>
        %dma_wait3A_98 = arith.constant 0 : i32
        %dma_wait3A_99 = tpu.memref_slice %dma_wait3A_97[%add3A_87, %dma_wait3A_98] : memref<10000x128xf32, #tpu.memory_space<hbm>> -> memref<8x128xf32, #tpu.memory_space<hbm>>
        %dma_wait3A_100 = arith.constant 0 : i32
        %dma_wait3A_101 = tpu.memref_slice %arg10[%add3A_87, %dma_wait3A_100] : memref<10016x128xf32, #tpu.memory_space<vmem_shared>> -> memref<8x128xf32, #tpu.memory_space<vmem_shared>>
        tpu.wait_dma2 semaphore(%run_scoped3A : memref<!tpu.dma_semaphore, #tpu.memory_space<semaphore_mem>>) src(%dma_wait3A_101 : memref<8x128xf32, #tpu.memory_space<vmem_shared>>) dst(%dma_wait3A_99 : memref<8x128xf32, #tpu.memory_space<hbm>>)
        tpu.yield
      }) : () -> ()
    } else {
    }
    "tpu.trace_stop"() : () -> ()
    return
  }
}

module attributes {stable_mosaic.version = 14 : i64} {
  func.func @_mm_body(%arg0: i32, %arg1: memref<1000x128xf32, #tpu.memory_space<vmem>>, %arg2: memref<128x128xf32, #tpu.memory_space<vmem>>, %arg3: memref<1000x128xf32, #tpu.memory_space<vmem>>) attributes {dimension_semantics = [#tpu.dimension_semantics<arbitrary>], iteration_bounds = array<i64: 10>, scalar_prefetch = 0 : i64, scratch_operands = 0 : i64, tpu.core_type = #tpu.core_type<tc>, window_params = [{transform_indices = @transform_0, window_bounds = array<i64: 1000, 128>}, {pipeline_mode = #tpu.pipeline_mode<synchronous>, transform_indices = @transform_1, window_bounds = array<i64: 128, 128>}, {transform_indices = @transform_2, window_bounds = array<i64: 1000, 128>}]} {
    %get3A = arith.constant 0 : index
    %get3A_0 = arith.constant 0 : index
    %get3A_1 = vector.load %arg1[%get3A, %get3A_0] : memref<1000x128xf32, #tpu.memory_space<vmem>>, vector<1000x128xf32>
    %get3A_2 = arith.constant 0 : index
    %get3A_3 = arith.constant 0 : index
    %get3A_4 = vector.load %arg2[%get3A_2, %get3A_3] : memref<128x128xf32, #tpu.memory_space<vmem>>, vector<128x128xf32>
    %dot_general3A = arith.constant dense<0.000000e+00> : vector<1000x128xf32>
    %dot_general3A_5 = tpu.matmul %get3A_1, %get3A_4, %dot_general3A {dimension_numbers = #tpu.dot_dimension_numbers<[1], [0], [0], [1], [0, 0, 1, 1], [], []>, transpose_lhs_hint = false} : vector<1000x128xf32>, vector<128x128xf32>, vector<1000x128xf32> -> vector<1000x128xf32>
    %swap3A = arith.constant 0 : index
    %swap3A_6 = arith.constant 0 : index
    %swap3A_7 = vector.load %arg3[%swap3A, %swap3A_6] : memref<1000x128xf32, #tpu.memory_space<vmem>>, vector<1000x128xf32>
    tpu.vector_store %arg3[%swap3A, %swap3A_6], %dot_general3A_5 {strides = array<i32>} : memref<1000x128xf32, #tpu.memory_space<vmem>>, vector<1000x128xf32>,
    return
  }
  func.func @transform_0(%arg0: i32) -> (i32, i32) {
    %c0_i32 = arith.constant 0 : i32
    %c0_i32_0 = arith.constant 0 : i32
    return %arg0, %c0_i32 : i32, i32
  }
  func.func @transform_1(%arg0: i32) -> (i32, i32) {
    %c0_i32 = arith.constant 0 : i32
    %c0_i32_0 = arith.constant 0 : i32
    %c0_i32_1 = arith.constant 0 : i32
    return %c0_i32, %c0_i32_0 : i32, i32
  }
  func.func @transform_2(%arg0: i32) -> (i32, i32) {
    %c0_i32 = arith.constant 0 : i32
    %c0_i32_0 = arith.constant 0 : i32
    return %arg0, %c0_i32 : i32, i32
  }
}

module attributes {stable_mosaic.version = 14 : i64} {
  func.func @_gru_fused_body(%arg0: i32, %arg1: memref<1000x128xf32, #tpu.memory_space<vmem>>, %arg2: memref<1000x128xf32, #tpu.memory_space<vmem>>, %arg3: memref<1000x128xf32, #tpu.memory_space<vmem>>, %arg4: memref<128x384xf32, #tpu.memory_space<vmem>>, %arg5: memref<128x384xf32, #tpu.memory_space<vmem>>, %arg6: memref<1x384xf32, #tpu.memory_space<vmem>>, %arg7: memref<1x384xf32, #tpu.memory_space<vmem>>, %arg8: memref<128x128xf32, #tpu.memory_space<vmem>>, %arg9: memref<1000x128xf32, #tpu.memory_space<vmem>>, %arg10: memref<1000x128xf32, #tpu.memory_space<vmem>>) attributes {dimension_semantics = [#tpu.dimension_semantics<arbitrary>], iteration_bounds = array<i64: 10>, scalar_prefetch = 0 : i64, scratch_operands = 0 : i64, tpu.core_type = #tpu.core_type<tc>, window_params = [{transform_indices = @transform_0, window_bounds = array<i64: 1000, 128>}, {transform_indices = @transform_1, window_bounds = array<i64: 1000, 128>}, {transform_indices = @transform_2, window_bounds = array<i64: 1000, 128>}, {pipeline_mode = #tpu.pipeline_mode<synchronous>, transform_indices = @transform_3, window_bounds = array<i64: 128, 384>}, {pipeline_mode = #tpu.pipeline_mode<synchronous>, transform_indices = @transform_4, window_bounds = array<i64: 128, 384>}, {pipeline_mode = #tpu.pipeline_mode<synchronous>, transform_indices = @transform_5, window_bounds = array<i64: 1, 384>}, {pipeline_mode = #tpu.pipeline_mode<synchronous>, transform_indices = @transform_6, window_bounds = array<i64: 1, 384>}, {pipeline_mode = #tpu.pipeline_mode<synchronous>, transform_indices = @transform_7, window_bounds = array<i64: 128, 128>}, {transform_indices = @transform_8, window_bounds = array<i64: 1000, 128>}, {transform_indices = @transform_9, window_bounds = array<i64: 1000, 128>}]} {
    %get3A = arith.constant 0 : index
    %get3A_0 = arith.constant 0 : index
    %get3A_1 = vector.load %arg1[%get3A, %get3A_0] : memref<1000x128xf32, #tpu.memory_space<vmem>>, vector<1000x128xf32>
    %get3A_2 = arith.constant 0 : index
    %get3A_3 = arith.constant 0 : index
    %get3A_4 = vector.load %arg2[%get3A_2, %get3A_3] : memref<1000x128xf32, #tpu.memory_space<vmem>>, vector<1000x128xf32>
    %add3A = arith.addf %get3A_1, %get3A_4 : vector<1000x128xf32>
    %get3A_5 = arith.constant 0 : index
    %get3A_6 = arith.constant 0 : index
    %get3A_7 = vector.load %arg4[%get3A_5, %get3A_6] : memref<128x384xf32, #tpu.memory_space<vmem>>, vector<128x384xf32>
    %dot_general3A = arith.constant dense<0.000000e+00> : vector<1000x384xf32>
    %dot_general3A_8 = tpu.matmul %add3A, %get3A_7, %dot_general3A {dimension_numbers = #tpu.dot_dimension_numbers<[1], [0], [0], [1], [0, 0, 1, 1], [], []>, transpose_lhs_hint = false} : vector<1000x128xf32>, vector<128x384xf32>, vector<1000x384xf32> -> vector<1000x384xf32>
    %get3A_9 = arith.constant 0 : index
    %get3A_10 = arith.constant 0 : index
    %get3A_11 = vector.load %arg6[%get3A_9, %get3A_10] : memref<1x384xf32, #tpu.memory_space<vmem>>, vector<1x384xf32>
    %add3A_12 = vector.broadcast %get3A_11 : vector<1x384xf32> to vector<1000x384xf32>
    %add3A_13 = arith.addf %dot_general3A_8, %add3A_12 : vector<1000x384xf32>
    %get3A_14 = arith.constant 0 : index
    %get3A_15 = arith.constant 0 : index
    %get3A_16 = vector.load %arg3[%get3A_14, %get3A_15] : memref<1000x128xf32, #tpu.memory_space<vmem>>, vector<1000x128xf32>
    %get3A_17 = arith.constant 0 : index
    %get3A_18 = arith.constant 0 : index
    %get3A_19 = vector.load %arg5[%get3A_17, %get3A_18] : memref<128x384xf32, #tpu.memory_space<vmem>>, vector<128x384xf32>
    %dot_general3A_20 = arith.constant dense<0.000000e+00> : vector<1000x384xf32>
    %dot_general3A_21 = tpu.matmul %get3A_16, %get3A_19, %dot_general3A_20 {dimension_numbers = #tpu.dot_dimension_numbers<[1], [0], [0], [1], [0, 0, 1, 1], [], []>, transpose_lhs_hint = false} : vector<1000x128xf32>, vector<128x384xf32>, vector<1000x384xf32> -> vector<1000x384xf32>
    %get3A_22 = arith.constant 0 : index
    %get3A_23 = arith.constant 0 : index
    %get3A_24 = vector.load %arg7[%get3A_22, %get3A_23] : memref<1x384xf32, #tpu.memory_space<vmem>>, vector<1x384xf32>
    %add3A_25 = vector.broadcast %get3A_24 : vector<1x384xf32> to vector<1000x384xf32>
    %add3A_26 = arith.addf %dot_general3A_21, %add3A_25 : vector<1000x384xf32>
    %slice3A = vector.extract_strided_slice %add3A_13 {offsets = [0, 0], sizes = [1000, 128], strides = [1, 1]} : vector<1000x384xf32> to vector<1000x128xf32>
    %slice3A_27 = vector.extract_strided_slice %add3A_26 {offsets = [0, 0], sizes = [1000, 128], strides = [1, 1]} : vector<1000x384xf32> to vector<1000x128xf32>
    %add3A_28 = arith.addf %slice3A, %slice3A_27 : vector<1000x128xf32>
    %logistic3A = arith.negf %add3A_28 : vector<1000x128xf32>
    %logistic3A_29 = math.exp %logistic3A : vector<1000x128xf32>
    %logistic3A_30 = arith.constant 1.000000e+00 : f32
    %logistic3A_31 = vector.broadcast %logistic3A_30 : f32 to vector<1000x128xf32>
    %logistic3A_32 = arith.addf %logistic3A_31, %logistic3A_29 : vector<1000x128xf32>
    %logistic3A_33 = arith.divf %logistic3A_31, %logistic3A_32 : vector<1000x128xf32>
    %slice3A_34 = vector.extract_strided_slice %add3A_13 {offsets = [0, 128], sizes = [1000, 128], strides = [1, 1]} : vector<1000x384xf32> to vector<1000x128xf32>
    %slice3A_35 = vector.extract_strided_slice %add3A_26 {offsets = [0, 128], sizes = [1000, 128], strides = [1, 1]} : vector<1000x384xf32> to vector<1000x128xf32>
    %add3A_36 = arith.addf %slice3A_34, %slice3A_35 : vector<1000x128xf32>
    %logistic3A_37 = arith.negf %add3A_36 : vector<1000x128xf32>
    %logistic3A_38 = math.exp %logistic3A_37 : vector<1000x128xf32>
    %logistic3A_39 = arith.constant 1.000000e+00 : f32
    %logistic3A_40 = vector.broadcast %logistic3A_39 : f32 to vector<1000x128xf32>
    %logistic3A_41 = arith.addf %logistic3A_40, %logistic3A_38 : vector<1000x128xf32>
    %logistic3A_42 = arith.divf %logistic3A_40, %logistic3A_41 : vector<1000x128xf32>
    %slice3A_43 = vector.extract_strided_slice %add3A_13 {offsets = [0, 256], sizes = [1000, 128], strides = [1, 1]} : vector<1000x384xf32> to vector<1000x128xf32>
    %slice3A_44 = vector.extract_strided_slice %add3A_26 {offsets = [0, 256], sizes = [1000, 128], strides = [1, 1]} : vector<1000x384xf32> to vector<1000x128xf32>
    %mul3A = arith.mulf %logistic3A_33, %slice3A_44 : vector<1000x128xf32>
    %add3A_45 = arith.addf %slice3A_43, %mul3A : vector<1000x128xf32>
    %tanh3A = math.tanh %add3A_45 : vector<1000x128xf32>
    %sub3A = arith.constant 1.000000e+00 : f32
    %sub3A_46 = vector.broadcast %sub3A : f32 to vector<1000x128xf32>
    %sub3A_47 = arith.subf %sub3A_46, %logistic3A_42 : vector<1000x128xf32>
    %mul3A_48 = arith.mulf %sub3A_47, %tanh3A : vector<1000x128xf32>
    %get3A_49 = arith.constant 0 : index
    %get3A_50 = arith.constant 0 : index
    %get3A_51 = vector.load %arg3[%get3A_49, %get3A_50] : memref<1000x128xf32, #tpu.memory_space<vmem>>, vector<1000x128xf32>
    %mul3A_52 = arith.mulf %logistic3A_42, %get3A_51 : vector<1000x128xf32>
    %add3A_53 = arith.addf %mul3A_48, %mul3A_52 : vector<1000x128xf32>
    %swap3A = arith.constant 0 : index
    %swap3A_54 = arith.constant 0 : index
    %swap3A_55 = vector.load %arg9[%swap3A, %swap3A_54] : memref<1000x128xf32, #tpu.memory_space<vmem>>, vector<1000x128xf32>
    tpu.vector_store %arg9[%swap3A, %swap3A_54], %add3A_53 {strides = array<i32>} : memref<1000x128xf32, #tpu.memory_space<vmem>>, vector<1000x128xf32>,
    %get3A_56 = arith.constant 0 : index
    %get3A_57 = arith.constant 0 : index
    %get3A_58 = vector.load %arg8[%get3A_56, %get3A_57] : memref<128x128xf32, #tpu.memory_space<vmem>>, vector<128x128xf32>
    %dot_general3A_59 = arith.constant dense<0.000000e+00> : vector<1000x128xf32>
    %dot_general3A_60 = tpu.matmul %add3A_53, %get3A_58, %dot_general3A_59 {dimension_numbers = #tpu.dot_dimension_numbers<[1], [0], [0], [1], [0, 0, 1, 1], [], []>, transpose_lhs_hint = false} : vector<1000x128xf32>, vector<128x128xf32>, vector<1000x128xf32> -> vector<1000x128xf32>
    %swap3A_61 = arith.constant 0 : index
    %swap3A_62 = arith.constant 0 : index
    %swap3A_63 = vector.load %arg10[%swap3A_61, %swap3A_62] : memref<1000x128xf32, #tpu.memory_space<vmem>>, vector<1000x128xf32>
    tpu.vector_store %arg10[%swap3A_61, %swap3A_62], %dot_general3A_60 {strides = array<i32>} : memref<1000x128xf32, #tpu.memory_space<vmem>>, vector<1000x128xf32>,
    return
  }
  func.func @transform_0(%arg0: i32) -> (i32, i32) {
    %c0_i32 = arith.constant 0 : i32
    %c0_i32_0 = arith.constant 0 : i32
    return %arg0, %c0_i32 : i32, i32
  }
  func.func @transform_1(%arg0: i32) -> (i32, i32) {
    %c0_i32 = arith.constant 0 : i32
    %c0_i32_0 = arith.constant 0 : i32
    return %arg0, %c0_i32 : i32, i32
  }
  func.func @transform_2(%arg0: i32) -> (i32, i32) {
    %c0_i32 = arith.constant 0 : i32
    %c0_i32_0 = arith.constant 0 : i32
    return %arg0, %c0_i32 : i32, i32
  }
  func.func @transform_3(%arg0: i32) -> (i32, i32) {
    %c0_i32 = arith.constant 0 : i32
    %c0_i32_0 = arith.constant 0 : i32
    %c0_i32_1 = arith.constant 0 : i32
    return %c0_i32, %c0_i32_0 : i32, i32
  }
  func.func @transform_4(%arg0: i32) -> (i32, i32) {
    %c0_i32 = arith.constant 0 : i32
    %c0_i32_0 = arith.constant 0 : i32
    %c0_i32_1 = arith.constant 0 : i32
    return %c0_i32, %c0_i32_0 : i32, i32
  }
  func.func @transform_5(%arg0: i32) -> (i32, i32) {
    %c0_i32 = arith.constant 0 : i32
    %c0_i32_0 = arith.constant 0 : i32
    %c0_i32_1 = arith.constant 0 : i32
    return %c0_i32, %c0_i32_0 : i32, i32
  }
  func.func @transform_6(%arg0: i32) -> (i32, i32) {
    %c0_i32 = arith.constant 0 : i32
    %c0_i32_0 = arith.constant 0 : i32
    %c0_i32_1 = arith.constant 0 : i32
    return %c0_i32, %c0_i32_0 : i32, i32
  }
  func.func @transform_7(%arg0: i32) -> (i32, i32) {
    %c0_i32 = arith.constant 0 : i32
    %c0_i32_0 = arith.constant 0 : i32
    %c0_i32_1 = arith.constant 0 : i32
    return %c0_i32, %c0_i32_0 : i32, i32
  }
  func.func @transform_8(%arg0: i32) -> (i32, i32) {
    %c0_i32 = arith.constant 0 : i32
    %c0_i32_0 = arith.constant 0 : i32
    return %arg0, %c0_i32 : i32, i32
  }
  func.func @transform_9(%arg0: i32) -> (i32, i32) {
    %c0_i32 = arith.constant 0 : i32
    %c0_i32_0 = arith.constant 0 : i32
    return %arg0, %c0_i32 : i32, i32
  }
}

module attributes {stable_mosaic.version = 14 : i64} {
  func.func @_gru_body(%arg0: i32, %arg1: memref<1000x128xf32, #tpu.memory_space<vmem>>, %arg2: memref<1000x128xf32, #tpu.memory_space<vmem>>, %arg3: memref<1000x128xf32, #tpu.memory_space<vmem>>, %arg4: memref<128x384xf32, #tpu.memory_space<vmem>>, %arg5: memref<128x384xf32, #tpu.memory_space<vmem>>, %arg6: memref<1x384xf32, #tpu.memory_space<vmem>>, %arg7: memref<1x384xf32, #tpu.memory_space<vmem>>, %arg8: memref<1000x128xf32, #tpu.memory_space<vmem>>) attributes {dimension_semantics = [#tpu.dimension_semantics<arbitrary>], iteration_bounds = array<i64: 10>, scalar_prefetch = 0 : i64, scratch_operands = 0 : i64, tpu.core_type = #tpu.core_type<tc>, window_params = [{transform_indices = @transform_0, window_bounds = array<i64: 1000, 128>}, {transform_indices = @transform_1, window_bounds = array<i64: 1000, 128>}, {transform_indices = @transform_2, window_bounds = array<i64: 1000, 128>}, {pipeline_mode = #tpu.pipeline_mode<synchronous>, transform_indices = @transform_3, window_bounds = array<i64: 128, 384>}, {pipeline_mode = #tpu.pipeline_mode<synchronous>, transform_indices = @transform_4, window_bounds = array<i64: 128, 384>}, {pipeline_mode = #tpu.pipeline_mode<synchronous>, transform_indices = @transform_5, window_bounds = array<i64: 1, 384>}, {pipeline_mode = #tpu.pipeline_mode<synchronous>, transform_indices = @transform_6, window_bounds = array<i64: 1, 384>}, {transform_indices = @transform_7, window_bounds = array<i64: 1000, 128>}]} {
    %get3A = arith.constant 0 : index
    %get3A_0 = arith.constant 0 : index
    %get3A_1 = vector.load %arg1[%get3A, %get3A_0] : memref<1000x128xf32, #tpu.memory_space<vmem>>, vector<1000x128xf32>
    %get3A_2 = arith.constant 0 : index
    %get3A_3 = arith.constant 0 : index
    %get3A_4 = vector.load %arg2[%get3A_2, %get3A_3] : memref<1000x128xf32, #tpu.memory_space<vmem>>, vector<1000x128xf32>
    %add3A = arith.addf %get3A_1, %get3A_4 : vector<1000x128xf32>
    %get3A_5 = arith.constant 0 : index
    %get3A_6 = arith.constant 0 : index
    %get3A_7 = vector.load %arg4[%get3A_5, %get3A_6] : memref<128x384xf32, #tpu.memory_space<vmem>>, vector<128x384xf32>
    %dot_general3A = arith.constant dense<0.000000e+00> : vector<1000x384xf32>
    %dot_general3A_8 = tpu.matmul %add3A, %get3A_7, %dot_general3A {dimension_numbers = #tpu.dot_dimension_numbers<[1], [0], [0], [1], [0, 0, 1, 1], [], []>, transpose_lhs_hint = false} : vector<1000x128xf32>, vector<128x384xf32>, vector<1000x384xf32> -> vector<1000x384xf32>
    %get3A_9 = arith.constant 0 : index
    %get3A_10 = arith.constant 0 : index
    %get3A_11 = vector.load %arg6[%get3A_9, %get3A_10] : memref<1x384xf32, #tpu.memory_space<vmem>>, vector<1x384xf32>
    %add3A_12 = vector.broadcast %get3A_11 : vector<1x384xf32> to vector<1000x384xf32>
    %add3A_13 = arith.addf %dot_general3A_8, %add3A_12 : vector<1000x384xf32>
    %get3A_14 = arith.constant 0 : index
    %get3A_15 = arith.constant 0 : index
    %get3A_16 = vector.load %arg3[%get3A_14, %get3A_15] : memref<1000x128xf32, #tpu.memory_space<vmem>>, vector<1000x128xf32>
    %get3A_17 = arith.constant 0 : index
    %get3A_18 = arith.constant 0 : index
    %get3A_19 = vector.load %arg5[%get3A_17, %get3A_18] : memref<128x384xf32, #tpu.memory_space<vmem>>, vector<128x384xf32>
    %dot_general3A_20 = arith.constant dense<0.000000e+00> : vector<1000x384xf32>
    %dot_general3A_21 = tpu.matmul %get3A_16, %get3A_19, %dot_general3A_20 {dimension_numbers = #tpu.dot_dimension_numbers<[1], [0], [0], [1], [0, 0, 1, 1], [], []>, transpose_lhs_hint = false} : vector<1000x128xf32>, vector<128x384xf32>, vector<1000x384xf32> -> vector<1000x384xf32>
    %get3A_22 = arith.constant 0 : index
    %get3A_23 = arith.constant 0 : index
    %get3A_24 = vector.load %arg7[%get3A_22, %get3A_23] : memref<1x384xf32, #tpu.memory_space<vmem>>, vector<1x384xf32>
    %add3A_25 = vector.broadcast %get3A_24 : vector<1x384xf32> to vector<1000x384xf32>
    %add3A_26 = arith.addf %dot_general3A_21, %add3A_25 : vector<1000x384xf32>
    %slice3A = vector.extract_strided_slice %add3A_13 {offsets = [0, 0], sizes = [1000, 128], strides = [1, 1]} : vector<1000x384xf32> to vector<1000x128xf32>
    %slice3A_27 = vector.extract_strided_slice %add3A_26 {offsets = [0, 0], sizes = [1000, 128], strides = [1, 1]} : vector<1000x384xf32> to vector<1000x128xf32>
    %add3A_28 = arith.addf %slice3A, %slice3A_27 : vector<1000x128xf32>
    %logistic3A = arith.negf %add3A_28 : vector<1000x128xf32>
    %logistic3A_29 = math.exp %logistic3A : vector<1000x128xf32>
    %logistic3A_30 = arith.constant 1.000000e+00 : f32
    %logistic3A_31 = vector.broadcast %logistic3A_30 : f32 to vector<1000x128xf32>
    %logistic3A_32 = arith.addf %logistic3A_31, %logistic3A_29 : vector<1000x128xf32>
    %logistic3A_33 = arith.divf %logistic3A_31, %logistic3A_32 : vector<1000x128xf32>
    %slice3A_34 = vector.extract_strided_slice %add3A_13 {offsets = [0, 128], sizes = [1000, 128], strides = [1, 1]} : vector<1000x384xf32> to vector<1000x128xf32>
    %slice3A_35 = vector.extract_strided_slice %add3A_26 {offsets = [0, 128], sizes = [1000, 128], strides = [1, 1]} : vector<1000x384xf32> to vector<1000x128xf32>
    %add3A_36 = arith.addf %slice3A_34, %slice3A_35 : vector<1000x128xf32>
    %logistic3A_37 = arith.negf %add3A_36 : vector<1000x128xf32>
    %logistic3A_38 = math.exp %logistic3A_37 : vector<1000x128xf32>
    %logistic3A_39 = arith.constant 1.000000e+00 : f32
    %logistic3A_40 = vector.broadcast %logistic3A_39 : f32 to vector<1000x128xf32>
    %logistic3A_41 = arith.addf %logistic3A_40, %logistic3A_38 : vector<1000x128xf32>
    %logistic3A_42 = arith.divf %logistic3A_40, %logistic3A_41 : vector<1000x128xf32>
    %slice3A_43 = vector.extract_strided_slice %add3A_13 {offsets = [0, 256], sizes = [1000, 128], strides = [1, 1]} : vector<1000x384xf32> to vector<1000x128xf32>
    %slice3A_44 = vector.extract_strided_slice %add3A_26 {offsets = [0, 256], sizes = [1000, 128], strides = [1, 1]} : vector<1000x384xf32> to vector<1000x128xf32>
    %mul3A = arith.mulf %logistic3A_33, %slice3A_44 : vector<1000x128xf32>
    %add3A_45 = arith.addf %slice3A_43, %mul3A : vector<1000x128xf32>
    %tanh3A = math.tanh %add3A_45 : vector<1000x128xf32>
    %sub3A = arith.constant 1.000000e+00 : f32
    %sub3A_46 = vector.broadcast %sub3A : f32 to vector<1000x128xf32>
    %sub3A_47 = arith.subf %sub3A_46, %logistic3A_42 : vector<1000x128xf32>
    %mul3A_48 = arith.mulf %sub3A_47, %tanh3A : vector<1000x128xf32>
    %get3A_49 = arith.constant 0 : index
    %get3A_50 = arith.constant 0 : index
    %get3A_51 = vector.load %arg3[%get3A_49, %get3A_50] : memref<1000x128xf32, #tpu.memory_space<vmem>>, vector<1000x128xf32>
    %mul3A_52 = arith.mulf %logistic3A_42, %get3A_51 : vector<1000x128xf32>
    %add3A_53 = arith.addf %mul3A_48, %mul3A_52 : vector<1000x128xf32>
    %swap3A = arith.constant 0 : index
    %swap3A_54 = arith.constant 0 : index
    %swap3A_55 = vector.load %arg8[%swap3A, %swap3A_54] : memref<1000x128xf32, #tpu.memory_space<vmem>>, vector<1000x128xf32>
    tpu.vector_store %arg8[%swap3A, %swap3A_54], %add3A_53 {strides = array<i32>} : memref<1000x128xf32, #tpu.memory_space<vmem>>, vector<1000x128xf32>,
    return
  }
  func.func @transform_0(%arg0: i32) -> (i32, i32) {
    %c0_i32 = arith.constant 0 : i32
    %c0_i32_0 = arith.constant 0 : i32
    return %arg0, %c0_i32 : i32, i32
  }
  func.func @transform_1(%arg0: i32) -> (i32, i32) {
    %c0_i32 = arith.constant 0 : i32
    %c0_i32_0 = arith.constant 0 : i32
    return %arg0, %c0_i32 : i32, i32
  }
  func.func @transform_2(%arg0: i32) -> (i32, i32) {
    %c0_i32 = arith.constant 0 : i32
    %c0_i32_0 = arith.constant 0 : i32
    return %arg0, %c0_i32 : i32, i32
  }
  func.func @transform_3(%arg0: i32) -> (i32, i32) {
    %c0_i32 = arith.constant 0 : i32
    %c0_i32_0 = arith.constant 0 : i32
    %c0_i32_1 = arith.constant 0 : i32
    return %c0_i32, %c0_i32_0 : i32, i32
  }
  func.func @transform_4(%arg0: i32) -> (i32, i32) {
    %c0_i32 = arith.constant 0 : i32
    %c0_i32_0 = arith.constant 0 : i32
    %c0_i32_1 = arith.constant 0 : i32
    return %c0_i32, %c0_i32_0 : i32, i32
  }
  func.func @transform_5(%arg0: i32) -> (i32, i32) {
    %c0_i32 = arith.constant 0 : i32
    %c0_i32_0 = arith.constant 0 : i32
    %c0_i32_1 = arith.constant 0 : i32
    return %c0_i32, %c0_i32_0 : i32, i32
  }
  func.func @transform_6(%arg0: i32) -> (i32, i32) {
    %c0_i32 = arith.constant 0 : i32
    %c0_i32_0 = arith.constant 0 : i32
    %c0_i32_1 = arith.constant 0 : i32
    return %c0_i32, %c0_i32_0 : i32, i32
  }
  func.func @transform_7(%arg0: i32) -> (i32, i32) {
    %c0_i32 = arith.constant 0 : i32
    %c0_i32_0 = arith.constant 0 : i32
    return %arg0, %c0_i32 : i32, i32
  }
}

module attributes {stable_mosaic.version = 14 : i64} {
  func.func @_pool_body(%arg0: i32, %arg1: memref<10000x128xf32, #tpu.memory_space<vmem>>, %arg2: memref<10000x128xf32, #tpu.memory_space<vmem>>, %arg3: memref<10000x1xi32, #tpu.memory_space<vmem>>, %arg4: memref<1x256xf32, #tpu.memory_space<vmem>>, %arg5: memref<1x1xf32, #tpu.memory_space<vmem>>, %arg6: memref<64x256xf32, #tpu.memory_space<vmem>>) attributes {dimension_semantics = [#tpu.dimension_semantics<arbitrary>], iteration_bounds = array<i64: 1>, scalar_prefetch = 0 : i64, scratch_operands = 0 : i64, tpu.core_type = #tpu.core_type<tc>, window_params = [{pipeline_mode = #tpu.pipeline_mode<synchronous>, transform_indices = @transform_0, window_bounds = array<i64: 10000, 128>}, {pipeline_mode = #tpu.pipeline_mode<synchronous>, transform_indices = @transform_1, window_bounds = array<i64: 10000, 128>}, {pipeline_mode = #tpu.pipeline_mode<synchronous>, transform_indices = @transform_2, window_bounds = array<i64: 10000, 1>}, {pipeline_mode = #tpu.pipeline_mode<synchronous>, transform_indices = @transform_3, window_bounds = array<i64: 1, 256>}, {pipeline_mode = #tpu.pipeline_mode<synchronous>, transform_indices = @transform_4, window_bounds = array<i64: 1, 1>}, {pipeline_mode = #tpu.pipeline_mode<synchronous>, transform_indices = @transform_5, window_bounds = array<i64: 64, 256>}]} {
    %get3A = arith.constant 0 : index
    %get3A_0 = arith.constant 0 : index
    %get3A_1 = vector.load %arg1[%get3A, %get3A_0] : memref<10000x128xf32, #tpu.memory_space<vmem>>, vector<10000x128xf32>
    %get3A_2 = arith.constant 0 : index
    %get3A_3 = arith.constant 0 : index
    %get3A_4 = vector.load %arg2[%get3A_2, %get3A_3] : memref<10000x128xf32, #tpu.memory_space<vmem>>, vector<10000x128xf32>
    %get3A_5 = arith.constant 0 : index
    %get3A_6 = arith.constant 0 : index
    %get3A_7 = vector.load %arg4[%get3A_5, %get3A_6] : memref<1x256xf32, #tpu.memory_space<vmem>>, vector<1x256xf32>
    %slice3A = vector.extract_strided_slice %get3A_7 {offsets = [0, 0], sizes = [1, 128], strides = [1, 1]} : vector<1x256xf32> to vector<1x128xf32>
    %mul3A = vector.broadcast %slice3A : vector<1x128xf32> to vector<10000x128xf32>
    %mul3A_8 = arith.mulf %get3A_1, %mul3A : vector<10000x128xf32>
    %reduce_sum3A = arith.constant dense<0.000000e+00> : vector<10000xf32>
    %reduce_sum3A_9 = vector.multi_reduction <add>, %mul3A_8, %reduce_sum3A [1] : vector<10000x128xf32> to vector<10000xf32>
    %broadcast_in_dim3A = vector.shape_cast %reduce_sum3A_9 : vector<10000xf32> to vector<10000x1xf32>
    %slice3A_10 = vector.extract_strided_slice %get3A_7 {offsets = [0, 128], sizes = [1, 128], strides = [1, 1]} : vector<1x256xf32> to vector<1x128xf32>
    %mul3A_11 = vector.broadcast %slice3A_10 : vector<1x128xf32> to vector<10000x128xf32>
    %mul3A_12 = arith.mulf %get3A_4, %mul3A_11 : vector<10000x128xf32>
    %reduce_sum3A_13 = arith.constant dense<0.000000e+00> : vector<10000xf32>
    %reduce_sum3A_14 = vector.multi_reduction <add>, %mul3A_12, %reduce_sum3A_13 [1] : vector<10000x128xf32> to vector<10000xf32>
    %broadcast_in_dim3A_15 = vector.shape_cast %reduce_sum3A_14 : vector<10000xf32> to vector<10000x1xf32>
    %add3A = arith.addf %broadcast_in_dim3A, %broadcast_in_dim3A_15 : vector<10000x1xf32>
    %get3A_16 = arith.constant 0 : index
    %get3A_17 = arith.constant 0 : index
    %get3A_18 = vector.load %arg5[%get3A_16, %get3A_17] : memref<1x1xf32, #tpu.memory_space<vmem>>, vector<1x1xf32>
    %get3A_19 = vector.extract %get3A_18[0, 0] : f32 from vector<1x1xf32>
    %add3A_20 = vector.broadcast %get3A_19 : f32 to vector<10000x1xf32>
    %add3A_21 = arith.addf %add3A, %add3A_20 : vector<10000x1xf32>
    %iota3A = tpu.iota {dimensions = array<i32: 1>} : vector<10000x64xi32>
    %get3A_22 = arith.constant 0 : index
    %get3A_23 = arith.constant 0 : index
    %get3A_24 = vector.load %arg3[%get3A_22, %get3A_23] : memref<10000x1xi32, #tpu.memory_space<vmem>>, vector<10000x1xi32>
    %eq3A = vector.broadcast %get3A_24 : vector<10000x1xi32> to vector<10000x64xi32>
    %eq3A_25 = arith.cmpi eq, %eq3A, %iota3A : vector<10000x64xi32>
    %convert_element_type3A = arith.extui %eq3A_25 : vector<10000x64xi1> to vector<10000x64xi32>
    %convert_element_type3A_26 = arith.sitofp %convert_element_type3A : vector<10000x64xi32> to vector<10000x64xf32>
    %jit3A = arith.constant -1.000000e+30 : f32
    %broadcast_in_dim3A_27 = vector.shape_cast %add3A_21 : vector<10000x1xf32> to vector<10000x1xf32>
    %broadcast_in_dim3A_28 = vector.broadcast %broadcast_in_dim3A_27 : vector<10000x1xf32> to vector<10000x64xf32>
    %broadcast_in_dim3A_29 = vector.broadcast %jit3A : f32 to vector<10000x64xf32>
    %select_n3A = arith.select %eq3A_25, %broadcast_in_dim3A_28, %broadcast_in_dim3A_29 : vector<10000x64xi1>, vector<10000x64xf32>
    %reduce_max3A = arith.constant dense<0xFF800000> : vector<64xf32>
    %reduce_max3A_30 = vector.multi_reduction <maximumf>, %select_n3A, %reduce_max3A [0] : vector<10000x64xf32> to vector<64xf32>
    %broadcast_in_dim3A_31 = vector.shape_cast %reduce_max3A_30 : vector<64xf32> to vector<1x64xf32>
    %mul3A_32 = vector.broadcast %broadcast_in_dim3A_31 : vector<1x64xf32> to vector<10000x64xf32>
    %mul3A_33 = arith.mulf %convert_element_type3A_26, %mul3A_32 : vector<10000x64xf32>
    %reduce_sum3A_34 = arith.constant dense<0.000000e+00> : vector<10000xf32>
    %reduce_sum3A_35 = vector.multi_reduction <add>, %mul3A_33, %reduce_sum3A_34 [1] : vector<10000x64xf32> to vector<10000xf32>
    %broadcast_in_dim3A_36 = vector.shape_cast %reduce_sum3A_35 : vector<10000xf32> to vector<10000x1xf32>
    %sub3A = arith.subf %add3A_21, %broadcast_in_dim3A_36 : vector<10000x1xf32>
    %exp3A = math.exp %sub3A : vector<10000x1xf32>
    %mul3A_37 = vector.broadcast %exp3A : vector<10000x1xf32> to vector<10000x64xf32>
    %mul3A_38 = arith.mulf %convert_element_type3A_26, %mul3A_37 : vector<10000x64xf32>
    %reduce_sum3A_39 = arith.constant dense<0.000000e+00> : vector<64xf32>
    %reduce_sum3A_40 = vector.multi_reduction <add>, %mul3A_38, %reduce_sum3A_39 [0] : vector<10000x64xf32> to vector<64xf32>
    %broadcast_in_dim3A_41 = vector.shape_cast %reduce_sum3A_40 : vector<64xf32> to vector<1x64xf32>
    %mul3A_42 = vector.broadcast %broadcast_in_dim3A_41 : vector<1x64xf32> to vector<10000x64xf32>
    %mul3A_43 = arith.mulf %convert_element_type3A_26, %mul3A_42 : vector<10000x64xf32>
    %reduce_sum3A_44 = arith.constant dense<0.000000e+00> : vector<10000xf32>
    %reduce_sum3A_45 = vector.multi_reduction <add>, %mul3A_43, %reduce_sum3A_44 [1] : vector<10000x64xf32> to vector<10000xf32>
    %broadcast_in_dim3A_46 = vector.shape_cast %reduce_sum3A_45 : vector<10000xf32> to vector<10000x1xf32>
    %add3A_47 = arith.constant 1.000000e-16 : f32
    %add3A_48 = vector.broadcast %add3A_47 : f32 to vector<10000x1xf32>
    %add3A_49 = arith.addf %broadcast_in_dim3A_46, %add3A_48 : vector<10000x1xf32>
    %div3A = arith.divf %exp3A, %add3A_49 : vector<10000x1xf32>
    %mul3A_50 = vector.broadcast %div3A : vector<10000x1xf32> to vector<10000x64xf32>
    %mul3A_51 = arith.mulf %convert_element_type3A_26, %mul3A_50 : vector<10000x64xf32>
    %dot_general3A = arith.constant dense<0.000000e+00> : vector<64x128xf32>
    %dot_general3A_52 = tpu.matmul %mul3A_51, %get3A_1, %dot_general3A {dimension_numbers = #tpu.dot_dimension_numbers<[0], [0], [1], [1], [0, 1, 1, 1], [], []>, transpose_lhs_hint = false} : vector<10000x64xf32>, vector<10000x128xf32>, vector<64x128xf32> -> vector<64x128xf32>
    %swap3A = arith.constant 0 : index
    %swap3A_53 = arith.constant 0 : index
    %swap3A_54 = vector.load %arg6[%swap3A, %swap3A_53] : memref<64x256xf32, #tpu.memory_space<vmem>>, vector<64x128xf32>
    tpu.vector_store %arg6[%swap3A, %swap3A_53], %dot_general3A_52 {strides = array<i32>} : memref<64x256xf32, #tpu.memory_space<vmem>>, vector<64x128xf32>,
    %dot_general3A_55 = arith.constant dense<0.000000e+00> : vector<64x128xf32>
    %dot_general3A_56 = tpu.matmul %mul3A_51, %get3A_4, %dot_general3A_55 {dimension_numbers = #tpu.dot_dimension_numbers<[0], [0], [1], [1], [0, 1, 1, 1], [], []>, transpose_lhs_hint = false} : vector<10000x64xf32>, vector<10000x128xf32>, vector<64x128xf32> -> vector<64x128xf32>
    %swap3A_57 = arith.constant 0 : index
    %swap3A_58 = arith.constant 128 : index
    %swap3A_59 = vector.load %arg6[%swap3A_57, %swap3A_58] : memref<64x256xf32, #tpu.memory_space<vmem>>, vector<64x128xf32>
    tpu.vector_store %arg6[%swap3A_57, %swap3A_58], %dot_general3A_56 {strides = array<i32>} : memref<64x256xf32, #tpu.memory_space<vmem>>, vector<64x128xf32>,
    return
  }
  func.func @transform_0(%arg0: i32) -> (i32, i32) {
    %c0_i32 = arith.constant 0 : i32
    %c0_i32_0 = arith.constant 0 : i32
    %c0_i32_1 = arith.constant 0 : i32
    return %c0_i32, %c0_i32_0 : i32, i32
  }
  func.func @transform_1(%arg0: i32) -> (i32, i32) {
    %c0_i32 = arith.constant 0 : i32
    %c0_i32_0 = arith.constant 0 : i32
    %c0_i32_1 = arith.constant 0 : i32
    return %c0_i32, %c0_i32_0 : i32, i32
  }
  func.func @transform_2(%arg0: i32) -> (i32, i32) {
    %c0_i32 = arith.constant 0 : i32
    %c0_i32_0 = arith.constant 0 : i32
    %c0_i32_1 = arith.constant 0 : i32
    return %c0_i32, %c0_i32_0 : i32, i32
  }
  func.func @transform_3(%arg0: i32) -> (i32, i32) {
    %c0_i32 = arith.constant 0 : i32
    %c0_i32_0 = arith.constant 0 : i32
    %c0_i32_1 = arith.constant 0 : i32
    return %c0_i32, %c0_i32_0 : i32, i32
  }
  func.func @transform_4(%arg0: i32) -> (i32, i32) {
    %c0_i32 = arith.constant 0 : i32
    %c0_i32_0 = arith.constant 0 : i32
    %c0_i32_1 = arith.constant 0 : i32
    return %c0_i32, %c0_i32_0 : i32, i32
  }
  func.func @transform_5(%arg0: i32) -> (i32, i32) {
    %c0_i32 = arith.constant 0 : i32
    %c0_i32_0 = arith.constant 0 : i32
    %c0_i32_1 = arith.constant 0 : i32
    return %c0_i32, %c0_i32_0 : i32, i32
  }
}

</mosaic_0001>

<sc_bundles>
// kernel: kernel.11.cloned.1.call-start
scs
__scs_entry_jumppad:
0x0: {  	(pc) =	sbr.rel $0x88, $3  }
0x1: {  	(tag) =	ssettag $0x0;
	lr =	simm.s32 $0x1  }
0x2: {  	[smem:$0x3F97] =	sst lr;
	_ =	strace $0xD0000000  }
0x3: {  	_ = 	snop  }
0x4: {  	_ = 	snop  }
0x5: {  	_ = 	snop  }
0x6: {  	_ = 	snop  }
0x7: {  	_ = 	snop  }
__scs_overlays_trampoline_lowered:
0x8: {  	[smem:$0x3FA6] =	sst s0  }
0x9: {  	[smem:$0x3FA7] =	sst s1  }
0xa: {  	[smem:$0x3FA8] =	sst s2  }
0xb: {  	[smem:$0x3FA9] =	sst s3  }
0xc: {  	[smem:$0x3FAA] =	sst s4  }
0xd: {  	[smem:$0x3FAB] =	sst s5  }
0xe: {  	[smem:$0x3FAC] =	sst s6  }
0xf: {  	[smem:$0x3FAD] =	sst s7  }
0x10: {  	[smem:$0x3FAE] =	sst s8  }
0x11: {  	[smem:$0x3FAF] =	sst s9;
	s0 =	simm.s32 @!p0 $0x0  }
0x12: {  	s1 =	sld [smem:$0x3F95];
	s0 =	simm.s32 @p0 $0x1  }
0x13: {  	[smem:$0x3FB0] =	sst s0;
	s0 =	simm.s32 @!p1 $0x0  }
0x14: {  	s2 =	sld [smem:$0x3F94];
	s0 =	simm.s32 @p1 $0x1  }
0x15: {  	[smem:$0x3FB1] =	sst s0;
	s0 =	simm.s32 @!p2 $0x0  }
0x16: {  	s3 =	sld [smem:$0x3FDB];
	s0 =	simm.s32 @p2 $0x1  }
0x17: {  	s4 =	simm.s32 $0x1BF5;
	[smem:$0x3FB3] =	sst s0  }
0x18: {  	s0 =	sld [smem:$0x3F96];
	_ =	swait.ge [sflag:s4], $0x0  }
0x19: {  	s7 =	sld [smem:$0x3F97]  }
0x1a: {  	s8 =	sadd.s32 $0xFFFFE003, lr  }
0x1b: {  	s9 =	sadd.s32 $0xFFFFFEF7, lr;
	s5 =	simm.s32 $0xFFFFFFFF;
	p2 =	slt.u32 s8, $0xFFFFF086  }
0x1c: {  	p1 =	slt.u32 s9, $0xF7A;
	s5 =	simm.s32 @!p2 $0x0  }
0x1d: {  	s5 =	simm.s32 @p1 $0x1;
	p0 =	seq.s32 s7, s2  }
0x1e: {  	s7 =	smul.u32 @!p0 $0xF7A, s2;
	p2 =	seq.s32 @!p0 s5, $0x0  }
0x1f: {  	s9 =	smul.u32 $0xF7A, s1;
	s8 =	simm.s32 @!p0 $0x1BF5;
	p2 =	por !p2, p0  }
0x20: {  	[sflag:s8] =	ssyncset.s32 @!p0 $0xFFFFF086;
	s6 =	sadd.s32 @!p0 s3, s7;
	s7 =	simm.s32 @!p0 $0x108  }
0x21: {  	s3 =	sadd.s32 s3, s9;
	s6 =	sadd.s32 @!p0 $0x88, s6;
	s7 =	simm.s32 @p2 $0x1082  }
0x22: {  	[simem:s7], [sflag:s8] =	dma.local @!p0 [hbm:s6], $0xF7A  }
0x23: {  	s9 =	sor.u32 $0xD0000000, s2;
	s6 =	simm.s32 $0x108;
	_ =	swait.ge @!p0 [sflag:s8], $0x0  }
0x24: {  	s3 =	sadd.s32 $0x88, s3;
	s6 =	simm.s32 @!p1 $0x1082;
	[sflag:s4] =	ssyncset.s32 $0xFFFFF086  }
0x25: {  	[simem:s6], [sflag:s4] =	dma.local [hbm:s3], $0xF7A  }
0x26: {  	[smem:$0x3F97] =	sst s1;
	(tag) =	ssettag s2;
	_ =	strace s9  }
0x27: {  	s1 =	sld [smem:$0x3FA7]  }
0x28: {  	s2 =	sld [smem:$0x3FA8]  }
0x29: {  	s4 =	sld [smem:$0x3FAA]  }
0x2a: {  	p0 =	seq.s32 s5, $0x0;
	s5 =	sld [smem:$0x3FAB]  }
0x2b: {  	s6 =	sld [smem:$0x3FAC]  }
0x2c: {  	s7 =	sld [smem:$0x3FAD]  }
0x2d: {  	s3 =	simm.s32 $0x108;
	s8 =	sld [smem:$0x3FAE]  }
0x2e: {  	s3 =	simm.s32 @!p0 $0x1082;
	s9 =	sld [smem:$0x3FAF]  }
0x2f: {  	lr =	sadd.s32 s0, s3;
	s0 =	sld [smem:$0x3FA6]  }
0x30: {  	s3 =	sld [smem:$0x3FA9]  }
0x31: {  	[smem:$0x3FB2] =	sst s10  }
0x32: {  	s10 =	sld [smem:$0x3FB0];
	_ =	sdelay $0x3  }
0x33: {  	p0 =	seq.s32 s10, $0x1;
	s10 =	sld [smem:$0x3FB2];
	_ =	sdelay $0x3  }
0x34: {  	[smem:$0x3FB2] =	sst s10  }
0x35: {  	s10 =	sld [smem:$0x3FB1];
	_ =	sdelay $0x3  }
0x36: {  	p1 =	seq.s32 s10, $0x1;
	s10 =	sld [smem:$0x3FB2];
	_ =	sdelay $0x3  }
0x37: {  	[smem:$0x3FB2] =	sst s10  }
0x38: {  	s10 =	sld [smem:$0x3FB3]  }
0x39: {  	_ = 	snop;
	(pc) =	sbr.ind lr, $3  }
0x3a: {  	_ = 	snop  }
0x3b: {  	_ = 	snop  }
0x3c: {  	p2 =	seq.s32 s10, $0x1;
	s10 =	sld [smem:$0x3FB2]  }
0x3d: {  	_ =	shalt  }
0x3e: {  	_ =	shalt  }
0x3f: {  	_ =	shalt  }
0x40: {  	_ =	shalt  }
0x41: {  	_ =	shalt  }
0x42: {  	_ =	shalt  }
0x43: {  	_ =	shalt  }
0x44: {  	_ =	shalt  }
0x45: {  	_ =	shalt  }
0x46: {  	_ =	shalt  }
0x47: {  	_ =	shalt  }
0x48: {  	_ =	shalt  }
0x49: {  	_ =	shalt  }
0x4a: {  	_ =	shalt  }
0x4b: {  	_ =	shalt  }
0x4c: {  	_ =	shalt  }
0x4d: {  	_ =	shalt  }
0x4e: {  	_ =	shalt  }
0x4f: {  	_ =	shalt  }
0x50: {  	_ =	shalt  }
0x51: {  	_ =	shalt  }
0x52: {  	_ =	shalt  }
0x53: {  	_ =	shalt  }
0x54: {  	_ =	shalt  }
0x55: {  	_ =	shalt  }
0x56: {  	_ =	shalt  }
0x57: {  	_ =	shalt  }
0x58: {  	_ =	shalt  }
0x59: {  	_ =	shalt  }
0x5a: {  	_ =	shalt  }
0x5b: {  	_ =	shalt  }
0x5c: {  	_ =	shalt  }
0x5d: {  	_ =	shalt  }
0x5e: {  	_ =	shalt  }
0x5f: {  	_ =	shalt  }
0x60: {  	_ =	shalt  }
0x61: {  	_ =	shalt  }
0x62: {  	_ =	shalt  }
0x63: {  	_ =	shalt  }
0x64: {  	_ =	shalt  }
0x65: {  	_ =	shalt  }
0x66: {  	_ =	shalt  }
0x67: {  	_ =	shalt  }
0x68: {  	_ =	shalt  }
0x69: {  	_ =	shalt  }
0x6a: {  	_ =	shalt  }
0x6b: {  	_ =	shalt  }
0x6c: {  	_ =	shalt  }
0x6d: {  	_ =	shalt  }
0x6e: {  	_ =	shalt  }
0x6f: {  	_ =	shalt  }
0x70: {  	_ =	shalt  }
0x71: {  	_ =	shalt  }
0x72: {  	_ =	shalt  }
0x73: {  	_ =	shalt  }
0x74: {  	_ =	shalt  }
0x75: {  	_ =	shalt  }
0x76: {  	_ =	shalt  }
0x77: {  	_ =	shalt  }
0x78: {  	_ =	shalt  }
0x79: {  	_ =	shalt  }
0x7a: {  	_ =	shalt  }
0x7b: {  	_ =	shalt  }
0x7c: {  	_ =	shalt  }
0x7d: {  	_ =	shalt  }
0x7e: {  	_ =	shalt  }
0x7f: {  	_ =	shalt  }
0x80: {  	_ =	shalt  }
0x81: {  	_ =	shalt  }
0x82: {  	_ =	shalt  }
0x83: {  	_ =	shalt  }
0x84: {  	_ =	shalt  }
0x85: {  	_ =	shalt  }
0x86: {  	_ =	shalt  }
0x87: {  	_ =	shalt  }
.Lfunc_end0:
.L_simem_size_0:
called_computation.1_lowered:
.L_overlay_start_0:
0x88: {  	s2 =	sld [smem:$0x3FD9]  }
0x89: {  	s3 =	sld [smem:$0x3FFE];
	_ =	sdelay $0x1  }
0x8a: {  	s1 =	srdreg.scid  }
0x8b: {  	s0 =	sand.u32 $0x1, s1  }
0x8c: {  	s16 =	sshll.u32 s0, $0xA;
	s2 =	sadd.s32 s3, s2  }
0x8d: {  	s2 =	sadd.s32 s2, s16  }
0x8e: {  	[smem:$0x3FBE] =	sst s2  }
0x8f: {  	_ = 	snop  }
0x90: {  	(tm) =	ssettm $0x1  }
0x91: {  	s17 =	sld [smem:$0x3FFB];
	_ =	sdelay $0x3  }
0x92: {  	_ =	strace s17  }
0x93: {  	s2 =	sld [smem:$0x3FFC];
	_ =	sdelay $0x3  }
0x94: {  	_ =	strace s2  }
0x95: {  	s2 =	sld [smem:$0x3FFD];
	_ =	sdelay $0x3  }
0x96: {  	_ =	strace s2  }
0x97: {  	_ =	strace $0x8FFFFFFF  }
0x98: {  	s18 =	sld [smem:$0x3FDB];
	_ =	sdelay $0x1  }
0x99: {  	s19 =	simm.s32 $_scs_section_size  }
0x9a: {  	s4 =	simm.s32 $_size__tile_overlayer_lowered;
	s5 =	simm.s32 $_tile_overlayer_lowered  }
0x9b: {  	s22 =	simm.s32 $0x1BFF;
	s21 =	sshll.u32 s5, $0x1;
	s2 =	sadd.s32 s19, s18  }
0x9c: {  	s6 =	simm.s32 $0x0;
	s20 =	sshll.u32 s4, $0x1;
	s4 =	sadd.s32 s21, s2  }
0x9d: {  	[timem:s6], [sflag:s22] =	dma.local [hbm:s4], s20  }
0x9e: {  	_ =	swait.ge [sflag:s22], s20  }
0x9f: {  	s3 =	ssub.s32 $0x0, s20;
	[sflag:s22] =	ssyncset.done $0x0  }
0xa0: {  	[sflag:s22] =	ssyncadd.s32 s3;
	_ =	sdelay $0x1  }
0xa1: {  	s23 =	simm.s32 $0x1B8B  }
0xa2: {  	_ =	swait.ge [sflag:s23], $0x1  }
0xa3: {  	[sflag:s23] =	ssyncset.done $0x0  }
0xa4: {  	s25 =	simm.s32 $0x1B8E;
	s24 =	sld [smem:$0x3FFE];
	[sflag:s23] =	ssyncadd.s32 $0xFFFFFFFF  }
0xa5: {  	s26 =	simm.s32 $execute0_lowered;
	[smem:$0x3FD2] =	sst s25  }
0xa6: {  	s4 =	sshll.u32 s26, $0x1;
	_ =	strace $0x8000004C;
	[dreg:$0x1] =	wrdreg $0xFFFFFFFF  }
0xa7: {  	s28 =	simm.s32 $_size_execute0_lowered;
	s2 =	sadd.s32 s2, s4;
	[dreg:$0x0] =	wrdreg $0x0  }
0xa8: {  	s4 =	sshll.u32 s28, $0x1;
	[dreg:$0x2] =	wrdreg s2  }
0xa9: {  	[dreg:$0x3] =	wrdreg s4  }
0xaa: {  	[dreg:$0x4] =	wrdreg $0xC0  }
0xab: {  	_ =	task [dreg:s6], $0x5FFFF  }
0xac: {  	[dreg:$0x1] =	wrdreg $0xFFFFFFFF  }
0xad: {  	[dreg:$0x0] =	wrdreg $0x60  }
0xae: {  	[dreg:$0x2] =	wrdreg s24  }
0xaf: {  	[dreg:$0x3] =	wrdreg $0x98000  }
0xb0: {  	[dreg:$0x4] =	wrdreg $0x9  }
0xb1: {  	_ =	task.clear_ibuf [dreg:s6], $0x5FFFF;
	_ =	strace $0x9000004C  }
0xb2: {  	s29 =	simm.s32 $0x9;
	_ =	strace $0x80000051  }
0xb3: {  	_ =	swait.ge [sflag:s29], $0x1  }
0xb4: {  	[sflag:s29] =	ssyncadd.s32 $0xFFFFFFFF  }
0xb5: {  	_ =	strace $0x90000051  }
0xb6: {  	_ =	sfence  }
0xb7: {  	s30 =	sld [smem:$0x0];
	_ =	sdelay $0x2  }
0xb8: {  	s31 =	sshll.u32 s1, $0xD;
	s1 =	sshrl.u32 s1, $0x2  }
0xb9: {  	s3 =	sand.u32 $0x4000, s31;
	s1 =	sadd.s32 s1, s30  }
0xba: {  	s0 =	sor.u32 s3, s0;
	s1 =	sshll.u32 s1, $0x11  }
0xbb: {  	s0 =	sor.u32 s1, s0  }
0xbc: {  	s0 =	sadd.s32 $0x8F2B, s0  }
0xbd: {  	[sflag:s0] =	ssyncadd.remote.s32 $0x1  }
0xbe: {  	_ =	sfence.sel $0xFFFF  }
0xbf: {  	[dreg:$0x0] =	wrdreg $0xFFFFFFFF;
	(pc) =	sbr.abs _section_cstart, $3  }
0xc0: {  	[dreg:$0x1] =	wrdreg $0xFFFFFFFF  }
0xc1: {  	_ =	task.clear_ibuf [dreg:s6], $0x2FFFF;
	_ =	strace $0x9FFFFFFF  }
0xc2: {  	(tm) =	ssettm $0x7FFFFFFF  }
0xc3: {  	_ =	shalt  }
tec
execute0_lowered:
.L_overlay_start_1:
0x0: {  	(tag) =	ssettag $0x1  }
0x1: {  	s0 =	rddreg [dreg:$0x0]  }
0x2: {  	s1 =	rddreg [dreg:$0x1];
	s3 =	simm.s32 $0x0;
	s4 =	srdreg.scid  }
0x3: {  	s18 =	stileid.u32;
	s19 =	simm.s32 $0x3;
	s20 =	simm.s32 $0xC00  }
0x4: {  	s21 =	simm.s32 $0x80;
	s29 =	simm.s32 $0x0;
	[smem:$0x7FF] =	sst s3  }
0x5: {  	s9 =	sand.u32 $0x1, s4;
	s7 =	smul.u32 $0x4E000, s18;
	s4 =	sadd.s32 $0x3000, s0  }
0x6: {  	s5 =	sadd.s32 $0x2A200, s0;
	s6 =	sadd.s32 $0x34400, s0;
	s15 =	smul.u32 $0x50, s18  }
0x7: {  	s13 =	sshll.u32 s18, $0xA;
	s30 =	sshll.u32 s18, $0x3;
	s31 =	smul.u32 $0x2700, s18  }
0x8: {  	_ =	strace $0x8000004D;
	s10 =	smul.u32 $0x27100, s9;
	s11 =	ssub.s32 $0x2, s9  }
0x9: {  	s14 =	sadd.s32 s13, s1;
	p0 =	seq.s32 s9, $0x0;
	s9 =	sor.u32 $0x2700, s30  }
0xa: {  	s7 =	sshrl.u32 s7, $0x2;
	s22 =	sshrl.u32 s11, $0x1;
	s13 =	sadd.s32 $0x500, s15  }
0xb: {  	s14 =	sadd.s32 $0x138000, s14;
	s16 =	sshll.u32 s9, $0x7;
	s9 =	sshll.u32 s9, $0x4  }
0xc: {  	s0 =	sadd.s32 s10, s0;
	s7 =	sadd.s32 s7, s1;
	s10 =	ssub.s32 s11, s22  }
0xd: {  	s13 =	smov.u32 @p0 s15;
	s17 =	sadd.s32 s16, s1;
	p0 =	sgt.u32 s18, $0x1  }
0xe: {  	s18 =	simm.s32 $0x1800;
	s22 =	simm.s32 $0x5800;
	s23 =	sadd.s32 $0x3400, s7  }
0xf: {  	s24 =	sadd.s32 $0x6800, s7;
	s25 =	sadd.s32 $0x9C00, s7;
	[dreg:$0x3] =	wrdreg s23  }
0x10: {  	s26 =	sadd.s32 $0xD000, s7;
	s12 =	sadd.s32 $0x10400, s7;
	[dreg:$0x4] =	wrdreg s24  }
0x11: {  	s0 =	sadd.s32 $0x65800, s0;
	s16 =	smax.u32 s10, $0x1;
	[dreg:$0x5] =	wrdreg s25  }
0x12: {  	s28 =	sshrl.u32 @!p0 s17, $0x3;
	[dreg:$0x6] =	wrdreg s26;
	s23 =	simm.s32 $0x1  }
0x13: {  	v0 =	vimm.f32 $0.0e+00;
	s24 =	sadd.s32 s31, s0;
	s25 =	sadd.s32 @!p0 s9, s0;
	s26 =	simm.s32 $0x2  }
.LBB2_1:
0x14: {  	s0 =	sand.u32 $0xFE00, s3  }
0x15: {  	_ =	strace $0x8000004E;
	s9 =	sand.u32 $0x70, s3;
	s10 =	sshrl.u32 s0, $0x2  }
0x16: {  	s0 =	simm.s32 $0x40;
	s10 =	sor.u32 s9, s10;
	s9 =	simm.s32 $0x0  }
.LBB2_2:
0x17: {  	p1 =	sne.s32 s0, $0xCFC0  }
0x18: {  	[tilespmem:s10+$0x1800] =	vst v0;
	s9 =	sadd.s32 $0x10, s9;
	s10 =	smov.u32 s0;
	s0 =	sadd.s32 $0x40, s0  }
.Ltmp0:
0x19: {  	(pc) =	sbr.rel @p1 .LBB2_2-.Ltmp0, $4  }
0x1a: {  	_ = 	snop  }
0x1b: {  	s10 =	sand.u32 $0xFE00, s10  }
0x1c: {  	s15 =	sand.u32 $0x70, s9;
	s10 =	sshrl.u32 s10, $0x2  }
0x1d: {  	s10 =	sor.u32 s15, s10  }
0x1e: {  	[tilespmem:s10+$0x1800] =	vst v0  }
0x1f: {  	[spmem:s7] =	stream.linear.scatter [tilespmem:s18], [sflag:$0x3], $0x3400, $0x200038;
	[tilespmem:$0x1D100] =	vst v63  }
0x20: {  	_ =	swait.ge [sflag:s19], $0x3400  }
0x21: {  	[sflag:s19] =	ssyncset.done $0x0  }
0x22: {  	s0 =	rddreg [dreg:$0x3];
	[sflag:s19] =	ssyncadd.s32 $0xFFFFCC00  }
0x23: {  	[spmem:s0] =	stream.linear.scatter [tilespmem:s18], [sflag:$0x3], $0x3400, $0x200038;
	[tilespmem:$0x1D100] =	vst v63  }
0x24: {  	_ =	swait.ge [sflag:s19], $0x3400  }
0x25: {  	[sflag:s19] =	ssyncset.done $0x0  }
0x26: {  	s11 =	rddreg [dreg:$0x4];
	[sflag:s19] =	ssyncadd.s32 $0xFFFFCC00  }
0x27: {  	[spmem:s11] =	stream.linear.scatter [tilespmem:s18], [sflag:$0x3], $0x3400, $0x200038;
	[tilespmem:$0x1D100] =	vst v63  }
0x28: {  	_ =	swait.ge [sflag:s19], $0x3400  }
0x29: {  	[sflag:s19] =	ssyncset.done $0x0  }
0x2a: {  	s15 =	rddreg [dreg:$0x5];
	[sflag:s19] =	ssyncadd.s32 $0xFFFFCC00  }
0x2b: {  	[spmem:s15] =	stream.linear.scatter [tilespmem:s18], [sflag:$0x3], $0x3400, $0x200038;
	[tilespmem:$0x1D100] =	vst v63  }
0x2c: {  	_ =	swait.ge [sflag:s19], $0x3400  }
0x2d: {  	[sflag:s19] =	ssyncset.done $0x0  }
0x2e: {  	s17 =	rddreg [dreg:$0x6];
	[sflag:s19] =	ssyncadd.s32 $0xFFFFCC00  }
0x2f: {  	[spmem:s17] =	stream.linear.scatter [tilespmem:s18], [sflag:$0x3], $0x3400, $0x200038;
	[tilespmem:$0x1D100] =	vst v63  }
0x30: {  	_ =	swait.ge [sflag:s19], $0x3400  }
0x31: {  	[sflag:s19] =	ssyncset.done $0x0  }
0x32: {  	[sflag:s19] =	ssyncadd.s32 $0xFFFFCC00  }
0x33: {  	[spmem:s12] =	stream.linear.scatter [tilespmem:s18], [sflag:$0x3], $0x3400, $0x200038;
	[tilespmem:$0x1D100] =	vst v63  }
0x34: {  	_ =	swait.ge [sflag:s19], $0x3400  }
0x35: {  	[sflag:s19] =	ssyncset.done $0x0  }
0x36: {  	s0 =	simm.s32 @!p0 $0x1800;
	[sflag:s19] =	ssyncadd.s32 $0xFFFFCC00  }
0x37: {  	[spmem:s14] =	stream.linear.scatter @!p0 [tilespmem:s0], [sflag:$0x3], $0x400, $0x200038;
	[tilespmem:$0x1D100] =	vst v63  }
0x38: {  	s0 =	simm.s32 @!p0 $0x3  }
0x39: {  	_ =	swait.ge @!p0 [sflag:s0], $0x400  }
0x3a: {  	[sflag:s0] =	ssyncset.done @!p0 $0x0  }
0x3b: {  	[sflag:s0] =	ssyncadd.s32 @!p0 $0xFFFFFC00  }
0x3c: {  	[bflag:$0x0] =	sbarrier.arrive $0xFFFF  }
0x3d: {  	_ =	strace $0x9000004E  }
0x3e: {  	s30 =	simm.s32 $0x0;
	s31 =	simm.s32 $0x50;
	_ =	strace $0x8000004F  }
.LBB2_4:
0x3f: {  	s0 =	smul.u32 $0x18, s30;
	_ =	sdelay $0x1  }
0x40: {  	s9 =	sadd.s32 s13, s0  }
0x41: {  	s9 =	sshll.u32 s9, $0x4  }
0x42: {  	s10 =	sadd.s32 s5, s9  }
0x43: {  	[tilespmem:s3], [sflag:$0x3] =	stream.linear.gather [hbm4b:s10+s3], $0xC00, $0x200038;
	[tilespmem:$0x1D100] =	vst v63  }
0x44: {  	_ =	swait.ge [sflag:s19], $0xC00  }
0x45: {  	[sflag:s19] =	ssyncset.done $0x0  }
0x46: {  	s17 =	smin.u32 s31, $0x18;
	s9 =	sadd.s32 s6, s9;
	[sflag:s19] =	ssyncadd.s32 $0xFFFFF400  }
0x47: {  	[tilespmem:s20], [sflag:$0x3] =	stream.linear.gather [hbm4b:s9+s3], $0xC00, $0x200038;
	[tilespmem:$0x1D100] =	vst v63  }
0x48: {  	s9 =	sshrl.u32 s17, $0x1  }
0x49: {  	s9 =	sadd.s32 $0xFFFFFFFF, s9  }
0x4a: {  	s10 =	sadd.s32 $0xFFFFFFFF, s9  }
0x4b: {  	p2 =	sne.s32 s10, $0x0  }
.Ltmp1:
0x4c: {  	_ = 	snop;
	(pc) =	sbr.rel @!p2 .LBB2_8-.Ltmp1, $4  }
0x4d: {  	s15 =	simm.s32 $0xC80;
	s0 =	ssub.s32 $0x50, s0;
	_ =	swait.ge [sflag:s19], $0xC00  }
0x4e: {  	p1 =	por $0x0, $0x0;
	s0 =	smin.u32 s0, $0x18;
	[sflag:s19] =	ssyncset.done $0x0  }
0x4f: {  	s17 =	simm.s32 $0x100;
	s9 =	simm.s32 $0x2;
	[sflag:s19] =	ssyncadd.s32 $0xFFFFF400  }
0x50: {  	[tilespmem:s18], [sflag:$0x1] =	stream.indirect.gather [hbm4b:s4+s21], $0x80, s3, s21, $0x2000b8;
	[tilespmem:$0x1D100] =	vst v63  }
0x51: {  	s9 =	simm.s32 $0x80  }
0x52: {  	[tilespmem:s22], [sflag:$0x2] =	stream.indirect.gather [hbm4b:s4+s21], $0x80, s9, s21, $0x2000b8;
	[tilespmem:$0x1D100] =	vst v63  }
0x53: {  	_ =	swait.ge [sflag:s23], $0x4000  }
0x54: {  	[sflag:s23] =	ssyncset.done $0x0  }
0x55: {  	s11 =	simm.s32 $0xC00;
	[sflag:s23] =	ssyncadd.s32 $0xFFFFC000  }
0x56: {  	[spmem:s1] =	stream.indirect.scatter.add.f32 [tilespmem:s18], [sflag:$0x3], $0x80, s11, s21, $0x2000b8;
	[tilespmem:$0x1D100] =	vst v63  }
0x57: {  	_ =	swait.ge [sflag:s19], $0x4000  }
0x58: {  	p1 =	sle.u32 s0, $0x2;
	s10 =	sadd.s32 $0xFFFFFFFF, s10;
	[sflag:s19] =	ssyncset.done $0x0  }
0x59: {  	s9 =	simm.s32 @!p1 $0x80;
	s11 =	simm.s32 @!p1 $0x1800;
	[sflag:s19] =	ssyncadd.s32 $0xFFFFC000  }
0x5a: {  	[tilespmem:s11], [sflag:$0x1] =	stream.indirect.gather @!p1 [hbm4b:s4+s9], $0x80, s17, s9, $0x2000b8;
	[tilespmem:$0x1D100] =	vst v63  }
0x5b: {  	p2 =	sne.s32 s10, $0x0;
	_ =	swait.ge [sflag:s26], $0x4000  }
.Ltmp2:
0x5c: {  	[sflag:s26] =	ssyncset.done $0x0;
	(pc) =	sbr.rel @!p2 .LBB2_8-.Ltmp2, $4  }
0x5d: {  	[sflag:s26] =	ssyncadd.s32 $0xFFFFC000  }
0x5e: {  	[spmem:s1] =	stream.indirect.scatter.add.f32 [tilespmem:s22], [sflag:$0x3], $0x80, s15, s21, $0x2000b8;
	[tilespmem:$0x1D100] =	vst v63  }
0x5f: {  	s17 =	simm.s32 $0x200;
	s9 =	simm.s32 $0x4;
	_ =	swait.ge [sflag:s19], $0x4000  }
0x60: {  	p1 =	por $0x1, $0x1;
	s15 =	simm.s32 $0xD80;
	[sflag:s19] =	ssyncset.done $0x0  }
.LBB2_6:
0x61: {  	s10 =	sadd.s32 $0xFFFFFFFF, s10;
	s2 =	sadd.s32 $0xFFFFFF80, s17;
	[sflag:s19] =	ssyncadd.s32 $0xFFFFC000  }
0x62: {  	[tilespmem:s22], [sflag:$0x2] =	stream.indirect.gather [hbm4b:s4+s21], $0x80, s2, s21, $0x2000b8;
	[tilespmem:$0x1D100] =	vst v63  }
0x63: {  	p2 =	sne.s32 s10, $0x0;
	_ =	swait.ge [sflag:s23], $0x4000  }
0x64: {  	[sflag:s23] =	ssyncset.done $0x0  }
0x65: {  	s2 =	sadd.s32 $0xFFFFFF80, s15;
	[sflag:s23] =	ssyncadd.s32 $0xFFFFC000  }
0x66: {  	[spmem:s1] =	stream.indirect.scatter.add.f32 [tilespmem:s18], [sflag:$0x3], $0x80, s2, s21, $0x2000b8;
	[tilespmem:$0x1D100] =	vst v63  }
0x67: {  	_ =	swait.ge [sflag:s19], $0x4000  }
0x68: {  	p3 =	sge.u32 s9, s0;
	[sflag:s19] =	ssyncset.done $0x0  }
0x69: {  	s8 =	simm.s32 @!p3 $0x1800;
	s2 =	simm.s32 @!p3 $0x80;
	[sflag:s19] =	ssyncadd.s32 $0xFFFFC000  }
0x6a: {  	[tilespmem:s8], [sflag:$0x1] =	stream.indirect.gather @!p3 [hbm4b:s4+s2], $0x80, s17, s2, $0x2000b8;
	[tilespmem:$0x1D100] =	vst v63  }
0x6b: {  	_ =	swait.ge [sflag:s26], $0x4000  }
.Ltmp3:
0x6c: {  	[sflag:s26] =	ssyncset.done $0x0;
	(pc) =	sbr.rel @p2 .LBB2_6-.Ltmp3, $4  }
0x6d: {  	s9 =	sadd.s32 $0x2, s9;
	[sflag:s26] =	ssyncadd.s32 $0xFFFFC000  }
0x6e: {  	[spmem:s1] =	stream.indirect.scatter.add.f32 [tilespmem:s22], [sflag:$0x3], $0x80, s15, s21, $0x2000b8;
	[tilespmem:$0x1D100] =	vst v63  }
0x6f: {  	s2 =	sadd.s32 $0x100, s15;
	s8 =	sadd.s32 $0x100, s17;
	_ =	swait.ge [sflag:s19], $0x4000  }
0x70: {  	s17 =	smov.u32 s8;
	s15 =	smov.u32 s2;
	[sflag:s19] =	ssyncset.done $0x0  }
0x71: {  	s17 =	smov.u32 s8;
	s15 =	smov.u32 s2  }
.LBB2_8:
0x72: {  	s10 =	sadd.s32 $0xFFFFFF80, s17;
	[sflag:s19] =	ssyncadd.s32 @p1 $0xFFFFC000  }
0x73: {  	[tilespmem:s22], [sflag:$0x2] =	stream.indirect.gather [hbm4b:s4+s21], $0x80, s10, s21, $0x2000b8;
	[tilespmem:$0x1D100] =	vst v63  }
0x74: {  	_ =	swait.ge [sflag:s23], $0x4000  }
0x75: {  	[sflag:s23] =	ssyncset.done $0x0  }
0x76: {  	s11 =	sadd.s32 $0xFFFFFF80, s15;
	[sflag:s23] =	ssyncadd.s32 $0xFFFFC000  }
0x77: {  	[spmem:s1] =	stream.indirect.scatter.add.f32 [tilespmem:s18], [sflag:$0x3], $0x80, s11, s21, $0x2000b8;
	[tilespmem:$0x1D100] =	vst v63  }
0x78: {  	_ =	swait.ge [sflag:s19], $0x4000  }
0x79: {  	p1 =	sge.u32 s9, s0;
	[sflag:s19] =	ssyncset.done $0x0  }
0x7a: {  	s10 =	simm.s32 @!p1 $0x80;
	s11 =	simm.s32 @!p1 $0x1800;
	[sflag:s19] =	ssyncadd.s32 $0xFFFFC000  }
0x7b: {  	[tilespmem:s11], [sflag:$0x1] =	stream.indirect.gather @!p1 [hbm4b:s4+s10], $0x80, s17, s10, $0x2000b8;
	[tilespmem:$0x1D100] =	vst v63  }
0x7c: {  	_ =	swait.ge [sflag:s26], $0x4000  }
0x7d: {  	[sflag:s26] =	ssyncset.done $0x0  }
0x7e: {  	[sflag:s26] =	ssyncadd.s32 $0xFFFFC000  }
0x7f: {  	[spmem:s1] =	stream.indirect.scatter.add.f32 [tilespmem:s22], [sflag:$0x3], $0x80, s15, s21, $0x2000b8;
	[tilespmem:$0x1D100] =	vst v63  }
0x80: {  	_ =	swait.ge [sflag:s19], $0x4000  }
0x81: {  	[sflag:s19] =	ssyncset.done $0x0  }
0x82: {  	s11 =	sadd.s32 $0x80, s8;
	[sflag:s19] =	ssyncadd.s32 $0xFFFFC000  }
0x83: {  	[tilespmem:s22], [sflag:$0x2] =	stream.indirect.gather [hbm4b:s4+s21], $0x80, s11, s21, $0x2000b8;
	[tilespmem:$0x1D100] =	vst v63  }
0x84: {  	_ =	swait.ge [sflag:s23], $0x4000  }
0x85: {  	[sflag:s23] =	ssyncset.done $0x0  }
0x86: {  	s11 =	sadd.s32 $0x80, s2;
	[sflag:s23] =	ssyncadd.s32 $0xFFFFC000  }
0x87: {  	[spmem:s1] =	stream.indirect.scatter.add.f32 [tilespmem:s18], [sflag:$0x3], $0x80, s11, s21, $0x2000b8;
	[tilespmem:$0x1D100] =	vst v63  }
0x88: {  	s11 =	sadd.s32 $0x2, s9;
	_ =	swait.ge [sflag:s19], $0x4000  }
0x89: {  	s10 =	sadd.s32 $0x100, s17;
	p1 =	sge.u32 s11, s0;
	[sflag:s19] =	ssyncset.done $0x0  }
0x8a: {  	s0 =	simm.s32 @!p1 $0x80;
	s9 =	simm.s32 @!p1 $0x1800;
	[sflag:s19] =	ssyncadd.s32 $0xFFFFC000  }
0x8b: {  	[tilespmem:s9], [sflag:$0x1] =	stream.indirect.gather @!p1 [hbm4b:s4+s0], $0x80, s10, s0, $0x2000b8;
	[tilespmem:$0x1D100] =	vst v63  }
0x8c: {  	s30 =	sadd.s32 $0x1, s30;
	_ =	swait.ge [sflag:s26], $0x4000  }
0x8d: {  	p1 =	sne.s32 s30, $0x4;
	[sflag:s26] =	ssyncset.done $0x0  }
.Ltmp4:
0x8e: {  	s17 =	sadd.s32 $0x100, s15;
	[sflag:s26] =	ssyncadd.s32 $0xFFFFC000;
	(pc) =	sbr.rel @p1 .LBB2_4-.Ltmp4, $4  }
0x8f: {  	[spmem:s1] =	stream.indirect.scatter.add.f32 [tilespmem:s22], [sflag:$0x3], $0x80, s17, s21, $0x2000b8;
	[tilespmem:$0x1D100] =	vst v63  }
0x90: {  	_ =	swait.ge [sflag:s19], $0x4000  }
0x91: {  	[sflag:s19] =	ssyncset.done $0x0  }
0x92: {  	s31 =	sadd.s32 $0xFFFFFFE8, s31;
	[sflag:s19] =	ssyncadd.s32 $0xFFFFC000  }
0x93: {  	[bflag:$0x0] =	sbarrier.arrive $0xFFFF;
	s0 =	stileid.u32  }
0x94: {  	_ =	strace $0x9000004F;
	s0 =	sshll.u32 s0, $0x6  }
0x95: {  	s9 =	sshrl.u32 s7, $0x3;
	_ =	strace $0x80000050;
	s0 =	sor.u32 $0x1C03, s0  }
0x96: {  	[hbm:s24], [sflag:s0] =	dma.local [spmem:s9], $0x2700  }
0x97: {  	_ =	swait.ge [sflag:s19], $0x2700  }
0x98: {  	s29 =	sadd.s32 $0x1, s29;
	[sflag:s19] =	ssyncset.done $0x0  }
0x99: {  	p1 =	sne.s32 s29, s16;
	[sflag:s19] =	ssyncadd.s32 $0xFFFFD900  }
0x9a: {  	[hbm:s25], [sflag:s0] =	dma.local @!p0 [spmem:s28], $0x80  }
.Ltmp5:
0x9b: {  	s0 =	simm.s32 @!p0 $0x3;
	(pc) =	sbr.rel @p1 .LBB2_1-.Ltmp5, $4  }
0x9c: {  	_ =	swait.ge @!p0 [sflag:s0], $0x80  }
0x9d: {  	[sflag:s0] =	ssyncset.done @!p0 $0x0  }
0x9e: {  	[sflag:s0] =	ssyncadd.s32 @!p0 $0xFFFFFF80  }
0x9f: {  	_ =	strace $0x90000050  }
0xa0: {  	_ =	sfence.sel $0x180000  }
0xa1: {  	[bflag:$0x0] =	sbarrier.arrive $0xFFFF  }
0xa2: {  	_ =	strace $0x9000004D  }
0xa3: {  	s0 =	stileid.u32;
	[bflag:$0x2] =	sbarrier.arrive $0xFFFF  }
0xa4: {  	p0 =	sne.s32 s0, $0x0;
	s0 =	rddreg [dreg:$0x2]  }
0xa5: {  	s0 =	sadd.s32 @!p0 $0x100000, s0  }
0xa6: {  	[sflag:s0] =	ssyncadd.tile.s32 @!p0 $0x1;
	_ =	shalt  }
.Lfunc_end2:
_tile_overlayer_lowered:
.L_overlay_start_2:
0xa7: {  	(tag) =	ssettag $0x2  }
0xa8: {  	s0 =	rddreg [dreg:$0x0];
	s2 =	stileid.u32  }
0xa9: {  	s1 =	rddreg [dreg:$0x1];
	p0 =	sne.s32 s2, $0x0  }
0xaa: {  	s3 =	rddreg [dreg:$0x2];
	[bflag:$0x3] =	sbarrier.arrive $0xFFFF;
	s2 =	simm.s32 @!p0 $0x1C03  }
0xab: {  	[timem:s3], [sflag:s2] =	dma.local @!p0 [hbm:s0], s1  }
0xac: {  	s0 =	simm.s32 @!p0 $0x3  }
0xad: {  	_ =	swait.ge @!p0 [sflag:s0], s1  }
0xae: {  	s1 =	ssub.s32 @!p0 $0x0, s1;
	[sflag:s0] =	ssyncset.done @!p0 $0x0  }
0xaf: {  	[sflag:s0] =	ssyncadd.s32 @!p0 s1  }
0xb0: {  	[bflag:$0x3] =	sbarrier.arrive $0xFFFF  }
0xb1: {  	_ =	shalt  }

// kernel: kernel.8.cloned.1.call-start
scs
__scs_entry_jumppad:
0x0: {  	(pc) =	sbr.rel $0x88, $3  }
0x1: {  	(tag) =	ssettag $0x0;
	lr =	simm.s32 $0x1  }
0x2: {  	[smem:$0x3F97] =	sst lr;
	_ =	strace $0xD0000000  }
0x3: {  	_ = 	snop  }
0x4: {  	_ = 	snop  }
0x5: {  	_ = 	snop  }
0x6: {  	_ = 	snop  }
0x7: {  	_ = 	snop  }
__scs_overlays_trampoline_lowered:
0x8: {  	[smem:$0x3FA6] =	sst s0  }
0x9: {  	[smem:$0x3FA7] =	sst s1  }
0xa: {  	[smem:$0x3FA8] =	sst s2  }
0xb: {  	[smem:$0x3FA9] =	sst s3  }
0xc: {  	[smem:$0x3FAA] =	sst s4  }
0xd: {  	[smem:$0x3FAB] =	sst s5  }
0xe: {  	[smem:$0x3FAC] =	sst s6  }
0xf: {  	[smem:$0x3FAD] =	sst s7  }
0x10: {  	[smem:$0x3FAE] =	sst s8  }
0x11: {  	[smem:$0x3FAF] =	sst s9;
	s0 =	simm.s32 @!p0 $0x0  }
0x12: {  	s1 =	sld [smem:$0x3F95];
	s0 =	simm.s32 @p0 $0x1  }
0x13: {  	[smem:$0x3FB0] =	sst s0;
	s0 =	simm.s32 @!p1 $0x0  }
0x14: {  	s2 =	sld [smem:$0x3F94];
	s0 =	simm.s32 @p1 $0x1  }
0x15: {  	[smem:$0x3FB1] =	sst s0;
	s0 =	simm.s32 @!p2 $0x0  }
0x16: {  	s3 =	sld [smem:$0x3FDB];
	s0 =	simm.s32 @p2 $0x1  }
0x17: {  	s4 =	simm.s32 $0x1BF5;
	[smem:$0x3FB3] =	sst s0  }
0x18: {  	s0 =	sld [smem:$0x3F96];
	_ =	swait.ge [sflag:s4], $0x0  }
0x19: {  	s7 =	sld [smem:$0x3F97]  }
0x1a: {  	s8 =	sadd.s32 $0xFFFFE003, lr  }
0x1b: {  	s9 =	sadd.s32 $0xFFFFFEF7, lr;
	s5 =	simm.s32 $0xFFFFFFFF;
	p2 =	slt.u32 s8, $0xFFFFF086  }
0x1c: {  	p1 =	slt.u32 s9, $0xF7A;
	s5 =	simm.s32 @!p2 $0x0  }
0x1d: {  	s5 =	simm.s32 @p1 $0x1;
	p0 =	seq.s32 s7, s2  }
0x1e: {  	s7 =	smul.u32 @!p0 $0xF7A, s2;
	p2 =	seq.s32 @!p0 s5, $0x0  }
0x1f: {  	s9 =	smul.u32 $0xF7A, s1;
	s8 =	simm.s32 @!p0 $0x1BF5;
	p2 =	por !p2, p0  }
0x20: {  	[sflag:s8] =	ssyncset.s32 @!p0 $0xFFFFF086;
	s6 =	sadd.s32 @!p0 s3, s7;
	s7 =	simm.s32 @!p0 $0x108  }
0x21: {  	s3 =	sadd.s32 s3, s9;
	s6 =	sadd.s32 @!p0 $0x88, s6;
	s7 =	simm.s32 @p2 $0x1082  }
0x22: {  	[simem:s7], [sflag:s8] =	dma.local @!p0 [hbm:s6], $0xF7A  }
0x23: {  	s9 =	sor.u32 $0xD0000000, s2;
	s6 =	simm.s32 $0x108;
	_ =	swait.ge @!p0 [sflag:s8], $0x0  }
0x24: {  	s3 =	sadd.s32 $0x88, s3;
	s6 =	simm.s32 @!p1 $0x1082;
	[sflag:s4] =	ssyncset.s32 $0xFFFFF086  }
0x25: {  	[simem:s6], [sflag:s4] =	dma.local [hbm:s3], $0xF7A  }
0x26: {  	[smem:$0x3F97] =	sst s1;
	(tag) =	ssettag s2;
	_ =	strace s9  }
0x27: {  	s1 =	sld [smem:$0x3FA7]  }
0x28: {  	s2 =	sld [smem:$0x3FA8]  }
0x29: {  	s4 =	sld [smem:$0x3FAA]  }
0x2a: {  	p0 =	seq.s32 s5, $0x0;
	s5 =	sld [smem:$0x3FAB]  }
0x2b: {  	s6 =	sld [smem:$0x3FAC]  }
0x2c: {  	s7 =	sld [smem:$0x3FAD]  }
0x2d: {  	s3 =	simm.s32 $0x108;
	s8 =	sld [smem:$0x3FAE]  }
0x2e: {  	s3 =	simm.s32 @!p0 $0x1082;
	s9 =	sld [smem:$0x3FAF]  }
0x2f: {  	lr =	sadd.s32 s0, s3;
	s0 =	sld [smem:$0x3FA6]  }
0x30: {  	s3 =	sld [smem:$0x3FA9]  }
0x31: {  	[smem:$0x3FB2] =	sst s10  }
0x32: {  	s10 =	sld [smem:$0x3FB0];
	_ =	sdelay $0x3  }
0x33: {  	p0 =	seq.s32 s10, $0x1;
	s10 =	sld [smem:$0x3FB2];
	_ =	sdelay $0x3  }
0x34: {  	[smem:$0x3FB2] =	sst s10  }
0x35: {  	s10 =	sld [smem:$0x3FB1];
	_ =	sdelay $0x3  }
0x36: {  	p1 =	seq.s32 s10, $0x1;
	s10 =	sld [smem:$0x3FB2];
	_ =	sdelay $0x3  }
0x37: {  	[smem:$0x3FB2] =	sst s10  }
0x38: {  	s10 =	sld [smem:$0x3FB3]  }
0x39: {  	_ = 	snop;
	(pc) =	sbr.ind lr, $3  }
0x3a: {  	_ = 	snop  }
0x3b: {  	_ = 	snop  }
0x3c: {  	p2 =	seq.s32 s10, $0x1;
	s10 =	sld [smem:$0x3FB2]  }
0x3d: {  	_ =	shalt  }
0x3e: {  	_ =	shalt  }
0x3f: {  	_ =	shalt  }
0x40: {  	_ =	shalt  }
0x41: {  	_ =	shalt  }
0x42: {  	_ =	shalt  }
0x43: {  	_ =	shalt  }
0x44: {  	_ =	shalt  }
0x45: {  	_ =	shalt  }
0x46: {  	_ =	shalt  }
0x47: {  	_ =	shalt  }
0x48: {  	_ =	shalt  }
0x49: {  	_ =	shalt  }
0x4a: {  	_ =	shalt  }
0x4b: {  	_ =	shalt  }
0x4c: {  	_ =	shalt  }
0x4d: {  	_ =	shalt  }
0x4e: {  	_ =	shalt  }
0x4f: {  	_ =	shalt  }
0x50: {  	_ =	shalt  }
0x51: {  	_ =	shalt  }
0x52: {  	_ =	shalt  }
0x53: {  	_ =	shalt  }
0x54: {  	_ =	shalt  }
0x55: {  	_ =	shalt  }
0x56: {  	_ =	shalt  }
0x57: {  	_ =	shalt  }
0x58: {  	_ =	shalt  }
0x59: {  	_ =	shalt  }
0x5a: {  	_ =	shalt  }
0x5b: {  	_ =	shalt  }
0x5c: {  	_ =	shalt  }
0x5d: {  	_ =	shalt  }
0x5e: {  	_ =	shalt  }
0x5f: {  	_ =	shalt  }
0x60: {  	_ =	shalt  }
0x61: {  	_ =	shalt  }
0x62: {  	_ =	shalt  }
0x63: {  	_ =	shalt  }
0x64: {  	_ =	shalt  }
0x65: {  	_ =	shalt  }
0x66: {  	_ =	shalt  }
0x67: {  	_ =	shalt  }
0x68: {  	_ =	shalt  }
0x69: {  	_ =	shalt  }
0x6a: {  	_ =	shalt  }
0x6b: {  	_ =	shalt  }
0x6c: {  	_ =	shalt  }
0x6d: {  	_ =	shalt  }
0x6e: {  	_ =	shalt  }
0x6f: {  	_ =	shalt  }
0x70: {  	_ =	shalt  }
0x71: {  	_ =	shalt  }
0x72: {  	_ =	shalt  }
0x73: {  	_ =	shalt  }
0x74: {  	_ =	shalt  }
0x75: {  	_ =	shalt  }
0x76: {  	_ =	shalt  }
0x77: {  	_ =	shalt  }
0x78: {  	_ =	shalt  }
0x79: {  	_ =	shalt  }
0x7a: {  	_ =	shalt  }
0x7b: {  	_ =	shalt  }
0x7c: {  	_ =	shalt  }
0x7d: {  	_ =	shalt  }
0x7e: {  	_ =	shalt  }
0x7f: {  	_ =	shalt  }
0x80: {  	_ =	shalt  }
0x81: {  	_ =	shalt  }
0x82: {  	_ =	shalt  }
0x83: {  	_ =	shalt  }
0x84: {  	_ =	shalt  }
0x85: {  	_ =	shalt  }
0x86: {  	_ =	shalt  }
0x87: {  	_ =	shalt  }
.Lfunc_end0:
.L_simem_size_0:
called_computation_lowered:
.L_overlay_start_0:
0x88: {  	s2 =	sld [smem:$0x3FD9]  }
0x89: {  	s3 =	sld [smem:$0x3FFE];
	_ =	sdelay $0x1  }
0x8a: {  	s1 =	srdreg.scid  }
0x8b: {  	s0 =	sand.u32 $0x1, s1  }
0x8c: {  	s16 =	sshll.u32 s0, $0xA;
	s2 =	sadd.s32 s3, s2  }
0x8d: {  	s2 =	sadd.s32 s2, s16  }
0x8e: {  	[smem:$0x3FBE] =	sst s2  }
0x8f: {  	_ = 	snop  }
0x90: {  	(tm) =	ssettm $0x1  }
0x91: {  	s17 =	sld [smem:$0x3FFB];
	_ =	sdelay $0x3  }
0x92: {  	_ =	strace s17  }
0x93: {  	s2 =	sld [smem:$0x3FFC];
	_ =	sdelay $0x3  }
0x94: {  	_ =	strace s2  }
0x95: {  	s2 =	sld [smem:$0x3FFD];
	_ =	sdelay $0x3  }
0x96: {  	_ =	strace s2  }
0x97: {  	_ =	strace $0x8FFFFFFF  }
0x98: {  	s18 =	sld [smem:$0x3FDB];
	_ =	sdelay $0x1  }
0x99: {  	s19 =	simm.s32 $_scs_section_size  }
0x9a: {  	s4 =	simm.s32 $_size__tile_overlayer_lowered;
	s5 =	simm.s32 $_tile_overlayer_lowered  }
0x9b: {  	s22 =	simm.s32 $0x1BFF;
	s21 =	sshll.u32 s5, $0x1;
	s2 =	sadd.s32 s19, s18  }
0x9c: {  	s6 =	simm.s32 $0x0;
	s20 =	sshll.u32 s4, $0x1;
	s4 =	sadd.s32 s21, s2  }
0x9d: {  	[timem:s6], [sflag:s22] =	dma.local [hbm:s4], s20  }
0x9e: {  	_ =	swait.ge [sflag:s22], s20  }
0x9f: {  	s3 =	ssub.s32 $0x0, s20;
	[sflag:s22] =	ssyncset.done $0x0  }
0xa0: {  	[sflag:s22] =	ssyncadd.s32 s3;
	_ =	sdelay $0x1  }
0xa1: {  	s23 =	simm.s32 $0x1B8B  }
0xa2: {  	_ =	swait.ge [sflag:s23], $0x1  }
0xa3: {  	[sflag:s23] =	ssyncset.done $0x0  }
0xa4: {  	s25 =	simm.s32 $0x1B8E;
	s24 =	sld [smem:$0x3FFE];
	[sflag:s23] =	ssyncadd.s32 $0xFFFFFFFF  }
0xa5: {  	s26 =	simm.s32 $execute0_lowered;
	[smem:$0x3FD2] =	sst s25  }
0xa6: {  	s4 =	sshll.u32 s26, $0x1;
	_ =	strace $0x80000046;
	[dreg:$0x1] =	wrdreg $0xFFFFFFFF  }
0xa7: {  	s28 =	simm.s32 $_size_execute0_lowered;
	s2 =	sadd.s32 s2, s4;
	[dreg:$0x0] =	wrdreg $0x0  }
0xa8: {  	s4 =	sshll.u32 s28, $0x1;
	[dreg:$0x2] =	wrdreg s2  }
0xa9: {  	[dreg:$0x3] =	wrdreg s4  }
0xaa: {  	[dreg:$0x4] =	wrdreg $0xC0  }
0xab: {  	_ =	task [dreg:s6], $0x5FFFF  }
0xac: {  	[dreg:$0x1] =	wrdreg $0xFFFFFFFF  }
0xad: {  	[dreg:$0x0] =	wrdreg $0x60  }
0xae: {  	[dreg:$0x2] =	wrdreg s24  }
0xaf: {  	[dreg:$0x3] =	wrdreg $0x98000  }
0xb0: {  	[dreg:$0x4] =	wrdreg $0x9  }
0xb1: {  	_ =	task.clear_ibuf [dreg:s6], $0x5FFFF;
	_ =	strace $0x90000046  }
0xb2: {  	s29 =	simm.s32 $0x9;
	_ =	strace $0x8000004B  }
0xb3: {  	_ =	swait.ge [sflag:s29], $0x1  }
0xb4: {  	[sflag:s29] =	ssyncadd.s32 $0xFFFFFFFF  }
0xb5: {  	_ =	strace $0x9000004B  }
0xb6: {  	_ =	sfence  }
0xb7: {  	s30 =	sld [smem:$0x0];
	_ =	sdelay $0x2  }
0xb8: {  	s31 =	sshll.u32 s1, $0xD;
	s1 =	sshrl.u32 s1, $0x2  }
0xb9: {  	s3 =	sand.u32 $0x4000, s31;
	s1 =	sadd.s32 s1, s30  }
0xba: {  	s0 =	sor.u32 s3, s0;
	s1 =	sshll.u32 s1, $0x11  }
0xbb: {  	s0 =	sor.u32 s1, s0  }
0xbc: {  	s0 =	sadd.s32 $0x8F2B, s0  }
0xbd: {  	[sflag:s0] =	ssyncadd.remote.s32 $0x1  }
0xbe: {  	_ =	sfence.sel $0xFFFF  }
0xbf: {  	[dreg:$0x0] =	wrdreg $0xFFFFFFFF;
	(pc) =	sbr.abs _section_cstart, $3  }
0xc0: {  	[dreg:$0x1] =	wrdreg $0xFFFFFFFF  }
0xc1: {  	_ =	task.clear_ibuf [dreg:s6], $0x2FFFF;
	_ =	strace $0x9FFFFFFF  }
0xc2: {  	(tm) =	ssettm $0x7FFFFFFF  }
0xc3: {  	_ =	shalt  }
tec
execute0_lowered:
.L_overlay_start_1:
0x0: {  	(tag) =	ssettag $0x1  }
0x1: {  	s0 =	rddreg [dreg:$0x0]  }
0x2: {  	s1 =	rddreg [dreg:$0x1];
	s3 =	simm.s32 $0x0;
	s4 =	srdreg.scid  }
0x3: {  	s18 =	stileid.u32;
	s19 =	simm.s32 $0x3;
	s20 =	simm.s32 $0xC00  }
0x4: {  	s21 =	simm.s32 $0x80;
	s29 =	simm.s32 $0x0;
	[smem:$0x7FF] =	sst s3  }
0x5: {  	s9 =	sand.u32 $0x1, s4;
	s7 =	smul.u32 $0x4E000, s18;
	s4 =	sadd.s32 $0x3000, s0  }
0x6: {  	s5 =	sadd.s32 $0x2A200, s0;
	s6 =	sadd.s32 $0x34400, s0;
	s15 =	smul.u32 $0x50, s18  }
0x7: {  	s13 =	sshll.u32 s18, $0xA;
	s30 =	sshll.u32 s18, $0x3;
	s31 =	smul.u32 $0x2700, s18  }
0x8: {  	_ =	strace $0x80000047;
	s10 =	smul.u32 $0x27100, s9;
	s11 =	ssub.s32 $0x2, s9  }
0x9: {  	s14 =	sadd.s32 s13, s1;
	p0 =	seq.s32 s9, $0x0;
	s9 =	sor.u32 $0x2700, s30  }
0xa: {  	s7 =	sshrl.u32 s7, $0x2;
	s22 =	sshrl.u32 s11, $0x1;
	s13 =	sadd.s32 $0x500, s15  }
0xb: {  	s14 =	sadd.s32 $0x138000, s14;
	s16 =	sshll.u32 s9, $0x7;
	s9 =	sshll.u32 s9, $0x4  }
0xc: {  	s0 =	sadd.s32 s10, s0;
	s7 =	sadd.s32 s7, s1;
	s10 =	ssub.s32 s11, s22  }
0xd: {  	s13 =	smov.u32 @p0 s15;
	s17 =	sadd.s32 s16, s1;
	p0 =	sgt.u32 s18, $0x1  }
0xe: {  	s18 =	simm.s32 $0x1800;
	s22 =	simm.s32 $0x5800;
	s23 =	sadd.s32 $0x3400, s7  }
0xf: {  	s24 =	sadd.s32 $0x6800, s7;
	s25 =	sadd.s32 $0x9C00, s7;
	[dreg:$0x3] =	wrdreg s23  }
0x10: {  	s26 =	sadd.s32 $0xD000, s7;
	s12 =	sadd.s32 $0x10400, s7;
	[dreg:$0x4] =	wrdreg s24  }
0x11: {  	s0 =	sadd.s32 $0x3E600, s0;
	s16 =	smax.u32 s10, $0x1;
	[dreg:$0x5] =	wrdreg s25  }
0x12: {  	s28 =	sshrl.u32 @!p0 s17, $0x3;
	[dreg:$0x6] =	wrdreg s26;
	s23 =	simm.s32 $0x1  }
0x13: {  	v0 =	vimm.f32 $0.0e+00;
	s24 =	sadd.s32 s31, s0;
	s25 =	sadd.s32 @!p0 s9, s0;
	s26 =	simm.s32 $0x2  }
.LBB2_1:
0x14: {  	s0 =	sand.u32 $0xFE00, s3  }
0x15: {  	_ =	strace $0x80000048;
	s9 =	sand.u32 $0x70, s3;
	s10 =	sshrl.u32 s0, $0x2  }
0x16: {  	s0 =	simm.s32 $0x40;
	s10 =	sor.u32 s9, s10;
	s9 =	simm.s32 $0x0  }
.LBB2_2:
0x17: {  	p1 =	sne.s32 s0, $0xCFC0  }
0x18: {  	[tilespmem:s10+$0x1800] =	vst v0;
	s9 =	sadd.s32 $0x10, s9;
	s10 =	smov.u32 s0;
	s0 =	sadd.s32 $0x40, s0  }
.Ltmp0:
0x19: {  	(pc) =	sbr.rel @p1 .LBB2_2-.Ltmp0, $4  }
0x1a: {  	_ = 	snop  }
0x1b: {  	s10 =	sand.u32 $0xFE00, s10  }
0x1c: {  	s15 =	sand.u32 $0x70, s9;
	s10 =	sshrl.u32 s10, $0x2  }
0x1d: {  	s10 =	sor.u32 s15, s10  }
0x1e: {  	[tilespmem:s10+$0x1800] =	vst v0  }
0x1f: {  	[spmem:s7] =	stream.linear.scatter [tilespmem:s18], [sflag:$0x3], $0x3400, $0x200038;
	[tilespmem:$0x1D100] =	vst v63  }
0x20: {  	_ =	swait.ge [sflag:s19], $0x3400  }
0x21: {  	[sflag:s19] =	ssyncset.done $0x0  }
0x22: {  	s0 =	rddreg [dreg:$0x3];
	[sflag:s19] =	ssyncadd.s32 $0xFFFFCC00  }
0x23: {  	[spmem:s0] =	stream.linear.scatter [tilespmem:s18], [sflag:$0x3], $0x3400, $0x200038;
	[tilespmem:$0x1D100] =	vst v63  }
0x24: {  	_ =	swait.ge [sflag:s19], $0x3400  }
0x25: {  	[sflag:s19] =	ssyncset.done $0x0  }
0x26: {  	s11 =	rddreg [dreg:$0x4];
	[sflag:s19] =	ssyncadd.s32 $0xFFFFCC00  }
0x27: {  	[spmem:s11] =	stream.linear.scatter [tilespmem:s18], [sflag:$0x3], $0x3400, $0x200038;
	[tilespmem:$0x1D100] =	vst v63  }
0x28: {  	_ =	swait.ge [sflag:s19], $0x3400  }
0x29: {  	[sflag:s19] =	ssyncset.done $0x0  }
0x2a: {  	s15 =	rddreg [dreg:$0x5];
	[sflag:s19] =	ssyncadd.s32 $0xFFFFCC00  }
0x2b: {  	[spmem:s15] =	stream.linear.scatter [tilespmem:s18], [sflag:$0x3], $0x3400, $0x200038;
	[tilespmem:$0x1D100] =	vst v63  }
0x2c: {  	_ =	swait.ge [sflag:s19], $0x3400  }
0x2d: {  	[sflag:s19] =	ssyncset.done $0x0  }
0x2e: {  	s17 =	rddreg [dreg:$0x6];
	[sflag:s19] =	ssyncadd.s32 $0xFFFFCC00  }
0x2f: {  	[spmem:s17] =	stream.linear.scatter [tilespmem:s18], [sflag:$0x3], $0x3400, $0x200038;
	[tilespmem:$0x1D100] =	vst v63  }
0x30: {  	_ =	swait.ge [sflag:s19], $0x3400  }
0x31: {  	[sflag:s19] =	ssyncset.done $0x0  }
0x32: {  	[sflag:s19] =	ssyncadd.s32 $0xFFFFCC00  }
0x33: {  	[spmem:s12] =	stream.linear.scatter [tilespmem:s18], [sflag:$0x3], $0x3400, $0x200038;
	[tilespmem:$0x1D100] =	vst v63  }
0x34: {  	_ =	swait.ge [sflag:s19], $0x3400  }
0x35: {  	[sflag:s19] =	ssyncset.done $0x0  }
0x36: {  	s0 =	simm.s32 @!p0 $0x1800;
	[sflag:s19] =	ssyncadd.s32 $0xFFFFCC00  }
0x37: {  	[spmem:s14] =	stream.linear.scatter @!p0 [tilespmem:s0], [sflag:$0x3], $0x400, $0x200038;
	[tilespmem:$0x1D100] =	vst v63  }
0x38: {  	s0 =	simm.s32 @!p0 $0x3  }
0x39: {  	_ =	swait.ge @!p0 [sflag:s0], $0x400  }
0x3a: {  	[sflag:s0] =	ssyncset.done @!p0 $0x0  }
0x3b: {  	[sflag:s0] =	ssyncadd.s32 @!p0 $0xFFFFFC00  }
0x3c: {  	[bflag:$0x0] =	sbarrier.arrive $0xFFFF  }
0x3d: {  	_ =	strace $0x90000048  }
0x3e: {  	s30 =	simm.s32 $0x0;
	s31 =	simm.s32 $0x50;
	_ =	strace $0x80000049  }
.LBB2_4:
0x3f: {  	s0 =	smul.u32 $0x18, s30;
	_ =	sdelay $0x1  }
0x40: {  	s9 =	sadd.s32 s13, s0  }
0x41: {  	s9 =	sshll.u32 s9, $0x4  }
0x42: {  	s10 =	sadd.s32 s5, s9  }
0x43: {  	[tilespmem:s3], [sflag:$0x3] =	stream.linear.gather [hbm4b:s10+s3], $0xC00, $0x200038;
	[tilespmem:$0x1D100] =	vst v63  }
0x44: {  	_ =	swait.ge [sflag:s19], $0xC00  }
0x45: {  	[sflag:s19] =	ssyncset.done $0x0  }
0x46: {  	s17 =	smin.u32 s31, $0x18;
	s9 =	sadd.s32 s6, s9;
	[sflag:s19] =	ssyncadd.s32 $0xFFFFF400  }
0x47: {  	[tilespmem:s20], [sflag:$0x3] =	stream.linear.gather [hbm4b:s9+s3], $0xC00, $0x200038;
	[tilespmem:$0x1D100] =	vst v63  }
0x48: {  	s9 =	sshrl.u32 s17, $0x1  }
0x49: {  	s9 =	sadd.s32 $0xFFFFFFFF, s9  }
0x4a: {  	s10 =	sadd.s32 $0xFFFFFFFF, s9  }
0x4b: {  	p2 =	sne.s32 s10, $0x0  }
.Ltmp1:
0x4c: {  	_ = 	snop;
	(pc) =	sbr.rel @!p2 .LBB2_8-.Ltmp1, $4  }
0x4d: {  	s15 =	simm.s32 $0xC80;
	s0 =	ssub.s32 $0x50, s0;
	_ =	swait.ge [sflag:s19], $0xC00  }
0x4e: {  	p1 =	por $0x0, $0x0;
	s0 =	smin.u32 s0, $0x18;
	[sflag:s19] =	ssyncset.done $0x0  }
0x4f: {  	s17 =	simm.s32 $0x100;
	s9 =	simm.s32 $0x2;
	[sflag:s19] =	ssyncadd.s32 $0xFFFFF400  }
0x50: {  	[tilespmem:s18], [sflag:$0x1] =	stream.indirect.gather [hbm4b:s4+s21], $0x80, s3, s21, $0x2000b8;
	[tilespmem:$0x1D100] =	vst v63  }
0x51: {  	s9 =	simm.s32 $0x80  }
0x52: {  	[tilespmem:s22], [sflag:$0x2] =	stream.indirect.gather [hbm4b:s4+s21], $0x80, s9, s21, $0x2000b8;
	[tilespmem:$0x1D100] =	vst v63  }
0x53: {  	_ =	swait.ge [sflag:s23], $0x4000  }
0x54: {  	[sflag:s23] =	ssyncset.done $0x0  }
0x55: {  	s11 =	simm.s32 $0xC00;
	[sflag:s23] =	ssyncadd.s32 $0xFFFFC000  }
0x56: {  	[spmem:s1] =	stream.indirect.scatter.add.f32 [tilespmem:s18], [sflag:$0x3], $0x80, s11, s21, $0x2000b8;
	[tilespmem:$0x1D100] =	vst v63  }
0x57: {  	_ =	swait.ge [sflag:s19], $0x4000  }
0x58: {  	p1 =	sle.u32 s0, $0x2;
	s10 =	sadd.s32 $0xFFFFFFFF, s10;
	[sflag:s19] =	ssyncset.done $0x0  }
0x59: {  	s9 =	simm.s32 @!p1 $0x80;
	s11 =	simm.s32 @!p1 $0x1800;
	[sflag:s19] =	ssyncadd.s32 $0xFFFFC000  }
0x5a: {  	[tilespmem:s11], [sflag:$0x1] =	stream.indirect.gather @!p1 [hbm4b:s4+s9], $0x80, s17, s9, $0x2000b8;
	[tilespmem:$0x1D100] =	vst v63  }
0x5b: {  	p2 =	sne.s32 s10, $0x0;
	_ =	swait.ge [sflag:s26], $0x4000  }
.Ltmp2:
0x5c: {  	[sflag:s26] =	ssyncset.done $0x0;
	(pc) =	sbr.rel @!p2 .LBB2_8-.Ltmp2, $4  }
0x5d: {  	[sflag:s26] =	ssyncadd.s32 $0xFFFFC000  }
0x5e: {  	[spmem:s1] =	stream.indirect.scatter.add.f32 [tilespmem:s22], [sflag:$0x3], $0x80, s15, s21, $0x2000b8;
	[tilespmem:$0x1D100] =	vst v63  }
0x5f: {  	s17 =	simm.s32 $0x200;
	s9 =	simm.s32 $0x4;
	_ =	swait.ge [sflag:s19], $0x4000  }
0x60: {  	p1 =	por $0x1, $0x1;
	s15 =	simm.s32 $0xD80;
	[sflag:s19] =	ssyncset.done $0x0  }
.LBB2_6:
0x61: {  	s10 =	sadd.s32 $0xFFFFFFFF, s10;
	s2 =	sadd.s32 $0xFFFFFF80, s17;
	[sflag:s19] =	ssyncadd.s32 $0xFFFFC000  }
0x62: {  	[tilespmem:s22], [sflag:$0x2] =	stream.indirect.gather [hbm4b:s4+s21], $0x80, s2, s21, $0x2000b8;
	[tilespmem:$0x1D100] =	vst v63  }
0x63: {  	p2 =	sne.s32 s10, $0x0;
	_ =	swait.ge [sflag:s23], $0x4000  }
0x64: {  	[sflag:s23] =	ssyncset.done $0x0  }
0x65: {  	s2 =	sadd.s32 $0xFFFFFF80, s15;
	[sflag:s23] =	ssyncadd.s32 $0xFFFFC000  }
0x66: {  	[spmem:s1] =	stream.indirect.scatter.add.f32 [tilespmem:s18], [sflag:$0x3], $0x80, s2, s21, $0x2000b8;
	[tilespmem:$0x1D100] =	vst v63  }
0x67: {  	_ =	swait.ge [sflag:s19], $0x4000  }
0x68: {  	p3 =	sge.u32 s9, s0;
	[sflag:s19] =	ssyncset.done $0x0  }
0x69: {  	s8 =	simm.s32 @!p3 $0x1800;
	s2 =	simm.s32 @!p3 $0x80;
	[sflag:s19] =	ssyncadd.s32 $0xFFFFC000  }
0x6a: {  	[tilespmem:s8], [sflag:$0x1] =	stream.indirect.gather @!p3 [hbm4b:s4+s2], $0x80, s17, s2, $0x2000b8;
	[tilespmem:$0x1D100] =	vst v63  }
0x6b: {  	_ =	swait.ge [sflag:s26], $0x4000  }
.Ltmp3:
0x6c: {  	[sflag:s26] =	ssyncset.done $0x0;
	(pc) =	sbr.rel @p2 .LBB2_6-.Ltmp3, $4  }
0x6d: {  	s9 =	sadd.s32 $0x2, s9;
	[sflag:s26] =	ssyncadd.s32 $0xFFFFC000  }
0x6e: {  	[spmem:s1] =	stream.indirect.scatter.add.f32 [tilespmem:s22], [sflag:$0x3], $0x80, s15, s21, $0x2000b8;
	[tilespmem:$0x1D100] =	vst v63  }
0x6f: {  	s2 =	sadd.s32 $0x100, s15;
	s8 =	sadd.s32 $0x100, s17;
	_ =	swait.ge [sflag:s19], $0x4000  }
0x70: {  	s17 =	smov.u32 s8;
	s15 =	smov.u32 s2;
	[sflag:s19] =	ssyncset.done $0x0  }
0x71: {  	s17 =	smov.u32 s8;
	s15 =	smov.u32 s2  }
.LBB2_8:
0x72: {  	s10 =	sadd.s32 $0xFFFFFF80, s17;
	[sflag:s19] =	ssyncadd.s32 @p1 $0xFFFFC000  }
0x73: {  	[tilespmem:s22], [sflag:$0x2] =	stream.indirect.gather [hbm4b:s4+s21], $0x80, s10, s21, $0x2000b8;
	[tilespmem:$0x1D100] =	vst v63  }
0x74: {  	_ =	swait.ge [sflag:s23], $0x4000  }
0x75: {  	[sflag:s23] =	ssyncset.done $0x0  }
0x76: {  	s11 =	sadd.s32 $0xFFFFFF80, s15;
	[sflag:s23] =	ssyncadd.s32 $0xFFFFC000  }
0x77: {  	[spmem:s1] =	stream.indirect.scatter.add.f32 [tilespmem:s18], [sflag:$0x3], $0x80, s11, s21, $0x2000b8;
	[tilespmem:$0x1D100] =	vst v63  }
0x78: {  	_ =	swait.ge [sflag:s19], $0x4000  }
0x79: {  	p1 =	sge.u32 s9, s0;
	[sflag:s19] =	ssyncset.done $0x0  }
0x7a: {  	s10 =	simm.s32 @!p1 $0x80;
	s11 =	simm.s32 @!p1 $0x1800;
	[sflag:s19] =	ssyncadd.s32 $0xFFFFC000  }
0x7b: {  	[tilespmem:s11], [sflag:$0x1] =	stream.indirect.gather @!p1 [hbm4b:s4+s10], $0x80, s17, s10, $0x2000b8;
	[tilespmem:$0x1D100] =	vst v63  }
0x7c: {  	_ =	swait.ge [sflag:s26], $0x4000  }
0x7d: {  	[sflag:s26] =	ssyncset.done $0x0  }
0x7e: {  	[sflag:s26] =	ssyncadd.s32 $0xFFFFC000  }
0x7f: {  	[spmem:s1] =	stream.indirect.scatter.add.f32 [tilespmem:s22], [sflag:$0x3], $0x80, s15, s21, $0x2000b8;
	[tilespmem:$0x1D100] =	vst v63  }
0x80: {  	_ =	swait.ge [sflag:s19], $0x4000  }
0x81: {  	[sflag:s19] =	ssyncset.done $0x0  }
0x82: {  	s11 =	sadd.s32 $0x80, s8;
	[sflag:s19] =	ssyncadd.s32 $0xFFFFC000  }
0x83: {  	[tilespmem:s22], [sflag:$0x2] =	stream.indirect.gather [hbm4b:s4+s21], $0x80, s11, s21, $0x2000b8;
	[tilespmem:$0x1D100] =	vst v63  }
0x84: {  	_ =	swait.ge [sflag:s23], $0x4000  }
0x85: {  	[sflag:s23] =	ssyncset.done $0x0  }
0x86: {  	s11 =	sadd.s32 $0x80, s2;
	[sflag:s23] =	ssyncadd.s32 $0xFFFFC000  }
0x87: {  	[spmem:s1] =	stream.indirect.scatter.add.f32 [tilespmem:s18], [sflag:$0x3], $0x80, s11, s21, $0x2000b8;
	[tilespmem:$0x1D100] =	vst v63  }
0x88: {  	s11 =	sadd.s32 $0x2, s9;
	_ =	swait.ge [sflag:s19], $0x4000  }
0x89: {  	s10 =	sadd.s32 $0x100, s17;
	p1 =	sge.u32 s11, s0;
	[sflag:s19] =	ssyncset.done $0x0  }
0x8a: {  	s0 =	simm.s32 @!p1 $0x80;
	s9 =	simm.s32 @!p1 $0x1800;
	[sflag:s19] =	ssyncadd.s32 $0xFFFFC000  }
0x8b: {  	[tilespmem:s9], [sflag:$0x1] =	stream.indirect.gather @!p1 [hbm4b:s4+s0], $0x80, s10, s0, $0x2000b8;
	[tilespmem:$0x1D100] =	vst v63  }
0x8c: {  	s30 =	sadd.s32 $0x1, s30;
	_ =	swait.ge [sflag:s26], $0x4000  }
0x8d: {  	p1 =	sne.s32 s30, $0x4;
	[sflag:s26] =	ssyncset.done $0x0  }
.Ltmp4:
0x8e: {  	s17 =	sadd.s32 $0x100, s15;
	[sflag:s26] =	ssyncadd.s32 $0xFFFFC000;
	(pc) =	sbr.rel @p1 .LBB2_4-.Ltmp4, $4  }
0x8f: {  	[spmem:s1] =	stream.indirect.scatter.add.f32 [tilespmem:s22], [sflag:$0x3], $0x80, s17, s21, $0x2000b8;
	[tilespmem:$0x1D100] =	vst v63  }
0x90: {  	_ =	swait.ge [sflag:s19], $0x4000  }
0x91: {  	[sflag:s19] =	ssyncset.done $0x0  }
0x92: {  	s31 =	sadd.s32 $0xFFFFFFE8, s31;
	[sflag:s19] =	ssyncadd.s32 $0xFFFFC000  }
0x93: {  	[bflag:$0x0] =	sbarrier.arrive $0xFFFF;
	s0 =	stileid.u32  }
0x94: {  	_ =	strace $0x90000049;
	s0 =	sshll.u32 s0, $0x6  }
0x95: {  	s9 =	sshrl.u32 s7, $0x3;
	_ =	strace $0x8000004A;
	s0 =	sor.u32 $0x1C03, s0  }
0x96: {  	[hbm:s24], [sflag:s0] =	dma.local [spmem:s9], $0x2700  }
0x97: {  	_ =	swait.ge [sflag:s19], $0x2700  }
0x98: {  	s29 =	sadd.s32 $0x1, s29;
	[sflag:s19] =	ssyncset.done $0x0  }
0x99: {  	p1 =	sne.s32 s29, s16;
	[sflag:s19] =	ssyncadd.s32 $0xFFFFD900  }
0x9a: {  	[hbm:s25], [sflag:s0] =	dma.local @!p0 [spmem:s28], $0x80  }
.Ltmp5:
0x9b: {  	s0 =	simm.s32 @!p0 $0x3;
	(pc) =	sbr.rel @p1 .LBB2_1-.Ltmp5, $4  }
0x9c: {  	_ =	swait.ge @!p0 [sflag:s0], $0x80  }
0x9d: {  	[sflag:s0] =	ssyncset.done @!p0 $0x0  }
0x9e: {  	[sflag:s0] =	ssyncadd.s32 @!p0 $0xFFFFFF80  }
0x9f: {  	_ =	strace $0x9000004A  }
0xa0: {  	_ =	sfence.sel $0x180000  }
0xa1: {  	[bflag:$0x0] =	sbarrier.arrive $0xFFFF  }
0xa2: {  	_ =	strace $0x90000047  }
0xa3: {  	s0 =	stileid.u32;
	[bflag:$0x2] =	sbarrier.arrive $0xFFFF  }
0xa4: {  	p0 =	sne.s32 s0, $0x0;
	s0 =	rddreg [dreg:$0x2]  }
0xa5: {  	s0 =	sadd.s32 @!p0 $0x100000, s0  }
0xa6: {  	[sflag:s0] =	ssyncadd.tile.s32 @!p0 $0x1;
	_ =	shalt  }
.Lfunc_end2:
_tile_overlayer_lowered:
.L_overlay_start_2:
0xa7: {  	(tag) =	ssettag $0x2  }
0xa8: {  	s0 =	rddreg [dreg:$0x0];
	s2 =	stileid.u32  }
0xa9: {  	s1 =	rddreg [dreg:$0x1];
	p0 =	sne.s32 s2, $0x0  }
0xaa: {  	s3 =	rddreg [dreg:$0x2];
	[bflag:$0x3] =	sbarrier.arrive $0xFFFF;
	s2 =	simm.s32 @!p0 $0x1C03  }
0xab: {  	[timem:s3], [sflag:s2] =	dma.local @!p0 [hbm:s0], s1  }
0xac: {  	s0 =	simm.s32 @!p0 $0x3  }
0xad: {  	_ =	swait.ge @!p0 [sflag:s0], s1  }
0xae: {  	s1 =	ssub.s32 @!p0 $0x0, s1;
	[sflag:s0] =	ssyncset.done @!p0 $0x0  }
0xaf: {  	[sflag:s0] =	ssyncadd.s32 @!p0 s1  }
0xb0: {  	[bflag:$0x3] =	sbarrier.arrive $0xFFFF  }
0xb1: {  	_ =	shalt  }

</sc_bundles>
